<compile_context>
chip_gen: v7x
topology: tpu7x:2x2x1
jax: 0.10.2.dev20260603
libtpu: 0.0.44.dev20260713+nightly
codegen_flags: <defaults>
</compile_context>

<pallas_src>
import functools

import jax
import jax.numpy as jnp
from jax import lax
from jax.experimental import pallas as pl
from jax.experimental.pallas import tpu as pltpu
from jax.experimental.pallas import tpu_sc as plsc

N_NODES = 10000
NPAD = 10240
IN_CH = 128
HID_CH = 256
OUT_CH = 128
N_EDGES = 320000

NC = 2
NS = 16
SLAB = NPAD // NS

CH = 80
NCH_DEG = N_EDGES // (NC * NS * CH)
CHA = 125
NCH_AGG = N_EDGES // (NS * CHA)
NBUF = 4

_MESH = dict(core_axis_name="c", subcore_axis_name="s")


def _deg_call(dst32):

    @functools.partial(
        pl.kernel,
        out_type=jax.ShapeDtypeStruct((NC, NPAD), jnp.float32),
        mesh=plsc.VectorSubcoreMesh(**_MESH),
        scratch_types=[
            pltpu.VMEM((NCH_DEG, CH), jnp.int32),
            pltpu.VMEM((CH,), jnp.float32),
            pltpu.VMEM((SLAB,), jnp.float32),
            pltpu.VMEM_SHARED((NPAD,), jnp.float32),
        ],
        compiler_params=pltpu.CompilerParams(use_tc_tiling_on_sc=False),
    )
    def deg_k(dst_hbm, out_hbm, idx_v, ones_v, z_v, acc_sh):
        cid = lax.axis_index("c")
        sid = lax.axis_index("s")
        w = cid * NS + sid
        for i in range(CH // 16):
            ones_v[pl.ds(i * 16, 16)] = jnp.ones((16,), jnp.float32)
        for i in range(SLAB // 16):
            z_v[pl.ds(i * 16, 16)] = jnp.zeros((16,), jnp.float32)
        pltpu.sync_copy(z_v, acc_sh.at[pl.ds(sid * SLAB, SLAB)])
        pltpu.sync_copy(dst_hbm.at[w], idx_v)
        plsc.subcore_barrier()

        def body(j, carry):
            pltpu.sync_copy(ones_v, acc_sh.at[idx_v.at[j]], add=True)
            return carry

        lax.fori_loop(0, NCH_DEG, body, 0)
        plsc.subcore_barrier()
        pltpu.sync_copy(acc_sh.at[pl.ds(sid * SLAB, SLAB)],
                        out_hbm.at[cid, pl.ds(sid * SLAB, SLAB)])

    return deg_k(dst32)


def _agg_call(ya, yb, src16, dst16, d):

    @functools.partial(
        pl.kernel,
        out_type=jax.ShapeDtypeStruct((NC, NPAD, d), jnp.float32),
        mesh=plsc.VectorSubcoreMesh(**_MESH),
        scratch_types=[
            pltpu.VMEM((NCH_AGG, CHA), jnp.int32),
            pltpu.VMEM((NCH_AGG, CHA), jnp.int32),
            pltpu.VMEM((CHA, d), jnp.float32),
            pltpu.VMEM((CHA, d), jnp.float32),
            pltpu.VMEM_SHARED((NPAD, d), jnp.float32),
            pltpu.SemaphoreType.DMA,
            pltpu.SemaphoreType.DMA,
        ],
        compiler_params=pltpu.CompilerParams(use_tc_tiling_on_sc=False),
    )
    def agg_k(ya_hbm, yb_hbm, src_hbm, dst_hbm, out_hbm,
              src_v, dst_v, rows0, rows1, acc_sh, sem0, sem1):
        cid = lax.axis_index("c")
        sid = lax.axis_index("s")
        pltpu.sync_copy(src_hbm.at[sid], src_v)
        pltpu.sync_copy(dst_hbm.at[sid], dst_v)

        def run(tbl):
            pltpu.sync_copy(tbl.at[pl.ds(sid * SLAB, SLAB)],
                            acc_sh.at[pl.ds(sid * SLAB, SLAB)])
            plsc.subcore_barrier()
            pltpu.async_copy(tbl.at[src_v.at[0]], rows0, sem0)

            def body(g, carry):
                j0 = 2 * g
                j1 = j0 + 1
                pltpu.async_copy(tbl.at[src_v.at[j1]], rows1, sem1)
                pltpu.make_async_copy(tbl.at[src_v.at[j0]], rows0, sem0).wait()
                pltpu.sync_copy(rows0, acc_sh.at[dst_v.at[0]], add=True)

                @pl.when(j0 + 2 < NCH_AGG)
                def _():
                    pltpu.async_copy(tbl.at[src_v.at[j0 + 2]], rows0, sem0)

                pltpu.make_async_copy(tbl.at[src_v.at[j1]], rows1, sem1).wait()
                pltpu.sync_copy(rows1, acc_sh.at[dst_v.at[0]], add=True)
                return carry

            lax.fori_loop(0, NCH_AGG // 2, body, 0)

        @pl.when(cid == 0)
        def _():
            run(ya_hbm)

        @pl.when(cid == 1)
        def _():
            run(yb_hbm)

        plsc.subcore_barrier()
        pltpu.sync_copy(acc_sh.at[pl.ds(sid * SLAB, SLAB)],
                        out_hbm.at[cid, pl.ds(sid * SLAB, SLAB)])

    return agg_k(ya, yb, src16, dst16)


_R = 512


def _mm1_call(xpad, W1, deg):
    Q = HID_CH // 4

    def body(x_ref, w_ref, deg_ref, q0_ref, q1_ref, q2_ref, q3_ref, dinv_ref):
        d = deg_ref[0] + deg_ref[1] + 1.0
        dinv = lax.rsqrt(d)
        y = jnp.dot(x_ref[...], w_ref[...],
                    preferred_element_type=jnp.float32) * dinv
        q0_ref[...] = y[:, 0 * Q: 1 * Q]
        q1_ref[...] = y[:, 1 * Q: 2 * Q]
        q2_ref[...] = y[:, 2 * Q: 3 * Q]
        q3_ref[...] = y[:, 3 * Q: 4 * Q]
        dinv_ref[...] = dinv

    qspec = pl.BlockSpec((_R, Q), lambda i: (i, 0))
    qshape = jax.ShapeDtypeStruct((NPAD, Q), jnp.float32)
    return pl.pallas_call(
        body,
        grid=(NPAD // _R,),
        in_specs=[
            pl.BlockSpec((_R, IN_CH), lambda i: (i, 0)),
            pl.BlockSpec((IN_CH, HID_CH), lambda i: (0, 0)),
            pl.BlockSpec((NC, _R, 1), lambda i: (0, i, 0)),
        ],
        out_specs=[qspec, qspec, qspec, qspec,
                   pl.BlockSpec((_R, 1), lambda i: (i, 0))],
        out_shape=[qshape, qshape, qshape, qshape,
                   jax.ShapeDtypeStruct((NPAD, 1), jnp.float32)],
    )(xpad, W1, deg)


def _mm2_call(a0, a1, a2, a3, dinv, b1r, W2):
    Q = HID_CH // 4

    def body(a0_ref, a1_ref, a2_ref, a3_ref, dinv_ref, b1_ref, w_ref,
             ya_ref, yb_ref):
        dinv = dinv_ref[...]
        acc = jnp.concatenate(
            [a0_ref[...], a1_ref[...], a2_ref[...], a3_ref[...]], axis=1)
        h = jax.nn.relu(acc * dinv + b1_ref[...])
        y2 = jnp.dot(h, w_ref[...], preferred_element_type=jnp.float32) * dinv
        ya_ref[...] = y2[:, : OUT_CH // 2]
        yb_ref[...] = y2[:, OUT_CH // 2:]

    qspec = pl.BlockSpec((_R, Q), lambda i: (i, 0))
    return pl.pallas_call(
        body,
        grid=(NPAD // _R,),
        in_specs=[
            qspec, qspec, qspec, qspec,
            pl.BlockSpec((_R, 1), lambda i: (i, 0)),
            pl.BlockSpec((1, HID_CH), lambda i: (0, 0)),
            pl.BlockSpec((HID_CH, OUT_CH), lambda i: (0, 0)),
        ],
        out_specs=[
            pl.BlockSpec((_R, OUT_CH // 2), lambda i: (i, 0)),
            pl.BlockSpec((_R, OUT_CH // 2), lambda i: (i, 0)),
        ],
        out_shape=[
            jax.ShapeDtypeStruct((NPAD, OUT_CH // 2), jnp.float32),
            jax.ShapeDtypeStruct((NPAD, OUT_CH // 2), jnp.float32),
        ],
    )(a0, a1, a2, a3, dinv, b1r, W2)


def _fin_call(acc_a, acc_b, dinv, b2a, b2b):

    def body(aa_ref, ab_ref, dinv_ref, b2a_ref, b2b_ref, out_ref):
        dinv = dinv_ref[...]
        o1 = aa_ref[...] * dinv + b2a_ref[...]
        o2 = ab_ref[...] * dinv + b2b_ref[...]
        out_ref[...] = jnp.concatenate([o1, o2], axis=1)

    O2 = OUT_CH // 2
    return pl.pallas_call(
        body,
        grid=(NPAD // _R,),
        in_specs=[
            pl.BlockSpec((_R, O2), lambda i: (i, 0)),
            pl.BlockSpec((_R, O2), lambda i: (i, 0)),
            pl.BlockSpec((_R, 1), lambda i: (i, 0)),
            pl.BlockSpec((1, O2), lambda i: (0, 0)),
            pl.BlockSpec((1, O2), lambda i: (0, 0)),
        ],
        out_specs=pl.BlockSpec((_R, OUT_CH), lambda i: (i, 0)),
        out_shape=jax.ShapeDtypeStruct((NPAD, OUT_CH), jnp.float32),
    )(acc_a, acc_b, dinv, b2a, b2b)


def kernel(x, edge_index, W1, b1, W2, b2):
    ei = edge_index.astype(jnp.int32)
    src, dst = ei[0], ei[1]
    dst32 = dst.reshape(NC * NS, NCH_DEG, CH)
    src16 = src.reshape(NS, NCH_AGG, CHA)
    dst16 = dst.reshape(NS, NCH_AGG, CHA)
    xpad = jnp.pad(x, ((0, NPAD - N_NODES), (0, 0)))

    deg = _deg_call(dst32)
    q0, q1, q2, q3, dinv = _mm1_call(xpad, W1, deg.reshape(NC, NPAD, 1))
    accA = _agg_call(q0, q1, src16, dst16, HID_CH // 4)
    accB = _agg_call(q2, q3, src16, dst16, HID_CH // 4)
    y2a, y2b = _mm2_call(accA[0], accA[1], accB[0], accB[1], dinv,
                         b1.reshape(1, -1), W2)
    acc2 = _agg_call(y2a, y2b, src16, dst16, OUT_CH // 2)
    out = _fin_call(acc2[0], acc2[1], dinv,
                    b2[: OUT_CH // 2].reshape(1, -1),
                    b2[OUT_CH // 2:].reshape(1, -1))
    return out[:N_NODES]

# --- scband reference (transcript-rebuilt; emitter-appended) ---
"""Pipeline reference for scband-gcnencoder-84619445665914 (READ-ONLY COPY).

The authoritative reference and input builder live on the scoring server;
editing this copy changes nothing except your own understanding.
"""

import jax, jax.numpy as jnp
import numpy as np

N_NODES = 10000
IN_CH = 128
HID_CH = 256  # 2 * out_channels
OUT_CH = 128
N_EDGES = 320000


def gcn_conv(x, edge_index, W, b, num_nodes):
    # PyG GCNConv: add self loops, symmetric normalization D^-1/2 (A+I) D^-1/2 X W + b
    src = edge_index[0]
    dst = edge_index[1]
    loop = jnp.arange(num_nodes, dtype=edge_index.dtype)
    src = jnp.concatenate([src, loop])
    dst = jnp.concatenate([dst, loop])
    ew = jnp.ones(src.shape[0], dtype=x.dtype)
    deg = jnp.zeros((num_nodes,), dtype=x.dtype).at[dst].add(ew)
    deg_inv_sqrt = jnp.where(deg > 0, 1.0 / jnp.sqrt(deg), 0.0)
    norm = deg_inv_sqrt[src] * deg_inv_sqrt[dst]
    xw = x @ W
    msg = jnp.take(xw, src, axis=0) * norm[:, None]
    out = jnp.zeros((num_nodes, W.shape[1]), dtype=x.dtype).at[dst].add(msg)
    return out + b


def setup_inputs(seed: int = 0) -> dict:
    key = jax.random.key(seed)
    k1, k2, k3, k4, k5 = jax.random.split(key, 5)
    x = jax.random.normal(k1, (N_NODES, IN_CH), dtype=jnp.float32)
    edge_index = jax.random.randint(k2, (2, N_EDGES), 0, N_NODES, dtype=jnp.int64)
    # Glorot-like init for GCN weights
    W1 = jax.random.normal(k3, (IN_CH, HID_CH), dtype=jnp.float32) * (1.0 / np.sqrt(IN_CH))
    b1 = jnp.zeros((HID_CH,), dtype=jnp.float32)
    W2 = jax.random.normal(k4, (HID_CH, OUT_CH), dtype=jnp.float32) * (1.0 / np.sqrt(HID_CH))
    b2 = jnp.zeros((OUT_CH,), dtype=jnp.float32)
    return {"x": x, "edge_index": edge_index, "W1": W1, "b1": b1, "W2": W2, "b2": b2}


def reference(x, edge_index, W1, b1, W2, b2):
    h = gcn_conv(x, edge_index, W1, b1, N_NODES)
    h = jax.nn.relu(h)
    # dropout is identity in eval mode
    out = gcn_conv(h, edge_index, W2, b2, N_NODES)
    return out

if __name__ == "__main__":
    import jax
    _d = setup_inputs()
    print(jax.jit(kernel)(*tuple(_d.values())))

</pallas_src>

<mosaic_0001>
#map = affine_map<(d0, d1) -> (0, 0)>
#map1 = affine_map<(d0, d1) -> (0, 0, 0)>
module attributes {stable_mosaic.version = 14 : i64} {
  func.func @agg_k(%arg0: i32, %arg1: i32, %arg2: memref<10240x64xf32, #tpu.memory_space<hbm>>, %arg3: memref<10240x64xf32, #tpu.memory_space<hbm>>, %arg4: memref<16x160x125xi32, #tpu.memory_space<hbm>>, %arg5: memref<16x160x125xi32, #tpu.memory_space<hbm>>, %arg6: memref<2x10240x64xf32, #tpu.memory_space<hbm>>, %arg7: memref<160x125xi32, #tpu.memory_space<vmem>>, %arg8: memref<160x125xi32, #tpu.memory_space<vmem>>, %arg9: memref<125x64xf32, #tpu.memory_space<vmem>>, %arg10: memref<125x64xf32, #tpu.memory_space<vmem>>, %arg11: memref<10240x64xf32, #tpu.memory_space<vmem_shared>>, %arg12: memref<!tpu.dma_semaphore, #tpu.memory_space<semaphore_mem>>, %arg13: memref<!tpu.dma_semaphore, #tpu.memory_space<semaphore_mem>>) attributes {dimension_semantics = [#tpu.dimension_semantics<core_parallel>, #tpu.dimension_semantics<subcore_parallel>], iteration_bounds = array<i64: 2, 16>, scalar_prefetch = 0 : i64, scratch_operands = 7 : i64, tpu.core_type = #tpu.core_type<sc_vector_subcore>, window_params = [{transform_indices = #map}, {transform_indices = #map}, {transform_indices = #map1}, {transform_indices = #map1}, {transform_indices = #map1}]} {
    "tpu.region"() ({
      %run_scoped3A = tpu.sem_alloc : memref<!tpu.dma_semaphore, #tpu.memory_space<semaphore_mem>>
      %dma_start3A = arith.constant 0 : i32
      %dma_start3A_10 = arith.constant 0 : i32
      %dma_start3A_11 = tpu.memref_slice %arg4[%arg1, %dma_start3A, %dma_start3A_10] : memref<16x160x125xi32, #tpu.memory_space<hbm>> -> memref<1x160x125xi32, #tpu.memory_space<hbm>>
      %dma_start3A_12 = tpu.memref_squeeze %dma_start3A_11 : memref<1x160x125xi32, #tpu.memory_space<hbm>> -> memref<160x125xi32, #tpu.memory_space<hbm>>
      %dma_start3A_13 = arith.constant 0 : i32
      %dma_start3A_14 = arith.constant 0 : i32
      %dma_start3A_15 = tpu.memref_slice %arg4[%arg1, %dma_start3A_13, %dma_start3A_14] : memref<16x160x125xi32, #tpu.memory_space<hbm>> -> memref<1x160x125xi32, #tpu.memory_space<hbm>>
      %dma_start3A_16 = tpu.memref_squeeze %dma_start3A_15 : memref<1x160x125xi32, #tpu.memory_space<hbm>> -> memref<160x125xi32, #tpu.memory_space<hbm>>
      tpu.enqueue_dma source(%dma_start3A_16 : memref<160x125xi32, #tpu.memory_space<hbm>>) target(%arg7 : memref<160x125xi32, #tpu.memory_space<vmem>>) target_semaphore(%run_scoped3A : memref<!tpu.dma_semaphore, #tpu.memory_space<semaphore_mem>>)
      %dma_wait3A = arith.constant 0 : i32
      %dma_wait3A_17 = arith.constant 0 : i32
      %dma_wait3A_18 = tpu.memref_slice %arg4[%arg1, %dma_wait3A, %dma_wait3A_17] : memref<16x160x125xi32, #tpu.memory_space<hbm>> -> memref<1x160x125xi32, #tpu.memory_space<hbm>>
      %dma_wait3A_19 = tpu.memref_squeeze %dma_wait3A_18 : memref<1x160x125xi32, #tpu.memory_space<hbm>> -> memref<160x125xi32, #tpu.memory_space<hbm>>
      %dma_wait3A_20 = arith.constant 0 : i32
      %dma_wait3A_21 = arith.constant 0 : i32
      %dma_wait3A_22 = tpu.memref_slice %arg4[%arg1, %dma_wait3A_20, %dma_wait3A_21] : memref<16x160x125xi32, #tpu.memory_space<hbm>> -> memref<1x160x125xi32, #tpu.memory_space<hbm>>
      %dma_wait3A_23 = tpu.memref_squeeze %dma_wait3A_22 : memref<1x160x125xi32, #tpu.memory_space<hbm>> -> memref<160x125xi32, #tpu.memory_space<hbm>>
      tpu.wait_dma2 semaphore(%run_scoped3A : memref<!tpu.dma_semaphore, #tpu.memory_space<semaphore_mem>>) src(%dma_wait3A_23 : memref<160x125xi32, #tpu.memory_space<hbm>>) dst(%arg7 : memref<160x125xi32, #tpu.memory_space<vmem>>)
      tpu.yield
    }) : () -> ()
    "tpu.region"() ({
      %run_scoped3A = tpu.sem_alloc : memref<!tpu.dma_semaphore, #tpu.memory_space<semaphore_mem>>
      %dma_start3A = arith.constant 0 : i32
      %dma_start3A_10 = arith.constant 0 : i32
      %dma_start3A_11 = tpu.memref_slice %arg5[%arg1, %dma_start3A, %dma_start3A_10] : memref<16x160x125xi32, #tpu.memory_space<hbm>> -> memref<1x160x125xi32, #tpu.memory_space<hbm>>
      %dma_start3A_12 = tpu.memref_squeeze %dma_start3A_11 : memref<1x160x125xi32, #tpu.memory_space<hbm>> -> memref<160x125xi32, #tpu.memory_space<hbm>>
      %dma_start3A_13 = arith.constant 0 : i32
      %dma_start3A_14 = arith.constant 0 : i32
      %dma_start3A_15 = tpu.memref_slice %arg5[%arg1, %dma_start3A_13, %dma_start3A_14] : memref<16x160x125xi32, #tpu.memory_space<hbm>> -> memref<1x160x125xi32, #tpu.memory_space<hbm>>
      %dma_start3A_16 = tpu.memref_squeeze %dma_start3A_15 : memref<1x160x125xi32, #tpu.memory_space<hbm>> -> memref<160x125xi32, #tpu.memory_space<hbm>>
      tpu.enqueue_dma source(%dma_start3A_16 : memref<160x125xi32, #tpu.memory_space<hbm>>) target(%arg8 : memref<160x125xi32, #tpu.memory_space<vmem>>) target_semaphore(%run_scoped3A : memref<!tpu.dma_semaphore, #tpu.memory_space<semaphore_mem>>)
      %dma_wait3A = arith.constant 0 : i32
      %dma_wait3A_17 = arith.constant 0 : i32
      %dma_wait3A_18 = tpu.memref_slice %arg5[%arg1, %dma_wait3A, %dma_wait3A_17] : memref<16x160x125xi32, #tpu.memory_space<hbm>> -> memref<1x160x125xi32, #tpu.memory_space<hbm>>
      %dma_wait3A_19 = tpu.memref_squeeze %dma_wait3A_18 : memref<1x160x125xi32, #tpu.memory_space<hbm>> -> memref<160x125xi32, #tpu.memory_space<hbm>>
      %dma_wait3A_20 = arith.constant 0 : i32
      %dma_wait3A_21 = arith.constant 0 : i32
      %dma_wait3A_22 = tpu.memref_slice %arg5[%arg1, %dma_wait3A_20, %dma_wait3A_21] : memref<16x160x125xi32, #tpu.memory_space<hbm>> -> memref<1x160x125xi32, #tpu.memory_space<hbm>>
      %dma_wait3A_23 = tpu.memref_squeeze %dma_wait3A_22 : memref<1x160x125xi32, #tpu.memory_space<hbm>> -> memref<160x125xi32, #tpu.memory_space<hbm>>
      tpu.wait_dma2 semaphore(%run_scoped3A : memref<!tpu.dma_semaphore, #tpu.memory_space<semaphore_mem>>) src(%dma_wait3A_23 : memref<160x125xi32, #tpu.memory_space<hbm>>) dst(%arg8 : memref<160x125xi32, #tpu.memory_space<vmem>>)
      tpu.yield
    }) : () -> ()
    %eq3A = arith.constant 0 : i32
    %eq3A_0 = arith.cmpi eq, %arg0, %eq3A : i32
    %convert_element_type3A = arith.extui %eq3A_0 : i1 to i32
    %cond3A = arith.constant 0 : i32
    %cond3A_1 = arith.cmpi ne, %convert_element_type3A, %cond3A : i32
    scf.if %cond3A_1 {
      %mul3A_10 = arith.constant 640 : i32
      %mul3A_11 = arith.muli %arg1, %mul3A_10 : i32
      %mul3A_12 = arith.constant 640 : i32
      %mul3A_13 = arith.muli %arg1, %mul3A_12 : i32
      "tpu.region"() ({
        %run_scoped3A = tpu.sem_alloc : memref<!tpu.dma_semaphore, #tpu.memory_space<semaphore_mem>>
        %dma_start3A_26 = arith.constant 0 : i32
        %dma_start3A_27 = tpu.memref_slice %arg11[%mul3A_13, %dma_start3A_26] : memref<10240x64xf32, #tpu.memory_space<vmem_shared>> -> memref<640x64xf32, #tpu.memory_space<vmem_shared>>
        %dma_start3A_28 = arith.constant 0 : i32
        %dma_start3A_29 = tpu.memref_slice %arg2[%mul3A_11, %dma_start3A_28] : memref<10240x64xf32, #tpu.memory_space<hbm>> -> memref<640x64xf32, #tpu.memory_space<hbm>>
        tpu.enqueue_dma source(%dma_start3A_29 : memref<640x64xf32, #tpu.memory_space<hbm>>) target(%dma_start3A_27 : memref<640x64xf32, #tpu.memory_space<vmem_shared>>) target_semaphore(%run_scoped3A : memref<!tpu.dma_semaphore, #tpu.memory_space<semaphore_mem>>)
        %dma_wait3A = arith.constant 0 : i32
        %dma_wait3A_30 = tpu.memref_slice %arg11[%mul3A_13, %dma_wait3A] : memref<10240x64xf32, #tpu.memory_space<vmem_shared>> -> memref<640x64xf32, #tpu.memory_space<vmem_shared>>
        %dma_wait3A_31 = arith.constant 0 : i32
        %dma_wait3A_32 = tpu.memref_slice %arg2[%mul3A_11, %dma_wait3A_31] : memref<10240x64xf32, #tpu.memory_space<hbm>> -> memref<640x64xf32, #tpu.memory_space<hbm>>
        tpu.wait_dma2 semaphore(%run_scoped3A : memref<!tpu.dma_semaphore, #tpu.memory_space<semaphore_mem>>) src(%dma_wait3A_32 : memref<640x64xf32, #tpu.memory_space<hbm>>) dst(%dma_wait3A_30 : memref<640x64xf32, #tpu.memory_space<vmem_shared>>)
        tpu.yield
      }) : () -> ()
      %barrier3A_14 = arith.constant 0 : index
      tpu.barrier barrier_id(%barrier3A_14)
      %dma_start3A = arith.constant 0 : i32
      %dma_start3A_15 = arith.constant 0 : i32
      %dma_start3A_16 = tpu.memref_slice %arg7[%dma_start3A, %dma_start3A_15] : memref<160x125xi32, #tpu.memory_space<vmem>> -> memref<1x125xi32, #tpu.memory_space<vmem>>
      %dma_start3A_17 = tpu.memref_squeeze %dma_start3A_16 : memref<1x125xi32, #tpu.memory_space<vmem>> -> memref<125xi32, #tpu.memory_space<vmem>>
      %dma_start3A_18 = arith.constant 0 : i32
      %dma_start3A_19 = arith.constant 0 : i32
      %dma_start3A_20 = tpu.memref_slice %arg2[%dma_start3A_18, %dma_start3A_19] : memref<10240x64xf32, #tpu.memory_space<hbm>> -> memref<10240x64xf32, #tpu.memory_space<hbm>>
      tpu.enqueue_indirect_dma source(%dma_start3A_20 : memref<10240x64xf32, #tpu.memory_space<hbm>>) target(%arg9 : memref<125x64xf32, #tpu.memory_space<vmem>>) offsets(%dma_start3A_17 : memref<125xi32, #tpu.memory_space<vmem>>) semaphore(%arg12 : memref<!tpu.dma_semaphore, #tpu.memory_space<semaphore_mem>>)
      %scan3A = arith.constant 0 : i32
      %scan3A_21 = arith.constant 0 : i32
      %scan3A_22 = arith.constant 80 : i32
      %scan3A_23 = arith.addi %scan3A_21, %scan3A_22 : i32
      %scan3A_24 = arith.constant 1 : i32
      scf.for %scan3A_26 = %scan3A_21 to %scan3A_23 step %scan3A_24  : i32 {
        %mul3A_27 = arith.constant 2 : i32
        %mul3A_28 = arith.muli %mul3A_27, %scan3A_26 : i32
        %add3A = arith.constant 1 : i32
        %add3A_29 = arith.addi %mul3A_28, %add3A : i32
        %dma_start3A_30 = arith.constant 0 : i32
        %dma_start3A_31 = tpu.memref_slice %arg7[%add3A_29, %dma_start3A_30] : memref<160x125xi32, #tpu.memory_space<vmem>> -> memref<1x125xi32, #tpu.memory_space<vmem>>
        %dma_start3A_32 = tpu.memref_squeeze %dma_start3A_31 : memref<1x125xi32, #tpu.memory_space<vmem>> -> memref<125xi32, #tpu.memory_space<vmem>>
        %dma_start3A_33 = arith.constant 0 : i32
        %dma_start3A_34 = arith.constant 0 : i32
        %dma_start3A_35 = tpu.memref_slice %arg2[%dma_start3A_33, %dma_start3A_34] : memref<10240x64xf32, #tpu.memory_space<hbm>> -> memref<10240x64xf32, #tpu.memory_space<hbm>>
        tpu.enqueue_indirect_dma source(%dma_start3A_35 : memref<10240x64xf32, #tpu.memory_space<hbm>>) target(%arg10 : memref<125x64xf32, #tpu.memory_space<vmem>>) offsets(%dma_start3A_32 : memref<125xi32, #tpu.memory_space<vmem>>) semaphore(%arg13 : memref<!tpu.dma_semaphore, #tpu.memory_space<semaphore_mem>>)
        %dma_wait3A = arith.constant 0 : i32
        %dma_wait3A_36 = tpu.memref_slice %arg7[%mul3A_28, %dma_wait3A] : memref<160x125xi32, #tpu.memory_space<vmem>> -> memref<1x125xi32, #tpu.memory_space<vmem>>
        %dma_wait3A_37 = tpu.memref_squeeze %dma_wait3A_36 : memref<1x125xi32, #tpu.memory_space<vmem>> -> memref<125xi32, #tpu.memory_space<vmem>>
        %dma_wait3A_38 = arith.constant 0 : i32
        %dma_wait3A_39 = arith.constant 0 : i32
        %dma_wait3A_40 = tpu.memref_slice %arg2[%dma_wait3A_38, %dma_wait3A_39] : memref<10240x64xf32, #tpu.memory_space<hbm>> -> memref<10240x64xf32, #tpu.memory_space<hbm>>
        tpu.wait_indirect_dma semaphore(%arg12 : memref<!tpu.dma_semaphore, #tpu.memory_space<semaphore_mem>>) src(%dma_wait3A_40 : memref<10240x64xf32, #tpu.memory_space<hbm>>) dst(%arg9 : memref<125x64xf32, #tpu.memory_space<vmem>>)
        %run_scoped3A = arith.constant 0 : i32
        "tpu.region"() ({
          %run_scoped3A_54 = tpu.sem_alloc : memref<!tpu.dma_semaphore, #tpu.memory_space<semaphore_mem>>
          %dma_start3A_55 = arith.constant 0 : i32
          %dma_start3A_56 = tpu.memref_slice %arg8[%run_scoped3A, %dma_start3A_55] : memref<160x125xi32, #tpu.memory_space<vmem>> -> memref<1x125xi32, #tpu.memory_space<vmem>>
          %dma_start3A_57 = tpu.memref_squeeze %dma_start3A_56 : memref<1x125xi32, #tpu.memory_space<vmem>> -> memref<125xi32, #tpu.memory_space<vmem>>
          %dma_start3A_58 = arith.constant 0 : i32
          %dma_start3A_59 = arith.constant 0 : i32
          %dma_start3A_60 = tpu.memref_slice %arg11[%dma_start3A_58, %dma_start3A_59] : memref<10240x64xf32, #tpu.memory_space<vmem_shared>> -> memref<10240x64xf32, #tpu.memory_space<vmem_shared>>
          tpu.enqueue_indirect_dma source(%arg9 : memref<125x64xf32, #tpu.memory_space<vmem>>) target(%dma_start3A_60 : memref<10240x64xf32, #tpu.memory_space<vmem_shared>>) offsets(%dma_start3A_57 : memref<125xi32, #tpu.memory_space<vmem>>) semaphore(%run_scoped3A_54 : memref<!tpu.dma_semaphore, #tpu.memory_space<semaphore_mem>>) {add = true}
          %dma_wait3A_61 = arith.constant 0 : i32
          %dma_wait3A_62 = tpu.memref_slice %arg8[%run_scoped3A, %dma_wait3A_61] : memref<160x125xi32, #tpu.memory_space<vmem>> -> memref<1x125xi32, #tpu.memory_space<vmem>>
          %dma_wait3A_63 = tpu.memref_squeeze %dma_wait3A_62 : memref<1x125xi32, #tpu.memory_space<vmem>> -> memref<125xi32, #tpu.memory_space<vmem>>
          %dma_wait3A_64 = arith.constant 0 : i32
          %dma_wait3A_65 = arith.constant 0 : i32
          %dma_wait3A_66 = tpu.memref_slice %arg11[%dma_wait3A_64, %dma_wait3A_65] : memref<10240x64xf32, #tpu.memory_space<vmem_shared>> -> memref<10240x64xf32, #tpu.memory_space<vmem_shared>>
          tpu.wait_indirect_dma semaphore(%run_scoped3A_54 : memref<!tpu.dma_semaphore, #tpu.memory_space<semaphore_mem>>) src(%arg9 : memref<125x64xf32, #tpu.memory_space<vmem>>) dst(%dma_wait3A_66 : memref<10240x64xf32, #tpu.memory_space<vmem_shared>>)
          tpu.yield
        }) : () -> ()
        %add3A_41 = arith.constant 2 : i32
        %add3A_42 = arith.addi %mul3A_28, %add3A_41 : i32
        %lt3A = arith.constant 160 : i32
        %lt3A_43 = arith.cmpi slt, %add3A_42, %lt3A : i32
        %convert_element_type3A_44 = arith.extui %lt3A_43 : i1 to i32
        %cond3A_45 = arith.constant 0 : i32
        %cond3A_46 = arith.cmpi ne, %convert_element_type3A_44, %cond3A_45 : i32
        scf.if %cond3A_46 {
          %add3A_54 = arith.constant 2 : i32
          %add3A_55 = arith.addi %mul3A_28, %add3A_54 : i32
          %dma_start3A_56 = arith.constant 0 : i32
          %dma_start3A_57 = tpu.memref_slice %arg7[%add3A_55, %dma_start3A_56] : memref<160x125xi32, #tpu.memory_space<vmem>> -> memref<1x125xi32, #tpu.memory_space<vmem>>
          %dma_start3A_58 = tpu.memref_squeeze %dma_start3A_57 : memref<1x125xi32, #tpu.memory_space<vmem>> -> memref<125xi32, #tpu.memory_space<vmem>>
          %dma_start3A_59 = arith.constant 0 : i32
          %dma_start3A_60 = arith.constant 0 : i32
          %dma_start3A_61 = tpu.memref_slice %arg2[%dma_start3A_59, %dma_start3A_60] : memref<10240x64xf32, #tpu.memory_space<hbm>> -> memref<10240x64xf32, #tpu.memory_space<hbm>>
          tpu.enqueue_indirect_dma source(%dma_start3A_61 : memref<10240x64xf32, #tpu.memory_space<hbm>>) target(%arg9 : memref<125x64xf32, #tpu.memory_space<vmem>>) offsets(%dma_start3A_58 : memref<125xi32, #tpu.memory_space<vmem>>) semaphore(%arg12 : memref<!tpu.dma_semaphore, #tpu.memory_space<semaphore_mem>>)
        } else {
        }
        %dma_wait3A_47 = arith.constant 0 : i32
        %dma_wait3A_48 = tpu.memref_slice %arg7[%add3A_29, %dma_wait3A_47] : memref<160x125xi32, #tpu.memory_space<vmem>> -> memref<1x125xi32, #tpu.memory_space<vmem>>
        %dma_wait3A_49 = tpu.memref_squeeze %dma_wait3A_48 : memref<1x125xi32, #tpu.memory_space<vmem>> -> memref<125xi32, #tpu.memory_space<vmem>>
        %dma_wait3A_50 = arith.constant 0 : i32
        %dma_wait3A_51 = arith.constant 0 : i32
        %dma_wait3A_52 = tpu.memref_slice %arg2[%dma_wait3A_50, %dma_wait3A_51] : memref<10240x64xf32, #tpu.memory_space<hbm>> -> memref<10240x64xf32, #tpu.memory_space<hbm>>
        tpu.wait_indirect_dma semaphore(%arg13 : memref<!tpu.dma_semaphore, #tpu.memory_space<semaphore_mem>>) src(%dma_wait3A_52 : memref<10240x64xf32, #tpu.memory_space<hbm>>) dst(%arg10 : memref<125x64xf32, #tpu.memory_space<vmem>>)
        %run_scoped3A_53 = arith.constant 0 : i32
        "tpu.region"() ({
          %run_scoped3A_54 = tpu.sem_alloc : memref<!tpu.dma_semaphore, #tpu.memory_space<semaphore_mem>>
          %dma_start3A_55 = arith.constant 0 : i32
          %dma_start3A_56 = tpu.memref_slice %arg8[%run_scoped3A_53, %dma_start3A_55] : memref<160x125xi32, #tpu.memory_space<vmem>> -> memref<1x125xi32, #tpu.memory_space<vmem>>
          %dma_start3A_57 = tpu.memref_squeeze %dma_start3A_56 : memref<1x125xi32, #tpu.memory_space<vmem>> -> memref<125xi32, #tpu.memory_space<vmem>>
          %dma_start3A_58 = arith.constant 0 : i32
          %dma_start3A_59 = arith.constant 0 : i32
          %dma_start3A_60 = tpu.memref_slice %arg11[%dma_start3A_58, %dma_start3A_59] : memref<10240x64xf32, #tpu.memory_space<vmem_shared>> -> memref<10240x64xf32, #tpu.memory_space<vmem_shared>>
          tpu.enqueue_indirect_dma source(%arg10 : memref<125x64xf32, #tpu.memory_space<vmem>>) target(%dma_start3A_60 : memref<10240x64xf32, #tpu.memory_space<vmem_shared>>) offsets(%dma_start3A_57 : memref<125xi32, #tpu.memory_space<vmem>>) semaphore(%run_scoped3A_54 : memref<!tpu.dma_semaphore, #tpu.memory_space<semaphore_mem>>) {add = true}
          %dma_wait3A_61 = arith.constant 0 : i32
          %dma_wait3A_62 = tpu.memref_slice %arg8[%run_scoped3A_53, %dma_wait3A_61] : memref<160x125xi32, #tpu.memory_space<vmem>> -> memref<1x125xi32, #tpu.memory_space<vmem>>
          %dma_wait3A_63 = tpu.memref_squeeze %dma_wait3A_62 : memref<1x125xi32, #tpu.memory_space<vmem>> -> memref<125xi32, #tpu.memory_space<vmem>>
          %dma_wait3A_64 = arith.constant 0 : i32
          %dma_wait3A_65 = arith.constant 0 : i32
          %dma_wait3A_66 = tpu.memref_slice %arg11[%dma_wait3A_64, %dma_wait3A_65] : memref<10240x64xf32, #tpu.memory_space<vmem_shared>> -> memref<10240x64xf32, #tpu.memory_space<vmem_shared>>
          tpu.wait_indirect_dma semaphore(%run_scoped3A_54 : memref<!tpu.dma_semaphore, #tpu.memory_space<semaphore_mem>>) src(%arg10 : memref<125x64xf32, #tpu.memory_space<vmem>>) dst(%dma_wait3A_66 : memref<10240x64xf32, #tpu.memory_space<vmem_shared>>)
          tpu.yield
        }) : () -> ()
      }
      %scan3A_25 = arith.constant 80 : i32
    } else {
    }
    %eq3A_2 = arith.constant 1 : i32
    %eq3A_3 = arith.cmpi eq, %arg0, %eq3A_2 : i32
    %convert_element_type3A_4 = arith.extui %eq3A_3 : i1 to i32
    %cond3A_5 = arith.constant 0 : i32
    %cond3A_6 = arith.cmpi ne, %convert_element_type3A_4, %cond3A_5 : i32
    scf.if %cond3A_6 {
      %mul3A_10 = arith.constant 640 : i32
      %mul3A_11 = arith.muli %arg1, %mul3A_10 : i32
      %mul3A_12 = arith.constant 640 : i32
      %mul3A_13 = arith.muli %arg1, %mul3A_12 : i32
      "tpu.region"() ({
        %run_scoped3A = tpu.sem_alloc : memref<!tpu.dma_semaphore, #tpu.memory_space<semaphore_mem>>
        %dma_start3A_26 = arith.constant 0 : i32
        %dma_start3A_27 = tpu.memref_slice %arg11[%mul3A_13, %dma_start3A_26] : memref<10240x64xf32, #tpu.memory_space<vmem_shared>> -> memref<640x64xf32, #tpu.memory_space<vmem_shared>>
        %dma_start3A_28 = arith.constant 0 : i32
        %dma_start3A_29 = tpu.memref_slice %arg3[%mul3A_11, %dma_start3A_28] : memref<10240x64xf32, #tpu.memory_space<hbm>> -> memref<640x64xf32, #tpu.memory_space<hbm>>
        tpu.enqueue_dma source(%dma_start3A_29 : memref<640x64xf32, #tpu.memory_space<hbm>>) target(%dma_start3A_27 : memref<640x64xf32, #tpu.memory_space<vmem_shared>>) target_semaphore(%run_scoped3A : memref<!tpu.dma_semaphore, #tpu.memory_space<semaphore_mem>>)
        %dma_wait3A = arith.constant 0 : i32
        %dma_wait3A_30 = tpu.memref_slice %arg11[%mul3A_13, %dma_wait3A] : memref<10240x64xf32, #tpu.memory_space<vmem_shared>> -> memref<640x64xf32, #tpu.memory_space<vmem_shared>>
        %dma_wait3A_31 = arith.constant 0 : i32
        %dma_wait3A_32 = tpu.memref_slice %arg3[%mul3A_11, %dma_wait3A_31] : memref<10240x64xf32, #tpu.memory_space<hbm>> -> memref<640x64xf32, #tpu.memory_space<hbm>>
        tpu.wait_dma2 semaphore(%run_scoped3A : memref<!tpu.dma_semaphore, #tpu.memory_space<semaphore_mem>>) src(%dma_wait3A_32 : memref<640x64xf32, #tpu.memory_space<hbm>>) dst(%dma_wait3A_30 : memref<640x64xf32, #tpu.memory_space<vmem_shared>>)
        tpu.yield
      }) : () -> ()
      %barrier3A_14 = arith.constant 0 : index
      tpu.barrier barrier_id(%barrier3A_14)
      %dma_start3A = arith.constant 0 : i32
      %dma_start3A_15 = arith.constant 0 : i32
      %dma_start3A_16 = tpu.memref_slice %arg7[%dma_start3A, %dma_start3A_15] : memref<160x125xi32, #tpu.memory_space<vmem>> -> memref<1x125xi32, #tpu.memory_space<vmem>>
      %dma_start3A_17 = tpu.memref_squeeze %dma_start3A_16 : memref<1x125xi32, #tpu.memory_space<vmem>> -> memref<125xi32, #tpu.memory_space<vmem>>
      %dma_start3A_18 = arith.constant 0 : i32
      %dma_start3A_19 = arith.constant 0 : i32
      %dma_start3A_20 = tpu.memref_slice %arg3[%dma_start3A_18, %dma_start3A_19] : memref<10240x64xf32, #tpu.memory_space<hbm>> -> memref<10240x64xf32, #tpu.memory_space<hbm>>
      tpu.enqueue_indirect_dma source(%dma_start3A_20 : memref<10240x64xf32, #tpu.memory_space<hbm>>) target(%arg9 : memref<125x64xf32, #tpu.memory_space<vmem>>) offsets(%dma_start3A_17 : memref<125xi32, #tpu.memory_space<vmem>>) semaphore(%arg12 : memref<!tpu.dma_semaphore, #tpu.memory_space<semaphore_mem>>)
      %scan3A = arith.constant 0 : i32
      %scan3A_21 = arith.constant 0 : i32
      %scan3A_22 = arith.constant 80 : i32
      %scan3A_23 = arith.addi %scan3A_21, %scan3A_22 : i32
      %scan3A_24 = arith.constant 1 : i32
      scf.for %scan3A_26 = %scan3A_21 to %scan3A_23 step %scan3A_24  : i32 {
        %mul3A_27 = arith.constant 2 : i32
        %mul3A_28 = arith.muli %mul3A_27, %scan3A_26 : i32
        %add3A = arith.constant 1 : i32
        %add3A_29 = arith.addi %mul3A_28, %add3A : i32
        %dma_start3A_30 = arith.constant 0 : i32
        %dma_start3A_31 = tpu.memref_slice %arg7[%add3A_29, %dma_start3A_30] : memref<160x125xi32, #tpu.memory_space<vmem>> -> memref<1x125xi32, #tpu.memory_space<vmem>>
        %dma_start3A_32 = tpu.memref_squeeze %dma_start3A_31 : memref<1x125xi32, #tpu.memory_space<vmem>> -> memref<125xi32, #tpu.memory_space<vmem>>
        %dma_start3A_33 = arith.constant 0 : i32
        %dma_start3A_34 = arith.constant 0 : i32
        %dma_start3A_35 = tpu.memref_slice %arg3[%dma_start3A_33, %dma_start3A_34] : memref<10240x64xf32, #tpu.memory_space<hbm>> -> memref<10240x64xf32, #tpu.memory_space<hbm>>
        tpu.enqueue_indirect_dma source(%dma_start3A_35 : memref<10240x64xf32, #tpu.memory_space<hbm>>) target(%arg10 : memref<125x64xf32, #tpu.memory_space<vmem>>) offsets(%dma_start3A_32 : memref<125xi32, #tpu.memory_space<vmem>>) semaphore(%arg13 : memref<!tpu.dma_semaphore, #tpu.memory_space<semaphore_mem>>)
        %dma_wait3A = arith.constant 0 : i32
        %dma_wait3A_36 = tpu.memref_slice %arg7[%mul3A_28, %dma_wait3A] : memref<160x125xi32, #tpu.memory_space<vmem>> -> memref<1x125xi32, #tpu.memory_space<vmem>>
        %dma_wait3A_37 = tpu.memref_squeeze %dma_wait3A_36 : memref<1x125xi32, #tpu.memory_space<vmem>> -> memref<125xi32, #tpu.memory_space<vmem>>
        %dma_wait3A_38 = arith.constant 0 : i32
        %dma_wait3A_39 = arith.constant 0 : i32
        %dma_wait3A_40 = tpu.memref_slice %arg3[%dma_wait3A_38, %dma_wait3A_39] : memref<10240x64xf32, #tpu.memory_space<hbm>> -> memref<10240x64xf32, #tpu.memory_space<hbm>>
        tpu.wait_indirect_dma semaphore(%arg12 : memref<!tpu.dma_semaphore, #tpu.memory_space<semaphore_mem>>) src(%dma_wait3A_40 : memref<10240x64xf32, #tpu.memory_space<hbm>>) dst(%arg9 : memref<125x64xf32, #tpu.memory_space<vmem>>)
        %run_scoped3A = arith.constant 0 : i32
        "tpu.region"() ({
          %run_scoped3A_54 = tpu.sem_alloc : memref<!tpu.dma_semaphore, #tpu.memory_space<semaphore_mem>>
          %dma_start3A_55 = arith.constant 0 : i32
          %dma_start3A_56 = tpu.memref_slice %arg8[%run_scoped3A, %dma_start3A_55] : memref<160x125xi32, #tpu.memory_space<vmem>> -> memref<1x125xi32, #tpu.memory_space<vmem>>
          %dma_start3A_57 = tpu.memref_squeeze %dma_start3A_56 : memref<1x125xi32, #tpu.memory_space<vmem>> -> memref<125xi32, #tpu.memory_space<vmem>>
          %dma_start3A_58 = arith.constant 0 : i32
          %dma_start3A_59 = arith.constant 0 : i32
          %dma_start3A_60 = tpu.memref_slice %arg11[%dma_start3A_58, %dma_start3A_59] : memref<10240x64xf32, #tpu.memory_space<vmem_shared>> -> memref<10240x64xf32, #tpu.memory_space<vmem_shared>>
          tpu.enqueue_indirect_dma source(%arg9 : memref<125x64xf32, #tpu.memory_space<vmem>>) target(%dma_start3A_60 : memref<10240x64xf32, #tpu.memory_space<vmem_shared>>) offsets(%dma_start3A_57 : memref<125xi32, #tpu.memory_space<vmem>>) semaphore(%run_scoped3A_54 : memref<!tpu.dma_semaphore, #tpu.memory_space<semaphore_mem>>) {add = true}
          %dma_wait3A_61 = arith.constant 0 : i32
          %dma_wait3A_62 = tpu.memref_slice %arg8[%run_scoped3A, %dma_wait3A_61] : memref<160x125xi32, #tpu.memory_space<vmem>> -> memref<1x125xi32, #tpu.memory_space<vmem>>
          %dma_wait3A_63 = tpu.memref_squeeze %dma_wait3A_62 : memref<1x125xi32, #tpu.memory_space<vmem>> -> memref<125xi32, #tpu.memory_space<vmem>>
          %dma_wait3A_64 = arith.constant 0 : i32
          %dma_wait3A_65 = arith.constant 0 : i32
          %dma_wait3A_66 = tpu.memref_slice %arg11[%dma_wait3A_64, %dma_wait3A_65] : memref<10240x64xf32, #tpu.memory_space<vmem_shared>> -> memref<10240x64xf32, #tpu.memory_space<vmem_shared>>
          tpu.wait_indirect_dma semaphore(%run_scoped3A_54 : memref<!tpu.dma_semaphore, #tpu.memory_space<semaphore_mem>>) src(%arg9 : memref<125x64xf32, #tpu.memory_space<vmem>>) dst(%dma_wait3A_66 : memref<10240x64xf32, #tpu.memory_space<vmem_shared>>)
          tpu.yield
        }) : () -> ()
        %add3A_41 = arith.constant 2 : i32
        %add3A_42 = arith.addi %mul3A_28, %add3A_41 : i32
        %lt3A = arith.constant 160 : i32
        %lt3A_43 = arith.cmpi slt, %add3A_42, %lt3A : i32
        %convert_element_type3A_44 = arith.extui %lt3A_43 : i1 to i32
        %cond3A_45 = arith.constant 0 : i32
        %cond3A_46 = arith.cmpi ne, %convert_element_type3A_44, %cond3A_45 : i32
        scf.if %cond3A_46 {
          %add3A_54 = arith.constant 2 : i32
          %add3A_55 = arith.addi %mul3A_28, %add3A_54 : i32
          %dma_start3A_56 = arith.constant 0 : i32
          %dma_start3A_57 = tpu.memref_slice %arg7[%add3A_55, %dma_start3A_56] : memref<160x125xi32, #tpu.memory_space<vmem>> -> memref<1x125xi32, #tpu.memory_space<vmem>>
          %dma_start3A_58 = tpu.memref_squeeze %dma_start3A_57 : memref<1x125xi32, #tpu.memory_space<vmem>> -> memref<125xi32, #tpu.memory_space<vmem>>
          %dma_start3A_59 = arith.constant 0 : i32
          %dma_start3A_60 = arith.constant 0 : i32
          %dma_start3A_61 = tpu.memref_slice %arg3[%dma_start3A_59, %dma_start3A_60] : memref<10240x64xf32, #tpu.memory_space<hbm>> -> memref<10240x64xf32, #tpu.memory_space<hbm>>
          tpu.enqueue_indirect_dma source(%dma_start3A_61 : memref<10240x64xf32, #tpu.memory_space<hbm>>) target(%arg9 : memref<125x64xf32, #tpu.memory_space<vmem>>) offsets(%dma_start3A_58 : memref<125xi32, #tpu.memory_space<vmem>>) semaphore(%arg12 : memref<!tpu.dma_semaphore, #tpu.memory_space<semaphore_mem>>)
        } else {
        }
        %dma_wait3A_47 = arith.constant 0 : i32
        %dma_wait3A_48 = tpu.memref_slice %arg7[%add3A_29, %dma_wait3A_47] : memref<160x125xi32, #tpu.memory_space<vmem>> -> memref<1x125xi32, #tpu.memory_space<vmem>>
        %dma_wait3A_49 = tpu.memref_squeeze %dma_wait3A_48 : memref<1x125xi32, #tpu.memory_space<vmem>> -> memref<125xi32, #tpu.memory_space<vmem>>
        %dma_wait3A_50 = arith.constant 0 : i32
        %dma_wait3A_51 = arith.constant 0 : i32
        %dma_wait3A_52 = tpu.memref_slice %arg3[%dma_wait3A_50, %dma_wait3A_51] : memref<10240x64xf32, #tpu.memory_space<hbm>> -> memref<10240x64xf32, #tpu.memory_space<hbm>>
        tpu.wait_indirect_dma semaphore(%arg13 : memref<!tpu.dma_semaphore, #tpu.memory_space<semaphore_mem>>) src(%dma_wait3A_52 : memref<10240x64xf32, #tpu.memory_space<hbm>>) dst(%arg10 : memref<125x64xf32, #tpu.memory_space<vmem>>)
        %run_scoped3A_53 = arith.constant 0 : i32
        "tpu.region"() ({
          %run_scoped3A_54 = tpu.sem_alloc : memref<!tpu.dma_semaphore, #tpu.memory_space<semaphore_mem>>
          %dma_start3A_55 = arith.constant 0 : i32
          %dma_start3A_56 = tpu.memref_slice %arg8[%run_scoped3A_53, %dma_start3A_55] : memref<160x125xi32, #tpu.memory_space<vmem>> -> memref<1x125xi32, #tpu.memory_space<vmem>>
          %dma_start3A_57 = tpu.memref_squeeze %dma_start3A_56 : memref<1x125xi32, #tpu.memory_space<vmem>> -> memref<125xi32, #tpu.memory_space<vmem>>
          %dma_start3A_58 = arith.constant 0 : i32
          %dma_start3A_59 = arith.constant 0 : i32
          %dma_start3A_60 = tpu.memref_slice %arg11[%dma_start3A_58, %dma_start3A_59] : memref<10240x64xf32, #tpu.memory_space<vmem_shared>> -> memref<10240x64xf32, #tpu.memory_space<vmem_shared>>
          tpu.enqueue_indirect_dma source(%arg10 : memref<125x64xf32, #tpu.memory_space<vmem>>) target(%dma_start3A_60 : memref<10240x64xf32, #tpu.memory_space<vmem_shared>>) offsets(%dma_start3A_57 : memref<125xi32, #tpu.memory_space<vmem>>) semaphore(%run_scoped3A_54 : memref<!tpu.dma_semaphore, #tpu.memory_space<semaphore_mem>>) {add = true}
          %dma_wait3A_61 = arith.constant 0 : i32
          %dma_wait3A_62 = tpu.memref_slice %arg8[%run_scoped3A_53, %dma_wait3A_61] : memref<160x125xi32, #tpu.memory_space<vmem>> -> memref<1x125xi32, #tpu.memory_space<vmem>>
          %dma_wait3A_63 = tpu.memref_squeeze %dma_wait3A_62 : memref<1x125xi32, #tpu.memory_space<vmem>> -> memref<125xi32, #tpu.memory_space<vmem>>
          %dma_wait3A_64 = arith.constant 0 : i32
          %dma_wait3A_65 = arith.constant 0 : i32
          %dma_wait3A_66 = tpu.memref_slice %arg11[%dma_wait3A_64, %dma_wait3A_65] : memref<10240x64xf32, #tpu.memory_space<vmem_shared>> -> memref<10240x64xf32, #tpu.memory_space<vmem_shared>>
          tpu.wait_indirect_dma semaphore(%run_scoped3A_54 : memref<!tpu.dma_semaphore, #tpu.memory_space<semaphore_mem>>) src(%arg10 : memref<125x64xf32, #tpu.memory_space<vmem>>) dst(%dma_wait3A_66 : memref<10240x64xf32, #tpu.memory_space<vmem_shared>>)
          tpu.yield
        }) : () -> ()
      }
      %scan3A_25 = arith.constant 80 : i32
    } else {
    }
    %barrier3A = arith.constant 0 : index
    tpu.barrier barrier_id(%barrier3A)
    %mul3A = arith.constant 640 : i32
    %mul3A_7 = arith.muli %arg1, %mul3A : i32
    %mul3A_8 = arith.constant 640 : i32
    %mul3A_9 = arith.muli %arg1, %mul3A_8 : i32
    "tpu.region"() ({
      %run_scoped3A = tpu.sem_alloc : memref<!tpu.dma_semaphore, #tpu.memory_space<semaphore_mem>>
      %dma_start3A = arith.constant 0 : i32
      %dma_start3A_10 = tpu.memref_slice %arg6[%arg0, %mul3A_9, %dma_start3A] : memref<2x10240x64xf32, #tpu.memory_space<hbm>> -> memref<1x640x64xf32, #tpu.memory_space<hbm>>
      %dma_start3A_11 = tpu.memref_squeeze %dma_start3A_10 : memref<1x640x64xf32, #tpu.memory_space<hbm>> -> memref<640x64xf32, #tpu.memory_space<hbm>>
      %dma_start3A_12 = arith.constant 0 : i32
      %dma_start3A_13 = tpu.memref_slice %arg11[%mul3A_7, %dma_start3A_12] : memref<10240x64xf32, #tpu.memory_space<vmem_shared>> -> memref<640x64xf32, #tpu.memory_space<vmem_shared>>
      tpu.enqueue_dma source(%dma_start3A_13 : memref<640x64xf32, #tpu.memory_space<vmem_shared>>) target(%dma_start3A_11 : memref<640x64xf32, #tpu.memory_space<hbm>>) target_semaphore(%run_scoped3A : memref<!tpu.dma_semaphore, #tpu.memory_space<semaphore_mem>>)
      %dma_wait3A = arith.constant 0 : i32
      %dma_wait3A_14 = tpu.memref_slice %arg6[%arg0, %mul3A_9, %dma_wait3A] : memref<2x10240x64xf32, #tpu.memory_space<hbm>> -> memref<1x640x64xf32, #tpu.memory_space<hbm>>
      %dma_wait3A_15 = tpu.memref_squeeze %dma_wait3A_14 : memref<1x640x64xf32, #tpu.memory_space<hbm>> -> memref<640x64xf32, #tpu.memory_space<hbm>>
      %dma_wait3A_16 = arith.constant 0 : i32
      %dma_wait3A_17 = tpu.memref_slice %arg11[%mul3A_7, %dma_wait3A_16] : memref<10240x64xf32, #tpu.memory_space<vmem_shared>> -> memref<640x64xf32, #tpu.memory_space<vmem_shared>>
      tpu.wait_dma2 semaphore(%run_scoped3A : memref<!tpu.dma_semaphore, #tpu.memory_space<semaphore_mem>>) src(%dma_wait3A_17 : memref<640x64xf32, #tpu.memory_space<vmem_shared>>) dst(%dma_wait3A_15 : memref<640x64xf32, #tpu.memory_space<hbm>>)
      tpu.yield
    }) : () -> ()
    return
  }
}

#map = affine_map<(d0, d1) -> (0, 0)>
#map1 = affine_map<(d0, d1) -> (0, 0, 0)>
module attributes {stable_mosaic.version = 14 : i64} {
  func.func @agg_k(%arg0: i32, %arg1: i32, %arg2: memref<10240x64xf32, #tpu.memory_space<hbm>>, %arg3: memref<10240x64xf32, #tpu.memory_space<hbm>>, %arg4: memref<16x160x125xi32, #tpu.memory_space<hbm>>, %arg5: memref<16x160x125xi32, #tpu.memory_space<hbm>>, %arg6: memref<2x10240x64xf32, #tpu.memory_space<hbm>>, %arg7: memref<160x125xi32, #tpu.memory_space<vmem>>, %arg8: memref<160x125xi32, #tpu.memory_space<vmem>>, %arg9: memref<125x64xf32, #tpu.memory_space<vmem>>, %arg10: memref<125x64xf32, #tpu.memory_space<vmem>>, %arg11: memref<10240x64xf32, #tpu.memory_space<vmem_shared>>, %arg12: memref<!tpu.dma_semaphore, #tpu.memory_space<semaphore_mem>>, %arg13: memref<!tpu.dma_semaphore, #tpu.memory_space<semaphore_mem>>) attributes {dimension_semantics = [#tpu.dimension_semantics<core_parallel>, #tpu.dimension_semantics<subcore_parallel>], iteration_bounds = array<i64: 2, 16>, scalar_prefetch = 0 : i64, scratch_operands = 7 : i64, tpu.core_type = #tpu.core_type<sc_vector_subcore>, window_params = [{transform_indices = #map}, {transform_indices = #map}, {transform_indices = #map1}, {transform_indices = #map1}, {transform_indices = #map1}]} {
    "tpu.region"() ({
      %run_scoped3A = tpu.sem_alloc : memref<!tpu.dma_semaphore, #tpu.memory_space<semaphore_mem>>
      %dma_start3A = arith.constant 0 : i32
      %dma_start3A_10 = arith.constant 0 : i32
      %dma_start3A_11 = tpu.memref_slice %arg4[%arg1, %dma_start3A, %dma_start3A_10] : memref<16x160x125xi32, #tpu.memory_space<hbm>> -> memref<1x160x125xi32, #tpu.memory_space<hbm>>
      %dma_start3A_12 = tpu.memref_squeeze %dma_start3A_11 : memref<1x160x125xi32, #tpu.memory_space<hbm>> -> memref<160x125xi32, #tpu.memory_space<hbm>>
      %dma_start3A_13 = arith.constant 0 : i32
      %dma_start3A_14 = arith.constant 0 : i32
      %dma_start3A_15 = tpu.memref_slice %arg4[%arg1, %dma_start3A_13, %dma_start3A_14] : memref<16x160x125xi32, #tpu.memory_space<hbm>> -> memref<1x160x125xi32, #tpu.memory_space<hbm>>
      %dma_start3A_16 = tpu.memref_squeeze %dma_start3A_15 : memref<1x160x125xi32, #tpu.memory_space<hbm>> -> memref<160x125xi32, #tpu.memory_space<hbm>>
      tpu.enqueue_dma source(%dma_start3A_16 : memref<160x125xi32, #tpu.memory_space<hbm>>) target(%arg7 : memref<160x125xi32, #tpu.memory_space<vmem>>) target_semaphore(%run_scoped3A : memref<!tpu.dma_semaphore, #tpu.memory_space<semaphore_mem>>)
      %dma_wait3A = arith.constant 0 : i32
      %dma_wait3A_17 = arith.constant 0 : i32
      %dma_wait3A_18 = tpu.memref_slice %arg4[%arg1, %dma_wait3A, %dma_wait3A_17] : memref<16x160x125xi32, #tpu.memory_space<hbm>> -> memref<1x160x125xi32, #tpu.memory_space<hbm>>
      %dma_wait3A_19 = tpu.memref_squeeze %dma_wait3A_18 : memref<1x160x125xi32, #tpu.memory_space<hbm>> -> memref<160x125xi32, #tpu.memory_space<hbm>>
      %dma_wait3A_20 = arith.constant 0 : i32
      %dma_wait3A_21 = arith.constant 0 : i32
      %dma_wait3A_22 = tpu.memref_slice %arg4[%arg1, %dma_wait3A_20, %dma_wait3A_21] : memref<16x160x125xi32, #tpu.memory_space<hbm>> -> memref<1x160x125xi32, #tpu.memory_space<hbm>>
      %dma_wait3A_23 = tpu.memref_squeeze %dma_wait3A_22 : memref<1x160x125xi32, #tpu.memory_space<hbm>> -> memref<160x125xi32, #tpu.memory_space<hbm>>
      tpu.wait_dma2 semaphore(%run_scoped3A : memref<!tpu.dma_semaphore, #tpu.memory_space<semaphore_mem>>) src(%dma_wait3A_23 : memref<160x125xi32, #tpu.memory_space<hbm>>) dst(%arg7 : memref<160x125xi32, #tpu.memory_space<vmem>>)
      tpu.yield
    }) : () -> ()
    "tpu.region"() ({
      %run_scoped3A = tpu.sem_alloc : memref<!tpu.dma_semaphore, #tpu.memory_space<semaphore_mem>>
      %dma_start3A = arith.constant 0 : i32
      %dma_start3A_10 = arith.constant 0 : i32
      %dma_start3A_11 = tpu.memref_slice %arg5[%arg1, %dma_start3A, %dma_start3A_10] : memref<16x160x125xi32, #tpu.memory_space<hbm>> -> memref<1x160x125xi32, #tpu.memory_space<hbm>>
      %dma_start3A_12 = tpu.memref_squeeze %dma_start3A_11 : memref<1x160x125xi32, #tpu.memory_space<hbm>> -> memref<160x125xi32, #tpu.memory_space<hbm>>
      %dma_start3A_13 = arith.constant 0 : i32
      %dma_start3A_14 = arith.constant 0 : i32
      %dma_start3A_15 = tpu.memref_slice %arg5[%arg1, %dma_start3A_13, %dma_start3A_14] : memref<16x160x125xi32, #tpu.memory_space<hbm>> -> memref<1x160x125xi32, #tpu.memory_space<hbm>>
      %dma_start3A_16 = tpu.memref_squeeze %dma_start3A_15 : memref<1x160x125xi32, #tpu.memory_space<hbm>> -> memref<160x125xi32, #tpu.memory_space<hbm>>
      tpu.enqueue_dma source(%dma_start3A_16 : memref<160x125xi32, #tpu.memory_space<hbm>>) target(%arg8 : memref<160x125xi32, #tpu.memory_space<vmem>>) target_semaphore(%run_scoped3A : memref<!tpu.dma_semaphore, #tpu.memory_space<semaphore_mem>>)
      %dma_wait3A = arith.constant 0 : i32
      %dma_wait3A_17 = arith.constant 0 : i32
      %dma_wait3A_18 = tpu.memref_slice %arg5[%arg1, %dma_wait3A, %dma_wait3A_17] : memref<16x160x125xi32, #tpu.memory_space<hbm>> -> memref<1x160x125xi32, #tpu.memory_space<hbm>>
      %dma_wait3A_19 = tpu.memref_squeeze %dma_wait3A_18 : memref<1x160x125xi32, #tpu.memory_space<hbm>> -> memref<160x125xi32, #tpu.memory_space<hbm>>
      %dma_wait3A_20 = arith.constant 0 : i32
      %dma_wait3A_21 = arith.constant 0 : i32
      %dma_wait3A_22 = tpu.memref_slice %arg5[%arg1, %dma_wait3A_20, %dma_wait3A_21] : memref<16x160x125xi32, #tpu.memory_space<hbm>> -> memref<1x160x125xi32, #tpu.memory_space<hbm>>
      %dma_wait3A_23 = tpu.memref_squeeze %dma_wait3A_22 : memref<1x160x125xi32, #tpu.memory_space<hbm>> -> memref<160x125xi32, #tpu.memory_space<hbm>>
      tpu.wait_dma2 semaphore(%run_scoped3A : memref<!tpu.dma_semaphore, #tpu.memory_space<semaphore_mem>>) src(%dma_wait3A_23 : memref<160x125xi32, #tpu.memory_space<hbm>>) dst(%arg8 : memref<160x125xi32, #tpu.memory_space<vmem>>)
      tpu.yield
    }) : () -> ()
    %eq3A = arith.constant 0 : i32
    %eq3A_0 = arith.cmpi eq, %arg0, %eq3A : i32
    %convert_element_type3A = arith.extui %eq3A_0 : i1 to i32
    %cond3A = arith.constant 0 : i32
    %cond3A_1 = arith.cmpi ne, %convert_element_type3A, %cond3A : i32
    scf.if %cond3A_1 {
      %mul3A_10 = arith.constant 640 : i32
      %mul3A_11 = arith.muli %arg1, %mul3A_10 : i32
      %mul3A_12 = arith.constant 640 : i32
      %mul3A_13 = arith.muli %arg1, %mul3A_12 : i32
      "tpu.region"() ({
        %run_scoped3A = tpu.sem_alloc : memref<!tpu.dma_semaphore, #tpu.memory_space<semaphore_mem>>
        %dma_start3A_26 = arith.constant 0 : i32
        %dma_start3A_27 = tpu.memref_slice %arg11[%mul3A_13, %dma_start3A_26] : memref<10240x64xf32, #tpu.memory_space<vmem_shared>> -> memref<640x64xf32, #tpu.memory_space<vmem_shared>>
        %dma_start3A_28 = arith.constant 0 : i32
        %dma_start3A_29 = tpu.memref_slice %arg2[%mul3A_11, %dma_start3A_28] : memref<10240x64xf32, #tpu.memory_space<hbm>> -> memref<640x64xf32, #tpu.memory_space<hbm>>
        tpu.enqueue_dma source(%dma_start3A_29 : memref<640x64xf32, #tpu.memory_space<hbm>>) target(%dma_start3A_27 : memref<640x64xf32, #tpu.memory_space<vmem_shared>>) target_semaphore(%run_scoped3A : memref<!tpu.dma_semaphore, #tpu.memory_space<semaphore_mem>>)
        %dma_wait3A = arith.constant 0 : i32
        %dma_wait3A_30 = tpu.memref_slice %arg11[%mul3A_13, %dma_wait3A] : memref<10240x64xf32, #tpu.memory_space<vmem_shared>> -> memref<640x64xf32, #tpu.memory_space<vmem_shared>>
        %dma_wait3A_31 = arith.constant 0 : i32
        %dma_wait3A_32 = tpu.memref_slice %arg2[%mul3A_11, %dma_wait3A_31] : memref<10240x64xf32, #tpu.memory_space<hbm>> -> memref<640x64xf32, #tpu.memory_space<hbm>>
        tpu.wait_dma2 semaphore(%run_scoped3A : memref<!tpu.dma_semaphore, #tpu.memory_space<semaphore_mem>>) src(%dma_wait3A_32 : memref<640x64xf32, #tpu.memory_space<hbm>>) dst(%dma_wait3A_30 : memref<640x64xf32, #tpu.memory_space<vmem_shared>>)
        tpu.yield
      }) : () -> ()
      %barrier3A_14 = arith.constant 0 : index
      tpu.barrier barrier_id(%barrier3A_14)
      %dma_start3A = arith.constant 0 : i32
      %dma_start3A_15 = arith.constant 0 : i32
      %dma_start3A_16 = tpu.memref_slice %arg7[%dma_start3A, %dma_start3A_15] : memref<160x125xi32, #tpu.memory_space<vmem>> -> memref<1x125xi32, #tpu.memory_space<vmem>>
      %dma_start3A_17 = tpu.memref_squeeze %dma_start3A_16 : memref<1x125xi32, #tpu.memory_space<vmem>> -> memref<125xi32, #tpu.memory_space<vmem>>
      %dma_start3A_18 = arith.constant 0 : i32
      %dma_start3A_19 = arith.constant 0 : i32
      %dma_start3A_20 = tpu.memref_slice %arg2[%dma_start3A_18, %dma_start3A_19] : memref<10240x64xf32, #tpu.memory_space<hbm>> -> memref<10240x64xf32, #tpu.memory_space<hbm>>
      tpu.enqueue_indirect_dma source(%dma_start3A_20 : memref<10240x64xf32, #tpu.memory_space<hbm>>) target(%arg9 : memref<125x64xf32, #tpu.memory_space<vmem>>) offsets(%dma_start3A_17 : memref<125xi32, #tpu.memory_space<vmem>>) semaphore(%arg12 : memref<!tpu.dma_semaphore, #tpu.memory_space<semaphore_mem>>)
      %scan3A = arith.constant 0 : i32
      %scan3A_21 = arith.constant 0 : i32
      %scan3A_22 = arith.constant 80 : i32
      %scan3A_23 = arith.addi %scan3A_21, %scan3A_22 : i32
      %scan3A_24 = arith.constant 1 : i32
      scf.for %scan3A_26 = %scan3A_21 to %scan3A_23 step %scan3A_24  : i32 {
        %mul3A_27 = arith.constant 2 : i32
        %mul3A_28 = arith.muli %mul3A_27, %scan3A_26 : i32
        %add3A = arith.constant 1 : i32
        %add3A_29 = arith.addi %mul3A_28, %add3A : i32
        %dma_start3A_30 = arith.constant 0 : i32
        %dma_start3A_31 = tpu.memref_slice %arg7[%add3A_29, %dma_start3A_30] : memref<160x125xi32, #tpu.memory_space<vmem>> -> memref<1x125xi32, #tpu.memory_space<vmem>>
        %dma_start3A_32 = tpu.memref_squeeze %dma_start3A_31 : memref<1x125xi32, #tpu.memory_space<vmem>> -> memref<125xi32, #tpu.memory_space<vmem>>
        %dma_start3A_33 = arith.constant 0 : i32
        %dma_start3A_34 = arith.constant 0 : i32
        %dma_start3A_35 = tpu.memref_slice %arg2[%dma_start3A_33, %dma_start3A_34] : memref<10240x64xf32, #tpu.memory_space<hbm>> -> memref<10240x64xf32, #tpu.memory_space<hbm>>
        tpu.enqueue_indirect_dma source(%dma_start3A_35 : memref<10240x64xf32, #tpu.memory_space<hbm>>) target(%arg10 : memref<125x64xf32, #tpu.memory_space<vmem>>) offsets(%dma_start3A_32 : memref<125xi32, #tpu.memory_space<vmem>>) semaphore(%arg13 : memref<!tpu.dma_semaphore, #tpu.memory_space<semaphore_mem>>)
        %dma_wait3A = arith.constant 0 : i32
        %dma_wait3A_36 = tpu.memref_slice %arg7[%mul3A_28, %dma_wait3A] : memref<160x125xi32, #tpu.memory_space<vmem>> -> memref<1x125xi32, #tpu.memory_space<vmem>>
        %dma_wait3A_37 = tpu.memref_squeeze %dma_wait3A_36 : memref<1x125xi32, #tpu.memory_space<vmem>> -> memref<125xi32, #tpu.memory_space<vmem>>
        %dma_wait3A_38 = arith.constant 0 : i32
        %dma_wait3A_39 = arith.constant 0 : i32
        %dma_wait3A_40 = tpu.memref_slice %arg2[%dma_wait3A_38, %dma_wait3A_39] : memref<10240x64xf32, #tpu.memory_space<hbm>> -> memref<10240x64xf32, #tpu.memory_space<hbm>>
        tpu.wait_indirect_dma semaphore(%arg12 : memref<!tpu.dma_semaphore, #tpu.memory_space<semaphore_mem>>) src(%dma_wait3A_40 : memref<10240x64xf32, #tpu.memory_space<hbm>>) dst(%arg9 : memref<125x64xf32, #tpu.memory_space<vmem>>)
        %run_scoped3A = arith.constant 0 : i32
        "tpu.region"() ({
          %run_scoped3A_54 = tpu.sem_alloc : memref<!tpu.dma_semaphore, #tpu.memory_space<semaphore_mem>>
          %dma_start3A_55 = arith.constant 0 : i32
          %dma_start3A_56 = tpu.memref_slice %arg8[%run_scoped3A, %dma_start3A_55] : memref<160x125xi32, #tpu.memory_space<vmem>> -> memref<1x125xi32, #tpu.memory_space<vmem>>
          %dma_start3A_57 = tpu.memref_squeeze %dma_start3A_56 : memref<1x125xi32, #tpu.memory_space<vmem>> -> memref<125xi32, #tpu.memory_space<vmem>>
          %dma_start3A_58 = arith.constant 0 : i32
          %dma_start3A_59 = arith.constant 0 : i32
          %dma_start3A_60 = tpu.memref_slice %arg11[%dma_start3A_58, %dma_start3A_59] : memref<10240x64xf32, #tpu.memory_space<vmem_shared>> -> memref<10240x64xf32, #tpu.memory_space<vmem_shared>>
          tpu.enqueue_indirect_dma source(%arg9 : memref<125x64xf32, #tpu.memory_space<vmem>>) target(%dma_start3A_60 : memref<10240x64xf32, #tpu.memory_space<vmem_shared>>) offsets(%dma_start3A_57 : memref<125xi32, #tpu.memory_space<vmem>>) semaphore(%run_scoped3A_54 : memref<!tpu.dma_semaphore, #tpu.memory_space<semaphore_mem>>) {add = true}
          %dma_wait3A_61 = arith.constant 0 : i32
          %dma_wait3A_62 = tpu.memref_slice %arg8[%run_scoped3A, %dma_wait3A_61] : memref<160x125xi32, #tpu.memory_space<vmem>> -> memref<1x125xi32, #tpu.memory_space<vmem>>
          %dma_wait3A_63 = tpu.memref_squeeze %dma_wait3A_62 : memref<1x125xi32, #tpu.memory_space<vmem>> -> memref<125xi32, #tpu.memory_space<vmem>>
          %dma_wait3A_64 = arith.constant 0 : i32
          %dma_wait3A_65 = arith.constant 0 : i32
          %dma_wait3A_66 = tpu.memref_slice %arg11[%dma_wait3A_64, %dma_wait3A_65] : memref<10240x64xf32, #tpu.memory_space<vmem_shared>> -> memref<10240x64xf32, #tpu.memory_space<vmem_shared>>
          tpu.wait_indirect_dma semaphore(%run_scoped3A_54 : memref<!tpu.dma_semaphore, #tpu.memory_space<semaphore_mem>>) src(%arg9 : memref<125x64xf32, #tpu.memory_space<vmem>>) dst(%dma_wait3A_66 : memref<10240x64xf32, #tpu.memory_space<vmem_shared>>)
          tpu.yield
        }) : () -> ()
        %add3A_41 = arith.constant 2 : i32
        %add3A_42 = arith.addi %mul3A_28, %add3A_41 : i32
        %lt3A = arith.constant 160 : i32
        %lt3A_43 = arith.cmpi slt, %add3A_42, %lt3A : i32
        %convert_element_type3A_44 = arith.extui %lt3A_43 : i1 to i32
        %cond3A_45 = arith.constant 0 : i32
        %cond3A_46 = arith.cmpi ne, %convert_element_type3A_44, %cond3A_45 : i32
        scf.if %cond3A_46 {
          %add3A_54 = arith.constant 2 : i32
          %add3A_55 = arith.addi %mul3A_28, %add3A_54 : i32
          %dma_start3A_56 = arith.constant 0 : i32
          %dma_start3A_57 = tpu.memref_slice %arg7[%add3A_55, %dma_start3A_56] : memref<160x125xi32, #tpu.memory_space<vmem>> -> memref<1x125xi32, #tpu.memory_space<vmem>>
          %dma_start3A_58 = tpu.memref_squeeze %dma_start3A_57 : memref<1x125xi32, #tpu.memory_space<vmem>> -> memref<125xi32, #tpu.memory_space<vmem>>
          %dma_start3A_59 = arith.constant 0 : i32
          %dma_start3A_60 = arith.constant 0 : i32
          %dma_start3A_61 = tpu.memref_slice %arg2[%dma_start3A_59, %dma_start3A_60] : memref<10240x64xf32, #tpu.memory_space<hbm>> -> memref<10240x64xf32, #tpu.memory_space<hbm>>
          tpu.enqueue_indirect_dma source(%dma_start3A_61 : memref<10240x64xf32, #tpu.memory_space<hbm>>) target(%arg9 : memref<125x64xf32, #tpu.memory_space<vmem>>) offsets(%dma_start3A_58 : memref<125xi32, #tpu.memory_space<vmem>>) semaphore(%arg12 : memref<!tpu.dma_semaphore, #tpu.memory_space<semaphore_mem>>)
        } else {
        }
        %dma_wait3A_47 = arith.constant 0 : i32
        %dma_wait3A_48 = tpu.memref_slice %arg7[%add3A_29, %dma_wait3A_47] : memref<160x125xi32, #tpu.memory_space<vmem>> -> memref<1x125xi32, #tpu.memory_space<vmem>>
        %dma_wait3A_49 = tpu.memref_squeeze %dma_wait3A_48 : memref<1x125xi32, #tpu.memory_space<vmem>> -> memref<125xi32, #tpu.memory_space<vmem>>
        %dma_wait3A_50 = arith.constant 0 : i32
        %dma_wait3A_51 = arith.constant 0 : i32
        %dma_wait3A_52 = tpu.memref_slice %arg2[%dma_wait3A_50, %dma_wait3A_51] : memref<10240x64xf32, #tpu.memory_space<hbm>> -> memref<10240x64xf32, #tpu.memory_space<hbm>>
        tpu.wait_indirect_dma semaphore(%arg13 : memref<!tpu.dma_semaphore, #tpu.memory_space<semaphore_mem>>) src(%dma_wait3A_52 : memref<10240x64xf32, #tpu.memory_space<hbm>>) dst(%arg10 : memref<125x64xf32, #tpu.memory_space<vmem>>)
        %run_scoped3A_53 = arith.constant 0 : i32
        "tpu.region"() ({
          %run_scoped3A_54 = tpu.sem_alloc : memref<!tpu.dma_semaphore, #tpu.memory_space<semaphore_mem>>
          %dma_start3A_55 = arith.constant 0 : i32
          %dma_start3A_56 = tpu.memref_slice %arg8[%run_scoped3A_53, %dma_start3A_55] : memref<160x125xi32, #tpu.memory_space<vmem>> -> memref<1x125xi32, #tpu.memory_space<vmem>>
          %dma_start3A_57 = tpu.memref_squeeze %dma_start3A_56 : memref<1x125xi32, #tpu.memory_space<vmem>> -> memref<125xi32, #tpu.memory_space<vmem>>
          %dma_start3A_58 = arith.constant 0 : i32
          %dma_start3A_59 = arith.constant 0 : i32
          %dma_start3A_60 = tpu.memref_slice %arg11[%dma_start3A_58, %dma_start3A_59] : memref<10240x64xf32, #tpu.memory_space<vmem_shared>> -> memref<10240x64xf32, #tpu.memory_space<vmem_shared>>
          tpu.enqueue_indirect_dma source(%arg10 : memref<125x64xf32, #tpu.memory_space<vmem>>) target(%dma_start3A_60 : memref<10240x64xf32, #tpu.memory_space<vmem_shared>>) offsets(%dma_start3A_57 : memref<125xi32, #tpu.memory_space<vmem>>) semaphore(%run_scoped3A_54 : memref<!tpu.dma_semaphore, #tpu.memory_space<semaphore_mem>>) {add = true}
          %dma_wait3A_61 = arith.constant 0 : i32
          %dma_wait3A_62 = tpu.memref_slice %arg8[%run_scoped3A_53, %dma_wait3A_61] : memref<160x125xi32, #tpu.memory_space<vmem>> -> memref<1x125xi32, #tpu.memory_space<vmem>>
          %dma_wait3A_63 = tpu.memref_squeeze %dma_wait3A_62 : memref<1x125xi32, #tpu.memory_space<vmem>> -> memref<125xi32, #tpu.memory_space<vmem>>
          %dma_wait3A_64 = arith.constant 0 : i32
          %dma_wait3A_65 = arith.constant 0 : i32
          %dma_wait3A_66 = tpu.memref_slice %arg11[%dma_wait3A_64, %dma_wait3A_65] : memref<10240x64xf32, #tpu.memory_space<vmem_shared>> -> memref<10240x64xf32, #tpu.memory_space<vmem_shared>>
          tpu.wait_indirect_dma semaphore(%run_scoped3A_54 : memref<!tpu.dma_semaphore, #tpu.memory_space<semaphore_mem>>) src(%arg10 : memref<125x64xf32, #tpu.memory_space<vmem>>) dst(%dma_wait3A_66 : memref<10240x64xf32, #tpu.memory_space<vmem_shared>>)
          tpu.yield
        }) : () -> ()
      }
      %scan3A_25 = arith.constant 80 : i32
    } else {
    }
    %eq3A_2 = arith.constant 1 : i32
    %eq3A_3 = arith.cmpi eq, %arg0, %eq3A_2 : i32
    %convert_element_type3A_4 = arith.extui %eq3A_3 : i1 to i32
    %cond3A_5 = arith.constant 0 : i32
    %cond3A_6 = arith.cmpi ne, %convert_element_type3A_4, %cond3A_5 : i32
    scf.if %cond3A_6 {
      %mul3A_10 = arith.constant 640 : i32
      %mul3A_11 = arith.muli %arg1, %mul3A_10 : i32
      %mul3A_12 = arith.constant 640 : i32
      %mul3A_13 = arith.muli %arg1, %mul3A_12 : i32
      "tpu.region"() ({
        %run_scoped3A = tpu.sem_alloc : memref<!tpu.dma_semaphore, #tpu.memory_space<semaphore_mem>>
        %dma_start3A_26 = arith.constant 0 : i32
        %dma_start3A_27 = tpu.memref_slice %arg11[%mul3A_13, %dma_start3A_26] : memref<10240x64xf32, #tpu.memory_space<vmem_shared>> -> memref<640x64xf32, #tpu.memory_space<vmem_shared>>
        %dma_start3A_28 = arith.constant 0 : i32
        %dma_start3A_29 = tpu.memref_slice %arg3[%mul3A_11, %dma_start3A_28] : memref<10240x64xf32, #tpu.memory_space<hbm>> -> memref<640x64xf32, #tpu.memory_space<hbm>>
        tpu.enqueue_dma source(%dma_start3A_29 : memref<640x64xf32, #tpu.memory_space<hbm>>) target(%dma_start3A_27 : memref<640x64xf32, #tpu.memory_space<vmem_shared>>) target_semaphore(%run_scoped3A : memref<!tpu.dma_semaphore, #tpu.memory_space<semaphore_mem>>)
        %dma_wait3A = arith.constant 0 : i32
        %dma_wait3A_30 = tpu.memref_slice %arg11[%mul3A_13, %dma_wait3A] : memref<10240x64xf32, #tpu.memory_space<vmem_shared>> -> memref<640x64xf32, #tpu.memory_space<vmem_shared>>
        %dma_wait3A_31 = arith.constant 0 : i32
        %dma_wait3A_32 = tpu.memref_slice %arg3[%mul3A_11, %dma_wait3A_31] : memref<10240x64xf32, #tpu.memory_space<hbm>> -> memref<640x64xf32, #tpu.memory_space<hbm>>
        tpu.wait_dma2 semaphore(%run_scoped3A : memref<!tpu.dma_semaphore, #tpu.memory_space<semaphore_mem>>) src(%dma_wait3A_32 : memref<640x64xf32, #tpu.memory_space<hbm>>) dst(%dma_wait3A_30 : memref<640x64xf32, #tpu.memory_space<vmem_shared>>)
        tpu.yield
      }) : () -> ()
      %barrier3A_14 = arith.constant 0 : index
      tpu.barrier barrier_id(%barrier3A_14)
      %dma_start3A = arith.constant 0 : i32
      %dma_start3A_15 = arith.constant 0 : i32
      %dma_start3A_16 = tpu.memref_slice %arg7[%dma_start3A, %dma_start3A_15] : memref<160x125xi32, #tpu.memory_space<vmem>> -> memref<1x125xi32, #tpu.memory_space<vmem>>
      %dma_start3A_17 = tpu.memref_squeeze %dma_start3A_16 : memref<1x125xi32, #tpu.memory_space<vmem>> -> memref<125xi32, #tpu.memory_space<vmem>>
      %dma_start3A_18 = arith.constant 0 : i32
      %dma_start3A_19 = arith.constant 0 : i32
      %dma_start3A_20 = tpu.memref_slice %arg3[%dma_start3A_18, %dma_start3A_19] : memref<10240x64xf32, #tpu.memory_space<hbm>> -> memref<10240x64xf32, #tpu.memory_space<hbm>>
      tpu.enqueue_indirect_dma source(%dma_start3A_20 : memref<10240x64xf32, #tpu.memory_space<hbm>>) target(%arg9 : memref<125x64xf32, #tpu.memory_space<vmem>>) offsets(%dma_start3A_17 : memref<125xi32, #tpu.memory_space<vmem>>) semaphore(%arg12 : memref<!tpu.dma_semaphore, #tpu.memory_space<semaphore_mem>>)
      %scan3A = arith.constant 0 : i32
      %scan3A_21 = arith.constant 0 : i32
      %scan3A_22 = arith.constant 80 : i32
      %scan3A_23 = arith.addi %scan3A_21, %scan3A_22 : i32
      %scan3A_24 = arith.constant 1 : i32
      scf.for %scan3A_26 = %scan3A_21 to %scan3A_23 step %scan3A_24  : i32 {
        %mul3A_27 = arith.constant 2 : i32
        %mul3A_28 = arith.muli %mul3A_27, %scan3A_26 : i32
        %add3A = arith.constant 1 : i32
        %add3A_29 = arith.addi %mul3A_28, %add3A : i32
        %dma_start3A_30 = arith.constant 0 : i32
        %dma_start3A_31 = tpu.memref_slice %arg7[%add3A_29, %dma_start3A_30] : memref<160x125xi32, #tpu.memory_space<vmem>> -> memref<1x125xi32, #tpu.memory_space<vmem>>
        %dma_start3A_32 = tpu.memref_squeeze %dma_start3A_31 : memref<1x125xi32, #tpu.memory_space<vmem>> -> memref<125xi32, #tpu.memory_space<vmem>>
        %dma_start3A_33 = arith.constant 0 : i32
        %dma_start3A_34 = arith.constant 0 : i32
        %dma_start3A_35 = tpu.memref_slice %arg3[%dma_start3A_33, %dma_start3A_34] : memref<10240x64xf32, #tpu.memory_space<hbm>> -> memref<10240x64xf32, #tpu.memory_space<hbm>>
        tpu.enqueue_indirect_dma source(%dma_start3A_35 : memref<10240x64xf32, #tpu.memory_space<hbm>>) target(%arg10 : memref<125x64xf32, #tpu.memory_space<vmem>>) offsets(%dma_start3A_32 : memref<125xi32, #tpu.memory_space<vmem>>) semaphore(%arg13 : memref<!tpu.dma_semaphore, #tpu.memory_space<semaphore_mem>>)
        %dma_wait3A = arith.constant 0 : i32
        %dma_wait3A_36 = tpu.memref_slice %arg7[%mul3A_28, %dma_wait3A] : memref<160x125xi32, #tpu.memory_space<vmem>> -> memref<1x125xi32, #tpu.memory_space<vmem>>
        %dma_wait3A_37 = tpu.memref_squeeze %dma_wait3A_36 : memref<1x125xi32, #tpu.memory_space<vmem>> -> memref<125xi32, #tpu.memory_space<vmem>>
        %dma_wait3A_38 = arith.constant 0 : i32
        %dma_wait3A_39 = arith.constant 0 : i32
        %dma_wait3A_40 = tpu.memref_slice %arg3[%dma_wait3A_38, %dma_wait3A_39] : memref<10240x64xf32, #tpu.memory_space<hbm>> -> memref<10240x64xf32, #tpu.memory_space<hbm>>
        tpu.wait_indirect_dma semaphore(%arg12 : memref<!tpu.dma_semaphore, #tpu.memory_space<semaphore_mem>>) src(%dma_wait3A_40 : memref<10240x64xf32, #tpu.memory_space<hbm>>) dst(%arg9 : memref<125x64xf32, #tpu.memory_space<vmem>>)
        %run_scoped3A = arith.constant 0 : i32
        "tpu.region"() ({
          %run_scoped3A_54 = tpu.sem_alloc : memref<!tpu.dma_semaphore, #tpu.memory_space<semaphore_mem>>
          %dma_start3A_55 = arith.constant 0 : i32
          %dma_start3A_56 = tpu.memref_slice %arg8[%run_scoped3A, %dma_start3A_55] : memref<160x125xi32, #tpu.memory_space<vmem>> -> memref<1x125xi32, #tpu.memory_space<vmem>>
          %dma_start3A_57 = tpu.memref_squeeze %dma_start3A_56 : memref<1x125xi32, #tpu.memory_space<vmem>> -> memref<125xi32, #tpu.memory_space<vmem>>
          %dma_start3A_58 = arith.constant 0 : i32
          %dma_start3A_59 = arith.constant 0 : i32
          %dma_start3A_60 = tpu.memref_slice %arg11[%dma_start3A_58, %dma_start3A_59] : memref<10240x64xf32, #tpu.memory_space<vmem_shared>> -> memref<10240x64xf32, #tpu.memory_space<vmem_shared>>
          tpu.enqueue_indirect_dma source(%arg9 : memref<125x64xf32, #tpu.memory_space<vmem>>) target(%dma_start3A_60 : memref<10240x64xf32, #tpu.memory_space<vmem_shared>>) offsets(%dma_start3A_57 : memref<125xi32, #tpu.memory_space<vmem>>) semaphore(%run_scoped3A_54 : memref<!tpu.dma_semaphore, #tpu.memory_space<semaphore_mem>>) {add = true}
          %dma_wait3A_61 = arith.constant 0 : i32
          %dma_wait3A_62 = tpu.memref_slice %arg8[%run_scoped3A, %dma_wait3A_61] : memref<160x125xi32, #tpu.memory_space<vmem>> -> memref<1x125xi32, #tpu.memory_space<vmem>>
          %dma_wait3A_63 = tpu.memref_squeeze %dma_wait3A_62 : memref<1x125xi32, #tpu.memory_space<vmem>> -> memref<125xi32, #tpu.memory_space<vmem>>
          %dma_wait3A_64 = arith.constant 0 : i32
          %dma_wait3A_65 = arith.constant 0 : i32
          %dma_wait3A_66 = tpu.memref_slice %arg11[%dma_wait3A_64, %dma_wait3A_65] : memref<10240x64xf32, #tpu.memory_space<vmem_shared>> -> memref<10240x64xf32, #tpu.memory_space<vmem_shared>>
          tpu.wait_indirect_dma semaphore(%run_scoped3A_54 : memref<!tpu.dma_semaphore, #tpu.memory_space<semaphore_mem>>) src(%arg9 : memref<125x64xf32, #tpu.memory_space<vmem>>) dst(%dma_wait3A_66 : memref<10240x64xf32, #tpu.memory_space<vmem_shared>>)
          tpu.yield
        }) : () -> ()
        %add3A_41 = arith.constant 2 : i32
        %add3A_42 = arith.addi %mul3A_28, %add3A_41 : i32
        %lt3A = arith.constant 160 : i32
        %lt3A_43 = arith.cmpi slt, %add3A_42, %lt3A : i32
        %convert_element_type3A_44 = arith.extui %lt3A_43 : i1 to i32
        %cond3A_45 = arith.constant 0 : i32
        %cond3A_46 = arith.cmpi ne, %convert_element_type3A_44, %cond3A_45 : i32
        scf.if %cond3A_46 {
          %add3A_54 = arith.constant 2 : i32
          %add3A_55 = arith.addi %mul3A_28, %add3A_54 : i32
          %dma_start3A_56 = arith.constant 0 : i32
          %dma_start3A_57 = tpu.memref_slice %arg7[%add3A_55, %dma_start3A_56] : memref<160x125xi32, #tpu.memory_space<vmem>> -> memref<1x125xi32, #tpu.memory_space<vmem>>
          %dma_start3A_58 = tpu.memref_squeeze %dma_start3A_57 : memref<1x125xi32, #tpu.memory_space<vmem>> -> memref<125xi32, #tpu.memory_space<vmem>>
          %dma_start3A_59 = arith.constant 0 : i32
          %dma_start3A_60 = arith.constant 0 : i32
          %dma_start3A_61 = tpu.memref_slice %arg3[%dma_start3A_59, %dma_start3A_60] : memref<10240x64xf32, #tpu.memory_space<hbm>> -> memref<10240x64xf32, #tpu.memory_space<hbm>>
          tpu.enqueue_indirect_dma source(%dma_start3A_61 : memref<10240x64xf32, #tpu.memory_space<hbm>>) target(%arg9 : memref<125x64xf32, #tpu.memory_space<vmem>>) offsets(%dma_start3A_58 : memref<125xi32, #tpu.memory_space<vmem>>) semaphore(%arg12 : memref<!tpu.dma_semaphore, #tpu.memory_space<semaphore_mem>>)
        } else {
        }
        %dma_wait3A_47 = arith.constant 0 : i32
        %dma_wait3A_48 = tpu.memref_slice %arg7[%add3A_29, %dma_wait3A_47] : memref<160x125xi32, #tpu.memory_space<vmem>> -> memref<1x125xi32, #tpu.memory_space<vmem>>
        %dma_wait3A_49 = tpu.memref_squeeze %dma_wait3A_48 : memref<1x125xi32, #tpu.memory_space<vmem>> -> memref<125xi32, #tpu.memory_space<vmem>>
        %dma_wait3A_50 = arith.constant 0 : i32
        %dma_wait3A_51 = arith.constant 0 : i32
        %dma_wait3A_52 = tpu.memref_slice %arg3[%dma_wait3A_50, %dma_wait3A_51] : memref<10240x64xf32, #tpu.memory_space<hbm>> -> memref<10240x64xf32, #tpu.memory_space<hbm>>
        tpu.wait_indirect_dma semaphore(%arg13 : memref<!tpu.dma_semaphore, #tpu.memory_space<semaphore_mem>>) src(%dma_wait3A_52 : memref<10240x64xf32, #tpu.memory_space<hbm>>) dst(%arg10 : memref<125x64xf32, #tpu.memory_space<vmem>>)
        %run_scoped3A_53 = arith.constant 0 : i32
        "tpu.region"() ({
          %run_scoped3A_54 = tpu.sem_alloc : memref<!tpu.dma_semaphore, #tpu.memory_space<semaphore_mem>>
          %dma_start3A_55 = arith.constant 0 : i32
          %dma_start3A_56 = tpu.memref_slice %arg8[%run_scoped3A_53, %dma_start3A_55] : memref<160x125xi32, #tpu.memory_space<vmem>> -> memref<1x125xi32, #tpu.memory_space<vmem>>
          %dma_start3A_57 = tpu.memref_squeeze %dma_start3A_56 : memref<1x125xi32, #tpu.memory_space<vmem>> -> memref<125xi32, #tpu.memory_space<vmem>>
          %dma_start3A_58 = arith.constant 0 : i32
          %dma_start3A_59 = arith.constant 0 : i32
          %dma_start3A_60 = tpu.memref_slice %arg11[%dma_start3A_58, %dma_start3A_59] : memref<10240x64xf32, #tpu.memory_space<vmem_shared>> -> memref<10240x64xf32, #tpu.memory_space<vmem_shared>>
          tpu.enqueue_indirect_dma source(%arg10 : memref<125x64xf32, #tpu.memory_space<vmem>>) target(%dma_start3A_60 : memref<10240x64xf32, #tpu.memory_space<vmem_shared>>) offsets(%dma_start3A_57 : memref<125xi32, #tpu.memory_space<vmem>>) semaphore(%run_scoped3A_54 : memref<!tpu.dma_semaphore, #tpu.memory_space<semaphore_mem>>) {add = true}
          %dma_wait3A_61 = arith.constant 0 : i32
          %dma_wait3A_62 = tpu.memref_slice %arg8[%run_scoped3A_53, %dma_wait3A_61] : memref<160x125xi32, #tpu.memory_space<vmem>> -> memref<1x125xi32, #tpu.memory_space<vmem>>
          %dma_wait3A_63 = tpu.memref_squeeze %dma_wait3A_62 : memref<1x125xi32, #tpu.memory_space<vmem>> -> memref<125xi32, #tpu.memory_space<vmem>>
          %dma_wait3A_64 = arith.constant 0 : i32
          %dma_wait3A_65 = arith.constant 0 : i32
          %dma_wait3A_66 = tpu.memref_slice %arg11[%dma_wait3A_64, %dma_wait3A_65] : memref<10240x64xf32, #tpu.memory_space<vmem_shared>> -> memref<10240x64xf32, #tpu.memory_space<vmem_shared>>
          tpu.wait_indirect_dma semaphore(%run_scoped3A_54 : memref<!tpu.dma_semaphore, #tpu.memory_space<semaphore_mem>>) src(%arg10 : memref<125x64xf32, #tpu.memory_space<vmem>>) dst(%dma_wait3A_66 : memref<10240x64xf32, #tpu.memory_space<vmem_shared>>)
          tpu.yield
        }) : () -> ()
      }
      %scan3A_25 = arith.constant 80 : i32
    } else {
    }
    %barrier3A = arith.constant 0 : index
    tpu.barrier barrier_id(%barrier3A)
    %mul3A = arith.constant 640 : i32
    %mul3A_7 = arith.muli %arg1, %mul3A : i32
    %mul3A_8 = arith.constant 640 : i32
    %mul3A_9 = arith.muli %arg1, %mul3A_8 : i32
    "tpu.region"() ({
      %run_scoped3A = tpu.sem_alloc : memref<!tpu.dma_semaphore, #tpu.memory_space<semaphore_mem>>
      %dma_start3A = arith.constant 0 : i32
      %dma_start3A_10 = tpu.memref_slice %arg6[%arg0, %mul3A_9, %dma_start3A] : memref<2x10240x64xf32, #tpu.memory_space<hbm>> -> memref<1x640x64xf32, #tpu.memory_space<hbm>>
      %dma_start3A_11 = tpu.memref_squeeze %dma_start3A_10 : memref<1x640x64xf32, #tpu.memory_space<hbm>> -> memref<640x64xf32, #tpu.memory_space<hbm>>
      %dma_start3A_12 = arith.constant 0 : i32
      %dma_start3A_13 = tpu.memref_slice %arg11[%mul3A_7, %dma_start3A_12] : memref<10240x64xf32, #tpu.memory_space<vmem_shared>> -> memref<640x64xf32, #tpu.memory_space<vmem_shared>>
      tpu.enqueue_dma source(%dma_start3A_13 : memref<640x64xf32, #tpu.memory_space<vmem_shared>>) target(%dma_start3A_11 : memref<640x64xf32, #tpu.memory_space<hbm>>) target_semaphore(%run_scoped3A : memref<!tpu.dma_semaphore, #tpu.memory_space<semaphore_mem>>)
      %dma_wait3A = arith.constant 0 : i32
      %dma_wait3A_14 = tpu.memref_slice %arg6[%arg0, %mul3A_9, %dma_wait3A] : memref<2x10240x64xf32, #tpu.memory_space<hbm>> -> memref<1x640x64xf32, #tpu.memory_space<hbm>>
      %dma_wait3A_15 = tpu.memref_squeeze %dma_wait3A_14 : memref<1x640x64xf32, #tpu.memory_space<hbm>> -> memref<640x64xf32, #tpu.memory_space<hbm>>
      %dma_wait3A_16 = arith.constant 0 : i32
      %dma_wait3A_17 = tpu.memref_slice %arg11[%mul3A_7, %dma_wait3A_16] : memref<10240x64xf32, #tpu.memory_space<vmem_shared>> -> memref<640x64xf32, #tpu.memory_space<vmem_shared>>
      tpu.wait_dma2 semaphore(%run_scoped3A : memref<!tpu.dma_semaphore, #tpu.memory_space<semaphore_mem>>) src(%dma_wait3A_17 : memref<640x64xf32, #tpu.memory_space<vmem_shared>>) dst(%dma_wait3A_15 : memref<640x64xf32, #tpu.memory_space<hbm>>)
      tpu.yield
    }) : () -> ()
    return
  }
}

#map = affine_map<(d0, d1) -> (0, 0, 0)>
#map1 = affine_map<(d0, d1) -> (0, 0)>
module attributes {stable_mosaic.version = 14 : i64} {
  func.func @deg_k(%arg0: i32, %arg1: i32, %arg2: memref<32x125x80xi32, #tpu.memory_space<hbm>>, %arg3: memref<2x10240xf32, #tpu.memory_space<hbm>>, %arg4: memref<125x80xi32, #tpu.memory_space<vmem>>, %arg5: memref<80xf32, #tpu.memory_space<vmem>>, %arg6: memref<640xf32, #tpu.memory_space<vmem>>, %arg7: memref<10240xf32, #tpu.memory_space<vmem_shared>>) attributes {dimension_semantics = [#tpu.dimension_semantics<core_parallel>, #tpu.dimension_semantics<subcore_parallel>], iteration_bounds = array<i64: 2, 16>, scalar_prefetch = 0 : i64, scratch_operands = 4 : i64, tpu.core_type = #tpu.core_type<sc_vector_subcore>, window_params = [{transform_indices = #map}, {transform_indices = #map1}]} {
    %mul3A = arith.constant 16 : i32
    %mul3A_0 = arith.muli %arg0, %mul3A : i32
    %add3A = arith.addi %mul3A_0, %arg1 : i32
    %broadcast_in_dim3A = arith.constant 1.000000e+00 : f32
    %broadcast_in_dim3A_1 = vector.broadcast %broadcast_in_dim3A : f32 to vector<16xf32>
    %swap3A = arith.constant 0 : index
    %swap3A_2 = tpu.vector_load %arg5[%swap3A] {strides = array<i32>} : memref<80xf32, #tpu.memory_space<vmem>>, vector<16xf32>,
    %swap3A_3 = vector.shape_cast %swap3A_2 : vector<16xf32> to vector<16xf32>
    %swap3A_4 = vector.shape_cast %broadcast_in_dim3A_1 : vector<16xf32> to vector<16xf32>
    tpu.vector_store %arg5[%swap3A], %swap3A_4 {strides = array<i32>} : memref<80xf32, #tpu.memory_space<vmem>>, vector<16xf32>,
    %broadcast_in_dim3A_5 = arith.constant 1.000000e+00 : f32
    %broadcast_in_dim3A_6 = vector.broadcast %broadcast_in_dim3A_5 : f32 to vector<16xf32>
    %swap3A_7 = arith.constant 16 : index
    %swap3A_8 = tpu.vector_load %arg5[%swap3A_7] {strides = array<i32>} : memref<80xf32, #tpu.memory_space<vmem>>, vector<16xf32>,
    %swap3A_9 = vector.shape_cast %swap3A_8 : vector<16xf32> to vector<16xf32>
    %swap3A_10 = vector.shape_cast %broadcast_in_dim3A_6 : vector<16xf32> to vector<16xf32>
    tpu.vector_store %arg5[%swap3A_7], %swap3A_10 {strides = array<i32>} : memref<80xf32, #tpu.memory_space<vmem>>, vector<16xf32>,
    %broadcast_in_dim3A_11 = arith.constant 1.000000e+00 : f32
    %broadcast_in_dim3A_12 = vector.broadcast %broadcast_in_dim3A_11 : f32 to vector<16xf32>
    %swap3A_13 = arith.constant 32 : index
    %swap3A_14 = tpu.vector_load %arg5[%swap3A_13] {strides = array<i32>} : memref<80xf32, #tpu.memory_space<vmem>>, vector<16xf32>,
    %swap3A_15 = vector.shape_cast %swap3A_14 : vector<16xf32> to vector<16xf32>
    %swap3A_16 = vector.shape_cast %broadcast_in_dim3A_12 : vector<16xf32> to vector<16xf32>
    tpu.vector_store %arg5[%swap3A_13], %swap3A_16 {strides = array<i32>} : memref<80xf32, #tpu.memory_space<vmem>>, vector<16xf32>,
    %broadcast_in_dim3A_17 = arith.constant 1.000000e+00 : f32
    %broadcast_in_dim3A_18 = vector.broadcast %broadcast_in_dim3A_17 : f32 to vector<16xf32>
    %swap3A_19 = arith.constant 48 : index
    %swap3A_20 = tpu.vector_load %arg5[%swap3A_19] {strides = array<i32>} : memref<80xf32, #tpu.memory_space<vmem>>, vector<16xf32>,
    %swap3A_21 = vector.shape_cast %swap3A_20 : vector<16xf32> to vector<16xf32>
    %swap3A_22 = vector.shape_cast %broadcast_in_dim3A_18 : vector<16xf32> to vector<16xf32>
    tpu.vector_store %arg5[%swap3A_19], %swap3A_22 {strides = array<i32>} : memref<80xf32, #tpu.memory_space<vmem>>, vector<16xf32>,
    %broadcast_in_dim3A_23 = arith.constant 1.000000e+00 : f32
    %broadcast_in_dim3A_24 = vector.broadcast %broadcast_in_dim3A_23 : f32 to vector<16xf32>
    %swap3A_25 = arith.constant 64 : index
    %swap3A_26 = tpu.vector_load %arg5[%swap3A_25] {strides = array<i32>} : memref<80xf32, #tpu.memory_space<vmem>>, vector<16xf32>,
    %swap3A_27 = vector.shape_cast %swap3A_26 : vector<16xf32> to vector<16xf32>
    %swap3A_28 = vector.shape_cast %broadcast_in_dim3A_24 : vector<16xf32> to vector<16xf32>
    tpu.vector_store %arg5[%swap3A_25], %swap3A_28 {strides = array<i32>} : memref<80xf32, #tpu.memory_space<vmem>>, vector<16xf32>,
    %broadcast_in_dim3A_29 = arith.constant 0.000000e+00 : f32
    %broadcast_in_dim3A_30 = vector.broadcast %broadcast_in_dim3A_29 : f32 to vector<16xf32>
    %swap3A_31 = arith.constant 0 : index
    %swap3A_32 = tpu.vector_load %arg6[%swap3A_31] {strides = array<i32>} : memref<640xf32, #tpu.memory_space<vmem>>, vector<16xf32>,
    %swap3A_33 = vector.shape_cast %swap3A_32 : vector<16xf32> to vector<16xf32>
    %swap3A_34 = vector.shape_cast %broadcast_in_dim3A_30 : vector<16xf32> to vector<16xf32>
    tpu.vector_store %arg6[%swap3A_31], %swap3A_34 {strides = array<i32>} : memref<640xf32, #tpu.memory_space<vmem>>, vector<16xf32>,
    %broadcast_in_dim3A_35 = arith.constant 0.000000e+00 : f32
    %broadcast_in_dim3A_36 = vector.broadcast %broadcast_in_dim3A_35 : f32 to vector<16xf32>
    %swap3A_37 = arith.constant 16 : index
    %swap3A_38 = tpu.vector_load %arg6[%swap3A_37] {strides = array<i32>} : memref<640xf32, #tpu.memory_space<vmem>>, vector<16xf32>,
    %swap3A_39 = vector.shape_cast %swap3A_38 : vector<16xf32> to vector<16xf32>
    %swap3A_40 = vector.shape_cast %broadcast_in_dim3A_36 : vector<16xf32> to vector<16xf32>
    tpu.vector_store %arg6[%swap3A_37], %swap3A_40 {strides = array<i32>} : memref<640xf32, #tpu.memory_space<vmem>>, vector<16xf32>,
    %broadcast_in_dim3A_41 = arith.constant 0.000000e+00 : f32
    %broadcast_in_dim3A_42 = vector.broadcast %broadcast_in_dim3A_41 : f32 to vector<16xf32>
    %swap3A_43 = arith.constant 32 : index
    %swap3A_44 = tpu.vector_load %arg6[%swap3A_43] {strides = array<i32>} : memref<640xf32, #tpu.memory_space<vmem>>, vector<16xf32>,
    %swap3A_45 = vector.shape_cast %swap3A_44 : vector<16xf32> to vector<16xf32>
    %swap3A_46 = vector.shape_cast %broadcast_in_dim3A_42 : vector<16xf32> to vector<16xf32>
    tpu.vector_store %arg6[%swap3A_43], %swap3A_46 {strides = array<i32>} : memref<640xf32, #tpu.memory_space<vmem>>, vector<16xf32>,
    %broadcast_in_dim3A_47 = arith.constant 0.000000e+00 : f32
    %broadcast_in_dim3A_48 = vector.broadcast %broadcast_in_dim3A_47 : f32 to vector<16xf32>
    %swap3A_49 = arith.constant 48 : index
    %swap3A_50 = tpu.vector_load %arg6[%swap3A_49] {strides = array<i32>} : memref<640xf32, #tpu.memory_space<vmem>>, vector<16xf32>,
    %swap3A_51 = vector.shape_cast %swap3A_50 : vector<16xf32> to vector<16xf32>
    %swap3A_52 = vector.shape_cast %broadcast_in_dim3A_48 : vector<16xf32> to vector<16xf32>
    tpu.vector_store %arg6[%swap3A_49], %swap3A_52 {strides = array<i32>} : memref<640xf32, #tpu.memory_space<vmem>>, vector<16xf32>,
    %broadcast_in_dim3A_53 = arith.constant 0.000000e+00 : f32
    %broadcast_in_dim3A_54 = vector.broadcast %broadcast_in_dim3A_53 : f32 to vector<16xf32>
    %swap3A_55 = arith.constant 64 : index
    %swap3A_56 = tpu.vector_load %arg6[%swap3A_55] {strides = array<i32>} : memref<640xf32, #tpu.memory_space<vmem>>, vector<16xf32>,
    %swap3A_57 = vector.shape_cast %swap3A_56 : vector<16xf32> to vector<16xf32>
    %swap3A_58 = vector.shape_cast %broadcast_in_dim3A_54 : vector<16xf32> to vector<16xf32>
    tpu.vector_store %arg6[%swap3A_55], %swap3A_58 {strides = array<i32>} : memref<640xf32, #tpu.memory_space<vmem>>, vector<16xf32>,
    %broadcast_in_dim3A_59 = arith.constant 0.000000e+00 : f32
    %broadcast_in_dim3A_60 = vector.broadcast %broadcast_in_dim3A_59 : f32 to vector<16xf32>
    %swap3A_61 = arith.constant 80 : index
    %swap3A_62 = tpu.vector_load %arg6[%swap3A_61] {strides = array<i32>} : memref<640xf32, #tpu.memory_space<vmem>>, vector<16xf32>,
    %swap3A_63 = vector.shape_cast %swap3A_62 : vector<16xf32> to vector<16xf32>
    %swap3A_64 = vector.shape_cast %broadcast_in_dim3A_60 : vector<16xf32> to vector<16xf32>
    tpu.vector_store %arg6[%swap3A_61], %swap3A_64 {strides = array<i32>} : memref<640xf32, #tpu.memory_space<vmem>>, vector<16xf32>,
    %broadcast_in_dim3A_65 = arith.constant 0.000000e+00 : f32
    %broadcast_in_dim3A_66 = vector.broadcast %broadcast_in_dim3A_65 : f32 to vector<16xf32>
    %swap3A_67 = arith.constant 96 : index
    %swap3A_68 = tpu.vector_load %arg6[%swap3A_67] {strides = array<i32>} : memref<640xf32, #tpu.memory_space<vmem>>, vector<16xf32>,
    %swap3A_69 = vector.shape_cast %swap3A_68 : vector<16xf32> to vector<16xf32>
    %swap3A_70 = vector.shape_cast %broadcast_in_dim3A_66 : vector<16xf32> to vector<16xf32>
    tpu.vector_store %arg6[%swap3A_67], %swap3A_70 {strides = array<i32>} : memref<640xf32, #tpu.memory_space<vmem>>, vector<16xf32>,
    %broadcast_in_dim3A_71 = arith.constant 0.000000e+00 : f32
    %broadcast_in_dim3A_72 = vector.broadcast %broadcast_in_dim3A_71 : f32 to vector<16xf32>
    %swap3A_73 = arith.constant 112 : index
    %swap3A_74 = tpu.vector_load %arg6[%swap3A_73] {strides = array<i32>} : memref<640xf32, #tpu.memory_space<vmem>>, vector<16xf32>,
    %swap3A_75 = vector.shape_cast %swap3A_74 : vector<16xf32> to vector<16xf32>
    %swap3A_76 = vector.shape_cast %broadcast_in_dim3A_72 : vector<16xf32> to vector<16xf32>
    tpu.vector_store %arg6[%swap3A_73], %swap3A_76 {strides = array<i32>} : memref<640xf32, #tpu.memory_space<vmem>>, vector<16xf32>,
    %broadcast_in_dim3A_77 = arith.constant 0.000000e+00 : f32
    %broadcast_in_dim3A_78 = vector.broadcast %broadcast_in_dim3A_77 : f32 to vector<16xf32>
    %swap3A_79 = arith.constant 128 : index
    %swap3A_80 = tpu.vector_load %arg6[%swap3A_79] {strides = array<i32>} : memref<640xf32, #tpu.memory_space<vmem>>, vector<16xf32>,
    %swap3A_81 = vector.shape_cast %swap3A_80 : vector<16xf32> to vector<16xf32>
    %swap3A_82 = vector.shape_cast %broadcast_in_dim3A_78 : vector<16xf32> to vector<16xf32>
    tpu.vector_store %arg6[%swap3A_79], %swap3A_82 {strides = array<i32>} : memref<640xf32, #tpu.memory_space<vmem>>, vector<16xf32>,
    %broadcast_in_dim3A_83 = arith.constant 0.000000e+00 : f32
    %broadcast_in_dim3A_84 = vector.broadcast %broadcast_in_dim3A_83 : f32 to vector<16xf32>
    %swap3A_85 = arith.constant 144 : index
    %swap3A_86 = tpu.vector_load %arg6[%swap3A_85] {strides = array<i32>} : memref<640xf32, #tpu.memory_space<vmem>>, vector<16xf32>,
    %swap3A_87 = vector.shape_cast %swap3A_86 : vector<16xf32> to vector<16xf32>
    %swap3A_88 = vector.shape_cast %broadcast_in_dim3A_84 : vector<16xf32> to vector<16xf32>
    tpu.vector_store %arg6[%swap3A_85], %swap3A_88 {strides = array<i32>} : memref<640xf32, #tpu.memory_space<vmem>>, vector<16xf32>,
    %broadcast_in_dim3A_89 = arith.constant 0.000000e+00 : f32
    %broadcast_in_dim3A_90 = vector.broadcast %broadcast_in_dim3A_89 : f32 to vector<16xf32>
    %swap3A_91 = arith.constant 160 : index
    %swap3A_92 = tpu.vector_load %arg6[%swap3A_91] {strides = array<i32>} : memref<640xf32, #tpu.memory_space<vmem>>, vector<16xf32>,
    %swap3A_93 = vector.shape_cast %swap3A_92 : vector<16xf32> to vector<16xf32>
    %swap3A_94 = vector.shape_cast %broadcast_in_dim3A_90 : vector<16xf32> to vector<16xf32>
    tpu.vector_store %arg6[%swap3A_91], %swap3A_94 {strides = array<i32>} : memref<640xf32, #tpu.memory_space<vmem>>, vector<16xf32>,
    %broadcast_in_dim3A_95 = arith.constant 0.000000e+00 : f32
    %broadcast_in_dim3A_96 = vector.broadcast %broadcast_in_dim3A_95 : f32 to vector<16xf32>
    %swap3A_97 = arith.constant 176 : index
    %swap3A_98 = tpu.vector_load %arg6[%swap3A_97] {strides = array<i32>} : memref<640xf32, #tpu.memory_space<vmem>>, vector<16xf32>,
    %swap3A_99 = vector.shape_cast %swap3A_98 : vector<16xf32> to vector<16xf32>
    %swap3A_100 = vector.shape_cast %broadcast_in_dim3A_96 : vector<16xf32> to vector<16xf32>
    tpu.vector_store %arg6[%swap3A_97], %swap3A_100 {strides = array<i32>} : memref<640xf32, #tpu.memory_space<vmem>>, vector<16xf32>,
    %broadcast_in_dim3A_101 = arith.constant 0.000000e+00 : f32
    %broadcast_in_dim3A_102 = vector.broadcast %broadcast_in_dim3A_101 : f32 to vector<16xf32>
    %swap3A_103 = arith.constant 192 : index
    %swap3A_104 = tpu.vector_load %arg6[%swap3A_103] {strides = array<i32>} : memref<640xf32, #tpu.memory_space<vmem>>, vector<16xf32>,
    %swap3A_105 = vector.shape_cast %swap3A_104 : vector<16xf32> to vector<16xf32>
    %swap3A_106 = vector.shape_cast %broadcast_in_dim3A_102 : vector<16xf32> to vector<16xf32>
    tpu.vector_store %arg6[%swap3A_103], %swap3A_106 {strides = array<i32>} : memref<640xf32, #tpu.memory_space<vmem>>, vector<16xf32>,
    %broadcast_in_dim3A_107 = arith.constant 0.000000e+00 : f32
    %broadcast_in_dim3A_108 = vector.broadcast %broadcast_in_dim3A_107 : f32 to vector<16xf32>
    %swap3A_109 = arith.constant 208 : index
    %swap3A_110 = tpu.vector_load %arg6[%swap3A_109] {strides = array<i32>} : memref<640xf32, #tpu.memory_space<vmem>>, vector<16xf32>,
    %swap3A_111 = vector.shape_cast %swap3A_110 : vector<16xf32> to vector<16xf32>
    %swap3A_112 = vector.shape_cast %broadcast_in_dim3A_108 : vector<16xf32> to vector<16xf32>
    tpu.vector_store %arg6[%swap3A_109], %swap3A_112 {strides = array<i32>} : memref<640xf32, #tpu.memory_space<vmem>>, vector<16xf32>,
    %broadcast_in_dim3A_113 = arith.constant 0.000000e+00 : f32
    %broadcast_in_dim3A_114 = vector.broadcast %broadcast_in_dim3A_113 : f32 to vector<16xf32>
    %swap3A_115 = arith.constant 224 : index
    %swap3A_116 = tpu.vector_load %arg6[%swap3A_115] {strides = array<i32>} : memref<640xf32, #tpu.memory_space<vmem>>, vector<16xf32>,
    %swap3A_117 = vector.shape_cast %swap3A_116 : vector<16xf32> to vector<16xf32>
    %swap3A_118 = vector.shape_cast %broadcast_in_dim3A_114 : vector<16xf32> to vector<16xf32>
    tpu.vector_store %arg6[%swap3A_115], %swap3A_118 {strides = array<i32>} : memref<640xf32, #tpu.memory_space<vmem>>, vector<16xf32>,
    %broadcast_in_dim3A_119 = arith.constant 0.000000e+00 : f32
    %broadcast_in_dim3A_120 = vector.broadcast %broadcast_in_dim3A_119 : f32 to vector<16xf32>
    %swap3A_121 = arith.constant 240 : index
    %swap3A_122 = tpu.vector_load %arg6[%swap3A_121] {strides = array<i32>} : memref<640xf32, #tpu.memory_space<vmem>>, vector<16xf32>,
    %swap3A_123 = vector.shape_cast %swap3A_122 : vector<16xf32> to vector<16xf32>
    %swap3A_124 = vector.shape_cast %broadcast_in_dim3A_120 : vector<16xf32> to vector<16xf32>
    tpu.vector_store %arg6[%swap3A_121], %swap3A_124 {strides = array<i32>} : memref<640xf32, #tpu.memory_space<vmem>>, vector<16xf32>,
    %broadcast_in_dim3A_125 = arith.constant 0.000000e+00 : f32
    %broadcast_in_dim3A_126 = vector.broadcast %broadcast_in_dim3A_125 : f32 to vector<16xf32>
    %swap3A_127 = arith.constant 256 : index
    %swap3A_128 = tpu.vector_load %arg6[%swap3A_127] {strides = array<i32>} : memref<640xf32, #tpu.memory_space<vmem>>, vector<16xf32>,
    %swap3A_129 = vector.shape_cast %swap3A_128 : vector<16xf32> to vector<16xf32>
    %swap3A_130 = vector.shape_cast %broadcast_in_dim3A_126 : vector<16xf32> to vector<16xf32>
    tpu.vector_store %arg6[%swap3A_127], %swap3A_130 {strides = array<i32>} : memref<640xf32, #tpu.memory_space<vmem>>, vector<16xf32>,
    %broadcast_in_dim3A_131 = arith.constant 0.000000e+00 : f32
    %broadcast_in_dim3A_132 = vector.broadcast %broadcast_in_dim3A_131 : f32 to vector<16xf32>
    %swap3A_133 = arith.constant 272 : index
    %swap3A_134 = tpu.vector_load %arg6[%swap3A_133] {strides = array<i32>} : memref<640xf32, #tpu.memory_space<vmem>>, vector<16xf32>,
    %swap3A_135 = vector.shape_cast %swap3A_134 : vector<16xf32> to vector<16xf32>
    %swap3A_136 = vector.shape_cast %broadcast_in_dim3A_132 : vector<16xf32> to vector<16xf32>
    tpu.vector_store %arg6[%swap3A_133], %swap3A_136 {strides = array<i32>} : memref<640xf32, #tpu.memory_space<vmem>>, vector<16xf32>,
    %broadcast_in_dim3A_137 = arith.constant 0.000000e+00 : f32
    %broadcast_in_dim3A_138 = vector.broadcast %broadcast_in_dim3A_137 : f32 to vector<16xf32>
    %swap3A_139 = arith.constant 288 : index
    %swap3A_140 = tpu.vector_load %arg6[%swap3A_139] {strides = array<i32>} : memref<640xf32, #tpu.memory_space<vmem>>, vector<16xf32>,
    %swap3A_141 = vector.shape_cast %swap3A_140 : vector<16xf32> to vector<16xf32>
    %swap3A_142 = vector.shape_cast %broadcast_in_dim3A_138 : vector<16xf32> to vector<16xf32>
    tpu.vector_store %arg6[%swap3A_139], %swap3A_142 {strides = array<i32>} : memref<640xf32, #tpu.memory_space<vmem>>, vector<16xf32>,
    %broadcast_in_dim3A_143 = arith.constant 0.000000e+00 : f32
    %broadcast_in_dim3A_144 = vector.broadcast %broadcast_in_dim3A_143 : f32 to vector<16xf32>
    %swap3A_145 = arith.constant 304 : index
    %swap3A_146 = tpu.vector_load %arg6[%swap3A_145] {strides = array<i32>} : memref<640xf32, #tpu.memory_space<vmem>>, vector<16xf32>,
    %swap3A_147 = vector.shape_cast %swap3A_146 : vector<16xf32> to vector<16xf32>
    %swap3A_148 = vector.shape_cast %broadcast_in_dim3A_144 : vector<16xf32> to vector<16xf32>
    tpu.vector_store %arg6[%swap3A_145], %swap3A_148 {strides = array<i32>} : memref<640xf32, #tpu.memory_space<vmem>>, vector<16xf32>,
    %broadcast_in_dim3A_149 = arith.constant 0.000000e+00 : f32
    %broadcast_in_dim3A_150 = vector.broadcast %broadcast_in_dim3A_149 : f32 to vector<16xf32>
    %swap3A_151 = arith.constant 320 : index
    %swap3A_152 = tpu.vector_load %arg6[%swap3A_151] {strides = array<i32>} : memref<640xf32, #tpu.memory_space<vmem>>, vector<16xf32>,
    %swap3A_153 = vector.shape_cast %swap3A_152 : vector<16xf32> to vector<16xf32>
    %swap3A_154 = vector.shape_cast %broadcast_in_dim3A_150 : vector<16xf32> to vector<16xf32>
    tpu.vector_store %arg6[%swap3A_151], %swap3A_154 {strides = array<i32>} : memref<640xf32, #tpu.memory_space<vmem>>, vector<16xf32>,
    %broadcast_in_dim3A_155 = arith.constant 0.000000e+00 : f32
    %broadcast_in_dim3A_156 = vector.broadcast %broadcast_in_dim3A_155 : f32 to vector<16xf32>
    %swap3A_157 = arith.constant 336 : index
    %swap3A_158 = tpu.vector_load %arg6[%swap3A_157] {strides = array<i32>} : memref<640xf32, #tpu.memory_space<vmem>>, vector<16xf32>,
    %swap3A_159 = vector.shape_cast %swap3A_158 : vector<16xf32> to vector<16xf32>
    %swap3A_160 = vector.shape_cast %broadcast_in_dim3A_156 : vector<16xf32> to vector<16xf32>
    tpu.vector_store %arg6[%swap3A_157], %swap3A_160 {strides = array<i32>} : memref<640xf32, #tpu.memory_space<vmem>>, vector<16xf32>,
    %broadcast_in_dim3A_161 = arith.constant 0.000000e+00 : f32
    %broadcast_in_dim3A_162 = vector.broadcast %broadcast_in_dim3A_161 : f32 to vector<16xf32>
    %swap3A_163 = arith.constant 352 : index
    %swap3A_164 = tpu.vector_load %arg6[%swap3A_163] {strides = array<i32>} : memref<640xf32, #tpu.memory_space<vmem>>, vector<16xf32>,
    %swap3A_165 = vector.shape_cast %swap3A_164 : vector<16xf32> to vector<16xf32>
    %swap3A_166 = vector.shape_cast %broadcast_in_dim3A_162 : vector<16xf32> to vector<16xf32>
    tpu.vector_store %arg6[%swap3A_163], %swap3A_166 {strides = array<i32>} : memref<640xf32, #tpu.memory_space<vmem>>, vector<16xf32>,
    %broadcast_in_dim3A_167 = arith.constant 0.000000e+00 : f32
    %broadcast_in_dim3A_168 = vector.broadcast %broadcast_in_dim3A_167 : f32 to vector<16xf32>
    %swap3A_169 = arith.constant 368 : index
    %swap3A_170 = tpu.vector_load %arg6[%swap3A_169] {strides = array<i32>} : memref<640xf32, #tpu.memory_space<vmem>>, vector<16xf32>,
    %swap3A_171 = vector.shape_cast %swap3A_170 : vector<16xf32> to vector<16xf32>
    %swap3A_172 = vector.shape_cast %broadcast_in_dim3A_168 : vector<16xf32> to vector<16xf32>
    tpu.vector_store %arg6[%swap3A_169], %swap3A_172 {strides = array<i32>} : memref<640xf32, #tpu.memory_space<vmem>>, vector<16xf32>,
    %broadcast_in_dim3A_173 = arith.constant 0.000000e+00 : f32
    %broadcast_in_dim3A_174 = vector.broadcast %broadcast_in_dim3A_173 : f32 to vector<16xf32>
    %swap3A_175 = arith.constant 384 : index
    %swap3A_176 = tpu.vector_load %arg6[%swap3A_175] {strides = array<i32>} : memref<640xf32, #tpu.memory_space<vmem>>, vector<16xf32>,
    %swap3A_177 = vector.shape_cast %swap3A_176 : vector<16xf32> to vector<16xf32>
    %swap3A_178 = vector.shape_cast %broadcast_in_dim3A_174 : vector<16xf32> to vector<16xf32>
    tpu.vector_store %arg6[%swap3A_175], %swap3A_178 {strides = array<i32>} : memref<640xf32, #tpu.memory_space<vmem>>, vector<16xf32>,
    %broadcast_in_dim3A_179 = arith.constant 0.000000e+00 : f32
    %broadcast_in_dim3A_180 = vector.broadcast %broadcast_in_dim3A_179 : f32 to vector<16xf32>
    %swap3A_181 = arith.constant 400 : index
    %swap3A_182 = tpu.vector_load %arg6[%swap3A_181] {strides = array<i32>} : memref<640xf32, #tpu.memory_space<vmem>>, vector<16xf32>,
    %swap3A_183 = vector.shape_cast %swap3A_182 : vector<16xf32> to vector<16xf32>
    %swap3A_184 = vector.shape_cast %broadcast_in_dim3A_180 : vector<16xf32> to vector<16xf32>
    tpu.vector_store %arg6[%swap3A_181], %swap3A_184 {strides = array<i32>} : memref<640xf32, #tpu.memory_space<vmem>>, vector<16xf32>,
    %broadcast_in_dim3A_185 = arith.constant 0.000000e+00 : f32
    %broadcast_in_dim3A_186 = vector.broadcast %broadcast_in_dim3A_185 : f32 to vector<16xf32>
    %swap3A_187 = arith.constant 416 : index
    %swap3A_188 = tpu.vector_load %arg6[%swap3A_187] {strides = array<i32>} : memref<640xf32, #tpu.memory_space<vmem>>, vector<16xf32>,
    %swap3A_189 = vector.shape_cast %swap3A_188 : vector<16xf32> to vector<16xf32>
    %swap3A_190 = vector.shape_cast %broadcast_in_dim3A_186 : vector<16xf32> to vector<16xf32>
    tpu.vector_store %arg6[%swap3A_187], %swap3A_190 {strides = array<i32>} : memref<640xf32, #tpu.memory_space<vmem>>, vector<16xf32>,
    %broadcast_in_dim3A_191 = arith.constant 0.000000e+00 : f32
    %broadcast_in_dim3A_192 = vector.broadcast %broadcast_in_dim3A_191 : f32 to vector<16xf32>
    %swap3A_193 = arith.constant 432 : index
    %swap3A_194 = tpu.vector_load %arg6[%swap3A_193] {strides = array<i32>} : memref<640xf32, #tpu.memory_space<vmem>>, vector<16xf32>,
    %swap3A_195 = vector.shape_cast %swap3A_194 : vector<16xf32> to vector<16xf32>
    %swap3A_196 = vector.shape_cast %broadcast_in_dim3A_192 : vector<16xf32> to vector<16xf32>
    tpu.vector_store %arg6[%swap3A_193], %swap3A_196 {strides = array<i32>} : memref<640xf32, #tpu.memory_space<vmem>>, vector<16xf32>,
    %broadcast_in_dim3A_197 = arith.constant 0.000000e+00 : f32
    %broadcast_in_dim3A_198 = vector.broadcast %broadcast_in_dim3A_197 : f32 to vector<16xf32>
    %swap3A_199 = arith.constant 448 : index
    %swap3A_200 = tpu.vector_load %arg6[%swap3A_199] {strides = array<i32>} : memref<640xf32, #tpu.memory_space<vmem>>, vector<16xf32>,
    %swap3A_201 = vector.shape_cast %swap3A_200 : vector<16xf32> to vector<16xf32>
    %swap3A_202 = vector.shape_cast %broadcast_in_dim3A_198 : vector<16xf32> to vector<16xf32>
    tpu.vector_store %arg6[%swap3A_199], %swap3A_202 {strides = array<i32>} : memref<640xf32, #tpu.memory_space<vmem>>, vector<16xf32>,
    %broadcast_in_dim3A_203 = arith.constant 0.000000e+00 : f32
    %broadcast_in_dim3A_204 = vector.broadcast %broadcast_in_dim3A_203 : f32 to vector<16xf32>
    %swap3A_205 = arith.constant 464 : index
    %swap3A_206 = tpu.vector_load %arg6[%swap3A_205] {strides = array<i32>} : memref<640xf32, #tpu.memory_space<vmem>>, vector<16xf32>,
    %swap3A_207 = vector.shape_cast %swap3A_206 : vector<16xf32> to vector<16xf32>
    %swap3A_208 = vector.shape_cast %broadcast_in_dim3A_204 : vector<16xf32> to vector<16xf32>
    tpu.vector_store %arg6[%swap3A_205], %swap3A_208 {strides = array<i32>} : memref<640xf32, #tpu.memory_space<vmem>>, vector<16xf32>,
    %broadcast_in_dim3A_209 = arith.constant 0.000000e+00 : f32
    %broadcast_in_dim3A_210 = vector.broadcast %broadcast_in_dim3A_209 : f32 to vector<16xf32>
    %swap3A_211 = arith.constant 480 : index
    %swap3A_212 = tpu.vector_load %arg6[%swap3A_211] {strides = array<i32>} : memref<640xf32, #tpu.memory_space<vmem>>, vector<16xf32>,
    %swap3A_213 = vector.shape_cast %swap3A_212 : vector<16xf32> to vector<16xf32>
    %swap3A_214 = vector.shape_cast %broadcast_in_dim3A_210 : vector<16xf32> to vector<16xf32>
    tpu.vector_store %arg6[%swap3A_211], %swap3A_214 {strides = array<i32>} : memref<640xf32, #tpu.memory_space<vmem>>, vector<16xf32>,
    %broadcast_in_dim3A_215 = arith.constant 0.000000e+00 : f32
    %broadcast_in_dim3A_216 = vector.broadcast %broadcast_in_dim3A_215 : f32 to vector<16xf32>
    %swap3A_217 = arith.constant 496 : index
    %swap3A_218 = tpu.vector_load %arg6[%swap3A_217] {strides = array<i32>} : memref<640xf32, #tpu.memory_space<vmem>>, vector<16xf32>,
    %swap3A_219 = vector.shape_cast %swap3A_218 : vector<16xf32> to vector<16xf32>
    %swap3A_220 = vector.shape_cast %broadcast_in_dim3A_216 : vector<16xf32> to vector<16xf32>
    tpu.vector_store %arg6[%swap3A_217], %swap3A_220 {strides = array<i32>} : memref<640xf32, #tpu.memory_space<vmem>>, vector<16xf32>,
    %broadcast_in_dim3A_221 = arith.constant 0.000000e+00 : f32
    %broadcast_in_dim3A_222 = vector.broadcast %broadcast_in_dim3A_221 : f32 to vector<16xf32>
    %swap3A_223 = arith.constant 512 : index
    %swap3A_224 = tpu.vector_load %arg6[%swap3A_223] {strides = array<i32>} : memref<640xf32, #tpu.memory_space<vmem>>, vector<16xf32>,
    %swap3A_225 = vector.shape_cast %swap3A_224 : vector<16xf32> to vector<16xf32>
    %swap3A_226 = vector.shape_cast %broadcast_in_dim3A_222 : vector<16xf32> to vector<16xf32>
    tpu.vector_store %arg6[%swap3A_223], %swap3A_226 {strides = array<i32>} : memref<640xf32, #tpu.memory_space<vmem>>, vector<16xf32>,
    %broadcast_in_dim3A_227 = arith.constant 0.000000e+00 : f32
    %broadcast_in_dim3A_228 = vector.broadcast %broadcast_in_dim3A_227 : f32 to vector<16xf32>
    %swap3A_229 = arith.constant 528 : index
    %swap3A_230 = tpu.vector_load %arg6[%swap3A_229] {strides = array<i32>} : memref<640xf32, #tpu.memory_space<vmem>>, vector<16xf32>,
    %swap3A_231 = vector.shape_cast %swap3A_230 : vector<16xf32> to vector<16xf32>
    %swap3A_232 = vector.shape_cast %broadcast_in_dim3A_228 : vector<16xf32> to vector<16xf32>
    tpu.vector_store %arg6[%swap3A_229], %swap3A_232 {strides = array<i32>} : memref<640xf32, #tpu.memory_space<vmem>>, vector<16xf32>,
    %broadcast_in_dim3A_233 = arith.constant 0.000000e+00 : f32
    %broadcast_in_dim3A_234 = vector.broadcast %broadcast_in_dim3A_233 : f32 to vector<16xf32>
    %swap3A_235 = arith.constant 544 : index
    %swap3A_236 = tpu.vector_load %arg6[%swap3A_235] {strides = array<i32>} : memref<640xf32, #tpu.memory_space<vmem>>, vector<16xf32>,
    %swap3A_237 = vector.shape_cast %swap3A_236 : vector<16xf32> to vector<16xf32>
    %swap3A_238 = vector.shape_cast %broadcast_in_dim3A_234 : vector<16xf32> to vector<16xf32>
    tpu.vector_store %arg6[%swap3A_235], %swap3A_238 {strides = array<i32>} : memref<640xf32, #tpu.memory_space<vmem>>, vector<16xf32>,
    %broadcast_in_dim3A_239 = arith.constant 0.000000e+00 : f32
    %broadcast_in_dim3A_240 = vector.broadcast %broadcast_in_dim3A_239 : f32 to vector<16xf32>
    %swap3A_241 = arith.constant 560 : index
    %swap3A_242 = tpu.vector_load %arg6[%swap3A_241] {strides = array<i32>} : memref<640xf32, #tpu.memory_space<vmem>>, vector<16xf32>,
    %swap3A_243 = vector.shape_cast %swap3A_242 : vector<16xf32> to vector<16xf32>
    %swap3A_244 = vector.shape_cast %broadcast_in_dim3A_240 : vector<16xf32> to vector<16xf32>
    tpu.vector_store %arg6[%swap3A_241], %swap3A_244 {strides = array<i32>} : memref<640xf32, #tpu.memory_space<vmem>>, vector<16xf32>,
    %broadcast_in_dim3A_245 = arith.constant 0.000000e+00 : f32
    %broadcast_in_dim3A_246 = vector.broadcast %broadcast_in_dim3A_245 : f32 to vector<16xf32>
    %swap3A_247 = arith.constant 576 : index
    %swap3A_248 = tpu.vector_load %arg6[%swap3A_247] {strides = array<i32>} : memref<640xf32, #tpu.memory_space<vmem>>, vector<16xf32>,
    %swap3A_249 = vector.shape_cast %swap3A_248 : vector<16xf32> to vector<16xf32>
    %swap3A_250 = vector.shape_cast %broadcast_in_dim3A_246 : vector<16xf32> to vector<16xf32>
    tpu.vector_store %arg6[%swap3A_247], %swap3A_250 {strides = array<i32>} : memref<640xf32, #tpu.memory_space<vmem>>, vector<16xf32>,
    %broadcast_in_dim3A_251 = arith.constant 0.000000e+00 : f32
    %broadcast_in_dim3A_252 = vector.broadcast %broadcast_in_dim3A_251 : f32 to vector<16xf32>
    %swap3A_253 = arith.constant 592 : index
    %swap3A_254 = tpu.vector_load %arg6[%swap3A_253] {strides = array<i32>} : memref<640xf32, #tpu.memory_space<vmem>>, vector<16xf32>,
    %swap3A_255 = vector.shape_cast %swap3A_254 : vector<16xf32> to vector<16xf32>
    %swap3A_256 = vector.shape_cast %broadcast_in_dim3A_252 : vector<16xf32> to vector<16xf32>
    tpu.vector_store %arg6[%swap3A_253], %swap3A_256 {strides = array<i32>} : memref<640xf32, #tpu.memory_space<vmem>>, vector<16xf32>,
    %broadcast_in_dim3A_257 = arith.constant 0.000000e+00 : f32
    %broadcast_in_dim3A_258 = vector.broadcast %broadcast_in_dim3A_257 : f32 to vector<16xf32>
    %swap3A_259 = arith.constant 608 : index
    %swap3A_260 = tpu.vector_load %arg6[%swap3A_259] {strides = array<i32>} : memref<640xf32, #tpu.memory_space<vmem>>, vector<16xf32>,
    %swap3A_261 = vector.shape_cast %swap3A_260 : vector<16xf32> to vector<16xf32>
    %swap3A_262 = vector.shape_cast %broadcast_in_dim3A_258 : vector<16xf32> to vector<16xf32>
    tpu.vector_store %arg6[%swap3A_259], %swap3A_262 {strides = array<i32>} : memref<640xf32, #tpu.memory_space<vmem>>, vector<16xf32>,
    %broadcast_in_dim3A_263 = arith.constant 0.000000e+00 : f32
    %broadcast_in_dim3A_264 = vector.broadcast %broadcast_in_dim3A_263 : f32 to vector<16xf32>
    %swap3A_265 = arith.constant 624 : index
    %swap3A_266 = tpu.vector_load %arg6[%swap3A_265] {strides = array<i32>} : memref<640xf32, #tpu.memory_space<vmem>>, vector<16xf32>,
    %swap3A_267 = vector.shape_cast %swap3A_266 : vector<16xf32> to vector<16xf32>
    %swap3A_268 = vector.shape_cast %broadcast_in_dim3A_264 : vector<16xf32> to vector<16xf32>
    tpu.vector_store %arg6[%swap3A_265], %swap3A_268 {strides = array<i32>} : memref<640xf32, #tpu.memory_space<vmem>>, vector<16xf32>,
    %mul3A_269 = arith.constant 640 : i32
    %mul3A_270 = arith.muli %arg1, %mul3A_269 : i32
    "tpu.region"() ({
      %run_scoped3A = tpu.sem_alloc : memref<!tpu.dma_semaphore, #tpu.memory_space<semaphore_mem>>
      %dma_start3A = tpu.memref_slice %arg7[%mul3A_270] : memref<10240xf32, #tpu.memory_space<vmem_shared>> -> memref<640xf32, #tpu.memory_space<vmem_shared>>
      %dma_start3A_281 = tpu.memref_slice %arg7[%mul3A_270] : memref<10240xf32, #tpu.memory_space<vmem_shared>> -> memref<640xf32, #tpu.memory_space<vmem_shared>>
      tpu.enqueue_dma source(%arg6 : memref<640xf32, #tpu.memory_space<vmem>>) target(%dma_start3A_281 : memref<640xf32, #tpu.memory_space<vmem_shared>>) target_semaphore(%run_scoped3A : memref<!tpu.dma_semaphore, #tpu.memory_space<semaphore_mem>>)
      %dma_wait3A = tpu.memref_slice %arg7[%mul3A_270] : memref<10240xf32, #tpu.memory_space<vmem_shared>> -> memref<640xf32, #tpu.memory_space<vmem_shared>>
      %dma_wait3A_282 = tpu.memref_slice %arg7[%mul3A_270] : memref<10240xf32, #tpu.memory_space<vmem_shared>> -> memref<640xf32, #tpu.memory_space<vmem_shared>>
      tpu.wait_dma2 semaphore(%run_scoped3A : memref<!tpu.dma_semaphore, #tpu.memory_space<semaphore_mem>>) src(%arg6 : memref<640xf32, #tpu.memory_space<vmem>>) dst(%dma_wait3A_282 : memref<640xf32, #tpu.memory_space<vmem_shared>>)
      tpu.yield
    }) : () -> ()
    "tpu.region"() ({
      %run_scoped3A = tpu.sem_alloc : memref<!tpu.dma_semaphore, #tpu.memory_space<semaphore_mem>>
      %dma_start3A = arith.constant 0 : i32
      %dma_start3A_281 = arith.constant 0 : i32
      %dma_start3A_282 = tpu.memref_slice %arg2[%add3A, %dma_start3A, %dma_start3A_281] : memref<32x125x80xi32, #tpu.memory_space<hbm>> -> memref<1x125x80xi32, #tpu.memory_space<hbm>>
      %dma_start3A_283 = tpu.memref_squeeze %dma_start3A_282 : memref<1x125x80xi32, #tpu.memory_space<hbm>> -> memref<125x80xi32, #tpu.memory_space<hbm>>
      %dma_start3A_284 = arith.constant 0 : i32
      %dma_start3A_285 = arith.constant 0 : i32
      %dma_start3A_286 = tpu.memref_slice %arg2[%add3A, %dma_start3A_284, %dma_start3A_285] : memref<32x125x80xi32, #tpu.memory_space<hbm>> -> memref<1x125x80xi32, #tpu.memory_space<hbm>>
      %dma_start3A_287 = tpu.memref_squeeze %dma_start3A_286 : memref<1x125x80xi32, #tpu.memory_space<hbm>> -> memref<125x80xi32, #tpu.memory_space<hbm>>
      tpu.enqueue_dma source(%dma_start3A_287 : memref<125x80xi32, #tpu.memory_space<hbm>>) target(%arg4 : memref<125x80xi32, #tpu.memory_space<vmem>>) target_semaphore(%run_scoped3A : memref<!tpu.dma_semaphore, #tpu.memory_space<semaphore_mem>>)
      %dma_wait3A = arith.constant 0 : i32
      %dma_wait3A_288 = arith.constant 0 : i32
      %dma_wait3A_289 = tpu.memref_slice %arg2[%add3A, %dma_wait3A, %dma_wait3A_288] : memref<32x125x80xi32, #tpu.memory_space<hbm>> -> memref<1x125x80xi32, #tpu.memory_space<hbm>>
      %dma_wait3A_290 = tpu.memref_squeeze %dma_wait3A_289 : memref<1x125x80xi32, #tpu.memory_space<hbm>> -> memref<125x80xi32, #tpu.memory_space<hbm>>
      %dma_wait3A_291 = arith.constant 0 : i32
      %dma_wait3A_292 = arith.constant 0 : i32
      %dma_wait3A_293 = tpu.memref_slice %arg2[%add3A, %dma_wait3A_291, %dma_wait3A_292] : memref<32x125x80xi32, #tpu.memory_space<hbm>> -> memref<1x125x80xi32, #tpu.memory_space<hbm>>
      %dma_wait3A_294 = tpu.memref_squeeze %dma_wait3A_293 : memref<1x125x80xi32, #tpu.memory_space<hbm>> -> memref<125x80xi32, #tpu.memory_space<hbm>>
      tpu.wait_dma2 semaphore(%run_scoped3A : memref<!tpu.dma_semaphore, #tpu.memory_space<semaphore_mem>>) src(%dma_wait3A_294 : memref<125x80xi32, #tpu.memory_space<hbm>>) dst(%arg4 : memref<125x80xi32, #tpu.memory_space<vmem>>)
      tpu.yield
    }) : () -> ()
    %barrier3A = arith.constant 0 : index
    tpu.barrier barrier_id(%barrier3A)
    %scan3A = arith.constant 0 : i32
    %scan3A_271 = arith.constant 0 : i32
    %scan3A_272 = arith.constant 125 : i32
    %scan3A_273 = arith.addi %scan3A_271, %scan3A_272 : i32
    %scan3A_274 = arith.constant 1 : i32
    scf.for %scan3A_281 = %scan3A_271 to %scan3A_273 step %scan3A_274  : i32 {
      "tpu.region"() ({
        %run_scoped3A = tpu.sem_alloc : memref<!tpu.dma_semaphore, #tpu.memory_space<semaphore_mem>>
        %dma_start3A = arith.constant 0 : i32
        %dma_start3A_282 = tpu.memref_slice %arg4[%scan3A_281, %dma_start3A] : memref<125x80xi32, #tpu.memory_space<vmem>> -> memref<1x80xi32, #tpu.memory_space<vmem>>
        %dma_start3A_283 = tpu.memref_squeeze %dma_start3A_282 : memref<1x80xi32, #tpu.memory_space<vmem>> -> memref<80xi32, #tpu.memory_space<vmem>>
        %dma_start3A_284 = arith.constant 0 : i32
        %dma_start3A_285 = tpu.memref_slice %arg7[%dma_start3A_284] : memref<10240xf32, #tpu.memory_space<vmem_shared>> -> memref<10240xf32, #tpu.memory_space<vmem_shared>>
        tpu.enqueue_indirect_dma source(%arg5 : memref<80xf32, #tpu.memory_space<vmem>>) target(%dma_start3A_285 : memref<10240xf32, #tpu.memory_space<vmem_shared>>) offsets(%dma_start3A_283 : memref<80xi32, #tpu.memory_space<vmem>>) semaphore(%run_scoped3A : memref<!tpu.dma_semaphore, #tpu.memory_space<semaphore_mem>>) {add = true}
        %dma_wait3A = arith.constant 0 : i32
        %dma_wait3A_286 = tpu.memref_slice %arg4[%scan3A_281, %dma_wait3A] : memref<125x80xi32, #tpu.memory_space<vmem>> -> memref<1x80xi32, #tpu.memory_space<vmem>>
        %dma_wait3A_287 = tpu.memref_squeeze %dma_wait3A_286 : memref<1x80xi32, #tpu.memory_space<vmem>> -> memref<80xi32, #tpu.memory_space<vmem>>
        %dma_wait3A_288 = arith.constant 0 : i32
        %dma_wait3A_289 = tpu.memref_slice %arg7[%dma_wait3A_288] : memref<10240xf32, #tpu.memory_space<vmem_shared>> -> memref<10240xf32, #tpu.memory_space<vmem_shared>>
        tpu.wait_indirect_dma semaphore(%run_scoped3A : memref<!tpu.dma_semaphore, #tpu.memory_space<semaphore_mem>>) src(%arg5 : memref<80xf32, #tpu.memory_space<vmem>>) dst(%dma_wait3A_289 : memref<10240xf32, #tpu.memory_space<vmem_shared>>)
        tpu.yield
      }) : () -> ()
    }
    %scan3A_275 = arith.constant 125 : i32
    %barrier3A_276 = arith.constant 0 : index
    tpu.barrier barrier_id(%barrier3A_276)
    %mul3A_277 = arith.constant 640 : i32
    %mul3A_278 = arith.muli %arg1, %mul3A_277 : i32
    %mul3A_279 = arith.constant 640 : i32
    %mul3A_280 = arith.muli %arg1, %mul3A_279 : i32
    "tpu.region"() ({
      %run_scoped3A = tpu.sem_alloc : memref<!tpu.dma_semaphore, #tpu.memory_space<semaphore_mem>>
      %dma_start3A = tpu.memref_slice %arg3[%arg0, %mul3A_280] : memref<2x10240xf32, #tpu.memory_space<hbm>> -> memref<1x640xf32, #tpu.memory_space<hbm>>
      %dma_start3A_281 = tpu.memref_squeeze %dma_start3A : memref<1x640xf32, #tpu.memory_space<hbm>> -> memref<640xf32, #tpu.memory_space<hbm>>
      %dma_start3A_282 = tpu.memref_slice %arg7[%mul3A_278] : memref<10240xf32, #tpu.memory_space<vmem_shared>> -> memref<640xf32, #tpu.memory_space<vmem_shared>>
      tpu.enqueue_dma source(%dma_start3A_282 : memref<640xf32, #tpu.memory_space<vmem_shared>>) target(%dma_start3A_281 : memref<640xf32, #tpu.memory_space<hbm>>) target_semaphore(%run_scoped3A : memref<!tpu.dma_semaphore, #tpu.memory_space<semaphore_mem>>)
      %dma_wait3A = tpu.memref_slice %arg3[%arg0, %mul3A_280] : memref<2x10240xf32, #tpu.memory_space<hbm>> -> memref<1x640xf32, #tpu.memory_space<hbm>>
      %dma_wait3A_283 = tpu.memref_squeeze %dma_wait3A : memref<1x640xf32, #tpu.memory_space<hbm>> -> memref<640xf32, #tpu.memory_space<hbm>>
      %dma_wait3A_284 = tpu.memref_slice %arg7[%mul3A_278] : memref<10240xf32, #tpu.memory_space<vmem_shared>> -> memref<640xf32, #tpu.memory_space<vmem_shared>>
      tpu.wait_dma2 semaphore(%run_scoped3A : memref<!tpu.dma_semaphore, #tpu.memory_space<semaphore_mem>>) src(%dma_wait3A_284 : memref<640xf32, #tpu.memory_space<vmem_shared>>) dst(%dma_wait3A_283 : memref<640xf32, #tpu.memory_space<hbm>>)
      tpu.yield
    }) : () -> ()
    return
  }
}

#map = affine_map<(d0, d1) -> (0, 0)>
#map1 = affine_map<(d0, d1) -> (0, 0, 0)>
module attributes {stable_mosaic.version = 14 : i64} {
  func.func @agg_k(%arg0: i32, %arg1: i32, %arg2: memref<10240x64xf32, #tpu.memory_space<hbm>>, %arg3: memref<10240x64xf32, #tpu.memory_space<hbm>>, %arg4: memref<16x160x125xi32, #tpu.memory_space<hbm>>, %arg5: memref<16x160x125xi32, #tpu.memory_space<hbm>>, %arg6: memref<2x10240x64xf32, #tpu.memory_space<hbm>>, %arg7: memref<160x125xi32, #tpu.memory_space<vmem>>, %arg8: memref<160x125xi32, #tpu.memory_space<vmem>>, %arg9: memref<125x64xf32, #tpu.memory_space<vmem>>, %arg10: memref<125x64xf32, #tpu.memory_space<vmem>>, %arg11: memref<10240x64xf32, #tpu.memory_space<vmem_shared>>, %arg12: memref<!tpu.dma_semaphore, #tpu.memory_space<semaphore_mem>>, %arg13: memref<!tpu.dma_semaphore, #tpu.memory_space<semaphore_mem>>) attributes {dimension_semantics = [#tpu.dimension_semantics<core_parallel>, #tpu.dimension_semantics<subcore_parallel>], iteration_bounds = array<i64: 2, 16>, scalar_prefetch = 0 : i64, scratch_operands = 7 : i64, tpu.core_type = #tpu.core_type<sc_vector_subcore>, window_params = [{transform_indices = #map}, {transform_indices = #map}, {transform_indices = #map1}, {transform_indices = #map1}, {transform_indices = #map1}]} {
    "tpu.region"() ({
      %run_scoped3A = tpu.sem_alloc : memref<!tpu.dma_semaphore, #tpu.memory_space<semaphore_mem>>
      %dma_start3A = arith.constant 0 : i32
      %dma_start3A_10 = arith.constant 0 : i32
      %dma_start3A_11 = tpu.memref_slice %arg4[%arg1, %dma_start3A, %dma_start3A_10] : memref<16x160x125xi32, #tpu.memory_space<hbm>> -> memref<1x160x125xi32, #tpu.memory_space<hbm>>
      %dma_start3A_12 = tpu.memref_squeeze %dma_start3A_11 : memref<1x160x125xi32, #tpu.memory_space<hbm>> -> memref<160x125xi32, #tpu.memory_space<hbm>>
      %dma_start3A_13 = arith.constant 0 : i32
      %dma_start3A_14 = arith.constant 0 : i32
      %dma_start3A_15 = tpu.memref_slice %arg4[%arg1, %dma_start3A_13, %dma_start3A_14] : memref<16x160x125xi32, #tpu.memory_space<hbm>> -> memref<1x160x125xi32, #tpu.memory_space<hbm>>
      %dma_start3A_16 = tpu.memref_squeeze %dma_start3A_15 : memref<1x160x125xi32, #tpu.memory_space<hbm>> -> memref<160x125xi32, #tpu.memory_space<hbm>>
      tpu.enqueue_dma source(%dma_start3A_16 : memref<160x125xi32, #tpu.memory_space<hbm>>) target(%arg7 : memref<160x125xi32, #tpu.memory_space<vmem>>) target_semaphore(%run_scoped3A : memref<!tpu.dma_semaphore, #tpu.memory_space<semaphore_mem>>)
      %dma_wait3A = arith.constant 0 : i32
      %dma_wait3A_17 = arith.constant 0 : i32
      %dma_wait3A_18 = tpu.memref_slice %arg4[%arg1, %dma_wait3A, %dma_wait3A_17] : memref<16x160x125xi32, #tpu.memory_space<hbm>> -> memref<1x160x125xi32, #tpu.memory_space<hbm>>
      %dma_wait3A_19 = tpu.memref_squeeze %dma_wait3A_18 : memref<1x160x125xi32, #tpu.memory_space<hbm>> -> memref<160x125xi32, #tpu.memory_space<hbm>>
      %dma_wait3A_20 = arith.constant 0 : i32
      %dma_wait3A_21 = arith.constant 0 : i32
      %dma_wait3A_22 = tpu.memref_slice %arg4[%arg1, %dma_wait3A_20, %dma_wait3A_21] : memref<16x160x125xi32, #tpu.memory_space<hbm>> -> memref<1x160x125xi32, #tpu.memory_space<hbm>>
      %dma_wait3A_23 = tpu.memref_squeeze %dma_wait3A_22 : memref<1x160x125xi32, #tpu.memory_space<hbm>> -> memref<160x125xi32, #tpu.memory_space<hbm>>
      tpu.wait_dma2 semaphore(%run_scoped3A : memref<!tpu.dma_semaphore, #tpu.memory_space<semaphore_mem>>) src(%dma_wait3A_23 : memref<160x125xi32, #tpu.memory_space<hbm>>) dst(%arg7 : memref<160x125xi32, #tpu.memory_space<vmem>>)
      tpu.yield
    }) : () -> ()
    "tpu.region"() ({
      %run_scoped3A = tpu.sem_alloc : memref<!tpu.dma_semaphore, #tpu.memory_space<semaphore_mem>>
      %dma_start3A = arith.constant 0 : i32
      %dma_start3A_10 = arith.constant 0 : i32
      %dma_start3A_11 = tpu.memref_slice %arg5[%arg1, %dma_start3A, %dma_start3A_10] : memref<16x160x125xi32, #tpu.memory_space<hbm>> -> memref<1x160x125xi32, #tpu.memory_space<hbm>>
      %dma_start3A_12 = tpu.memref_squeeze %dma_start3A_11 : memref<1x160x125xi32, #tpu.memory_space<hbm>> -> memref<160x125xi32, #tpu.memory_space<hbm>>
      %dma_start3A_13 = arith.constant 0 : i32
      %dma_start3A_14 = arith.constant 0 : i32
      %dma_start3A_15 = tpu.memref_slice %arg5[%arg1, %dma_start3A_13, %dma_start3A_14] : memref<16x160x125xi32, #tpu.memory_space<hbm>> -> memref<1x160x125xi32, #tpu.memory_space<hbm>>
      %dma_start3A_16 = tpu.memref_squeeze %dma_start3A_15 : memref<1x160x125xi32, #tpu.memory_space<hbm>> -> memref<160x125xi32, #tpu.memory_space<hbm>>
      tpu.enqueue_dma source(%dma_start3A_16 : memref<160x125xi32, #tpu.memory_space<hbm>>) target(%arg8 : memref<160x125xi32, #tpu.memory_space<vmem>>) target_semaphore(%run_scoped3A : memref<!tpu.dma_semaphore, #tpu.memory_space<semaphore_mem>>)
      %dma_wait3A = arith.constant 0 : i32
      %dma_wait3A_17 = arith.constant 0 : i32
      %dma_wait3A_18 = tpu.memref_slice %arg5[%arg1, %dma_wait3A, %dma_wait3A_17] : memref<16x160x125xi32, #tpu.memory_space<hbm>> -> memref<1x160x125xi32, #tpu.memory_space<hbm>>
      %dma_wait3A_19 = tpu.memref_squeeze %dma_wait3A_18 : memref<1x160x125xi32, #tpu.memory_space<hbm>> -> memref<160x125xi32, #tpu.memory_space<hbm>>
      %dma_wait3A_20 = arith.constant 0 : i32
      %dma_wait3A_21 = arith.constant 0 : i32
      %dma_wait3A_22 = tpu.memref_slice %arg5[%arg1, %dma_wait3A_20, %dma_wait3A_21] : memref<16x160x125xi32, #tpu.memory_space<hbm>> -> memref<1x160x125xi32, #tpu.memory_space<hbm>>
      %dma_wait3A_23 = tpu.memref_squeeze %dma_wait3A_22 : memref<1x160x125xi32, #tpu.memory_space<hbm>> -> memref<160x125xi32, #tpu.memory_space<hbm>>
      tpu.wait_dma2 semaphore(%run_scoped3A : memref<!tpu.dma_semaphore, #tpu.memory_space<semaphore_mem>>) src(%dma_wait3A_23 : memref<160x125xi32, #tpu.memory_space<hbm>>) dst(%arg8 : memref<160x125xi32, #tpu.memory_space<vmem>>)
      tpu.yield
    }) : () -> ()
    %eq3A = arith.constant 0 : i32
    %eq3A_0 = arith.cmpi eq, %arg0, %eq3A : i32
    %convert_element_type3A = arith.extui %eq3A_0 : i1 to i32
    %cond3A = arith.constant 0 : i32
    %cond3A_1 = arith.cmpi ne, %convert_element_type3A, %cond3A : i32
    scf.if %cond3A_1 {
      %mul3A_10 = arith.constant 640 : i32
      %mul3A_11 = arith.muli %arg1, %mul3A_10 : i32
      %mul3A_12 = arith.constant 640 : i32
      %mul3A_13 = arith.muli %arg1, %mul3A_12 : i32
      "tpu.region"() ({
        %run_scoped3A = tpu.sem_alloc : memref<!tpu.dma_semaphore, #tpu.memory_space<semaphore_mem>>
        %dma_start3A_26 = arith.constant 0 : i32
        %dma_start3A_27 = tpu.memref_slice %arg11[%mul3A_13, %dma_start3A_26] : memref<10240x64xf32, #tpu.memory_space<vmem_shared>> -> memref<640x64xf32, #tpu.memory_space<vmem_shared>>
        %dma_start3A_28 = arith.constant 0 : i32
        %dma_start3A_29 = tpu.memref_slice %arg2[%mul3A_11, %dma_start3A_28] : memref<10240x64xf32, #tpu.memory_space<hbm>> -> memref<640x64xf32, #tpu.memory_space<hbm>>
        tpu.enqueue_dma source(%dma_start3A_29 : memref<640x64xf32, #tpu.memory_space<hbm>>) target(%dma_start3A_27 : memref<640x64xf32, #tpu.memory_space<vmem_shared>>) target_semaphore(%run_scoped3A : memref<!tpu.dma_semaphore, #tpu.memory_space<semaphore_mem>>)
        %dma_wait3A = arith.constant 0 : i32
        %dma_wait3A_30 = tpu.memref_slice %arg11[%mul3A_13, %dma_wait3A] : memref<10240x64xf32, #tpu.memory_space<vmem_shared>> -> memref<640x64xf32, #tpu.memory_space<vmem_shared>>
        %dma_wait3A_31 = arith.constant 0 : i32
        %dma_wait3A_32 = tpu.memref_slice %arg2[%mul3A_11, %dma_wait3A_31] : memref<10240x64xf32, #tpu.memory_space<hbm>> -> memref<640x64xf32, #tpu.memory_space<hbm>>
        tpu.wait_dma2 semaphore(%run_scoped3A : memref<!tpu.dma_semaphore, #tpu.memory_space<semaphore_mem>>) src(%dma_wait3A_32 : memref<640x64xf32, #tpu.memory_space<hbm>>) dst(%dma_wait3A_30 : memref<640x64xf32, #tpu.memory_space<vmem_shared>>)
        tpu.yield
      }) : () -> ()
      %barrier3A_14 = arith.constant 0 : index
      tpu.barrier barrier_id(%barrier3A_14)
      %dma_start3A = arith.constant 0 : i32
      %dma_start3A_15 = arith.constant 0 : i32
      %dma_start3A_16 = tpu.memref_slice %arg7[%dma_start3A, %dma_start3A_15] : memref<160x125xi32, #tpu.memory_space<vmem>> -> memref<1x125xi32, #tpu.memory_space<vmem>>
      %dma_start3A_17 = tpu.memref_squeeze %dma_start3A_16 : memref<1x125xi32, #tpu.memory_space<vmem>> -> memref<125xi32, #tpu.memory_space<vmem>>
      %dma_start3A_18 = arith.constant 0 : i32
      %dma_start3A_19 = arith.constant 0 : i32
      %dma_start3A_20 = tpu.memref_slice %arg2[%dma_start3A_18, %dma_start3A_19] : memref<10240x64xf32, #tpu.memory_space<hbm>> -> memref<10240x64xf32, #tpu.memory_space<hbm>>
      tpu.enqueue_indirect_dma source(%dma_start3A_20 : memref<10240x64xf32, #tpu.memory_space<hbm>>) target(%arg9 : memref<125x64xf32, #tpu.memory_space<vmem>>) offsets(%dma_start3A_17 : memref<125xi32, #tpu.memory_space<vmem>>) semaphore(%arg12 : memref<!tpu.dma_semaphore, #tpu.memory_space<semaphore_mem>>)
      %scan3A = arith.constant 0 : i32
      %scan3A_21 = arith.constant 0 : i32
      %scan3A_22 = arith.constant 80 : i32
      %scan3A_23 = arith.addi %scan3A_21, %scan3A_22 : i32
      %scan3A_24 = arith.constant 1 : i32
      scf.for %scan3A_26 = %scan3A_21 to %scan3A_23 step %scan3A_24  : i32 {
        %mul3A_27 = arith.constant 2 : i32
        %mul3A_28 = arith.muli %mul3A_27, %scan3A_26 : i32
        %add3A = arith.constant 1 : i32
        %add3A_29 = arith.addi %mul3A_28, %add3A : i32
        %dma_start3A_30 = arith.constant 0 : i32
        %dma_start3A_31 = tpu.memref_slice %arg7[%add3A_29, %dma_start3A_30] : memref<160x125xi32, #tpu.memory_space<vmem>> -> memref<1x125xi32, #tpu.memory_space<vmem>>
        %dma_start3A_32 = tpu.memref_squeeze %dma_start3A_31 : memref<1x125xi32, #tpu.memory_space<vmem>> -> memref<125xi32, #tpu.memory_space<vmem>>
        %dma_start3A_33 = arith.constant 0 : i32
        %dma_start3A_34 = arith.constant 0 : i32
        %dma_start3A_35 = tpu.memref_slice %arg2[%dma_start3A_33, %dma_start3A_34] : memref<10240x64xf32, #tpu.memory_space<hbm>> -> memref<10240x64xf32, #tpu.memory_space<hbm>>
        tpu.enqueue_indirect_dma source(%dma_start3A_35 : memref<10240x64xf32, #tpu.memory_space<hbm>>) target(%arg10 : memref<125x64xf32, #tpu.memory_space<vmem>>) offsets(%dma_start3A_32 : memref<125xi32, #tpu.memory_space<vmem>>) semaphore(%arg13 : memref<!tpu.dma_semaphore, #tpu.memory_space<semaphore_mem>>)
        %dma_wait3A = arith.constant 0 : i32
        %dma_wait3A_36 = tpu.memref_slice %arg7[%mul3A_28, %dma_wait3A] : memref<160x125xi32, #tpu.memory_space<vmem>> -> memref<1x125xi32, #tpu.memory_space<vmem>>
        %dma_wait3A_37 = tpu.memref_squeeze %dma_wait3A_36 : memref<1x125xi32, #tpu.memory_space<vmem>> -> memref<125xi32, #tpu.memory_space<vmem>>
        %dma_wait3A_38 = arith.constant 0 : i32
        %dma_wait3A_39 = arith.constant 0 : i32
        %dma_wait3A_40 = tpu.memref_slice %arg2[%dma_wait3A_38, %dma_wait3A_39] : memref<10240x64xf32, #tpu.memory_space<hbm>> -> memref<10240x64xf32, #tpu.memory_space<hbm>>
        tpu.wait_indirect_dma semaphore(%arg12 : memref<!tpu.dma_semaphore, #tpu.memory_space<semaphore_mem>>) src(%dma_wait3A_40 : memref<10240x64xf32, #tpu.memory_space<hbm>>) dst(%arg9 : memref<125x64xf32, #tpu.memory_space<vmem>>)
        %run_scoped3A = arith.constant 0 : i32
        "tpu.region"() ({
          %run_scoped3A_54 = tpu.sem_alloc : memref<!tpu.dma_semaphore, #tpu.memory_space<semaphore_mem>>
          %dma_start3A_55 = arith.constant 0 : i32
          %dma_start3A_56 = tpu.memref_slice %arg8[%run_scoped3A, %dma_start3A_55] : memref<160x125xi32, #tpu.memory_space<vmem>> -> memref<1x125xi32, #tpu.memory_space<vmem>>
          %dma_start3A_57 = tpu.memref_squeeze %dma_start3A_56 : memref<1x125xi32, #tpu.memory_space<vmem>> -> memref<125xi32, #tpu.memory_space<vmem>>
          %dma_start3A_58 = arith.constant 0 : i32
          %dma_start3A_59 = arith.constant 0 : i32
          %dma_start3A_60 = tpu.memref_slice %arg11[%dma_start3A_58, %dma_start3A_59] : memref<10240x64xf32, #tpu.memory_space<vmem_shared>> -> memref<10240x64xf32, #tpu.memory_space<vmem_shared>>
          tpu.enqueue_indirect_dma source(%arg9 : memref<125x64xf32, #tpu.memory_space<vmem>>) target(%dma_start3A_60 : memref<10240x64xf32, #tpu.memory_space<vmem_shared>>) offsets(%dma_start3A_57 : memref<125xi32, #tpu.memory_space<vmem>>) semaphore(%run_scoped3A_54 : memref<!tpu.dma_semaphore, #tpu.memory_space<semaphore_mem>>) {add = true}
          %dma_wait3A_61 = arith.constant 0 : i32
          %dma_wait3A_62 = tpu.memref_slice %arg8[%run_scoped3A, %dma_wait3A_61] : memref<160x125xi32, #tpu.memory_space<vmem>> -> memref<1x125xi32, #tpu.memory_space<vmem>>
          %dma_wait3A_63 = tpu.memref_squeeze %dma_wait3A_62 : memref<1x125xi32, #tpu.memory_space<vmem>> -> memref<125xi32, #tpu.memory_space<vmem>>
          %dma_wait3A_64 = arith.constant 0 : i32
          %dma_wait3A_65 = arith.constant 0 : i32
          %dma_wait3A_66 = tpu.memref_slice %arg11[%dma_wait3A_64, %dma_wait3A_65] : memref<10240x64xf32, #tpu.memory_space<vmem_shared>> -> memref<10240x64xf32, #tpu.memory_space<vmem_shared>>
          tpu.wait_indirect_dma semaphore(%run_scoped3A_54 : memref<!tpu.dma_semaphore, #tpu.memory_space<semaphore_mem>>) src(%arg9 : memref<125x64xf32, #tpu.memory_space<vmem>>) dst(%dma_wait3A_66 : memref<10240x64xf32, #tpu.memory_space<vmem_shared>>)
          tpu.yield
        }) : () -> ()
        %add3A_41 = arith.constant 2 : i32
        %add3A_42 = arith.addi %mul3A_28, %add3A_41 : i32
        %lt3A = arith.constant 160 : i32
        %lt3A_43 = arith.cmpi slt, %add3A_42, %lt3A : i32
        %convert_element_type3A_44 = arith.extui %lt3A_43 : i1 to i32
        %cond3A_45 = arith.constant 0 : i32
        %cond3A_46 = arith.cmpi ne, %convert_element_type3A_44, %cond3A_45 : i32
        scf.if %cond3A_46 {
          %add3A_54 = arith.constant 2 : i32
          %add3A_55 = arith.addi %mul3A_28, %add3A_54 : i32
          %dma_start3A_56 = arith.constant 0 : i32
          %dma_start3A_57 = tpu.memref_slice %arg7[%add3A_55, %dma_start3A_56] : memref<160x125xi32, #tpu.memory_space<vmem>> -> memref<1x125xi32, #tpu.memory_space<vmem>>
          %dma_start3A_58 = tpu.memref_squeeze %dma_start3A_57 : memref<1x125xi32, #tpu.memory_space<vmem>> -> memref<125xi32, #tpu.memory_space<vmem>>
          %dma_start3A_59 = arith.constant 0 : i32
          %dma_start3A_60 = arith.constant 0 : i32
          %dma_start3A_61 = tpu.memref_slice %arg2[%dma_start3A_59, %dma_start3A_60] : memref<10240x64xf32, #tpu.memory_space<hbm>> -> memref<10240x64xf32, #tpu.memory_space<hbm>>
          tpu.enqueue_indirect_dma source(%dma_start3A_61 : memref<10240x64xf32, #tpu.memory_space<hbm>>) target(%arg9 : memref<125x64xf32, #tpu.memory_space<vmem>>) offsets(%dma_start3A_58 : memref<125xi32, #tpu.memory_space<vmem>>) semaphore(%arg12 : memref<!tpu.dma_semaphore, #tpu.memory_space<semaphore_mem>>)
        } else {
        }
        %dma_wait3A_47 = arith.constant 0 : i32
        %dma_wait3A_48 = tpu.memref_slice %arg7[%add3A_29, %dma_wait3A_47] : memref<160x125xi32, #tpu.memory_space<vmem>> -> memref<1x125xi32, #tpu.memory_space<vmem>>
        %dma_wait3A_49 = tpu.memref_squeeze %dma_wait3A_48 : memref<1x125xi32, #tpu.memory_space<vmem>> -> memref<125xi32, #tpu.memory_space<vmem>>
        %dma_wait3A_50 = arith.constant 0 : i32
        %dma_wait3A_51 = arith.constant 0 : i32
        %dma_wait3A_52 = tpu.memref_slice %arg2[%dma_wait3A_50, %dma_wait3A_51] : memref<10240x64xf32, #tpu.memory_space<hbm>> -> memref<10240x64xf32, #tpu.memory_space<hbm>>
        tpu.wait_indirect_dma semaphore(%arg13 : memref<!tpu.dma_semaphore, #tpu.memory_space<semaphore_mem>>) src(%dma_wait3A_52 : memref<10240x64xf32, #tpu.memory_space<hbm>>) dst(%arg10 : memref<125x64xf32, #tpu.memory_space<vmem>>)
        %run_scoped3A_53 = arith.constant 0 : i32
        "tpu.region"() ({
          %run_scoped3A_54 = tpu.sem_alloc : memref<!tpu.dma_semaphore, #tpu.memory_space<semaphore_mem>>
          %dma_start3A_55 = arith.constant 0 : i32
          %dma_start3A_56 = tpu.memref_slice %arg8[%run_scoped3A_53, %dma_start3A_55] : memref<160x125xi32, #tpu.memory_space<vmem>> -> memref<1x125xi32, #tpu.memory_space<vmem>>
          %dma_start3A_57 = tpu.memref_squeeze %dma_start3A_56 : memref<1x125xi32, #tpu.memory_space<vmem>> -> memref<125xi32, #tpu.memory_space<vmem>>
          %dma_start3A_58 = arith.constant 0 : i32
          %dma_start3A_59 = arith.constant 0 : i32
          %dma_start3A_60 = tpu.memref_slice %arg11[%dma_start3A_58, %dma_start3A_59] : memref<10240x64xf32, #tpu.memory_space<vmem_shared>> -> memref<10240x64xf32, #tpu.memory_space<vmem_shared>>
          tpu.enqueue_indirect_dma source(%arg10 : memref<125x64xf32, #tpu.memory_space<vmem>>) target(%dma_start3A_60 : memref<10240x64xf32, #tpu.memory_space<vmem_shared>>) offsets(%dma_start3A_57 : memref<125xi32, #tpu.memory_space<vmem>>) semaphore(%run_scoped3A_54 : memref<!tpu.dma_semaphore, #tpu.memory_space<semaphore_mem>>) {add = true}
          %dma_wait3A_61 = arith.constant 0 : i32
          %dma_wait3A_62 = tpu.memref_slice %arg8[%run_scoped3A_53, %dma_wait3A_61] : memref<160x125xi32, #tpu.memory_space<vmem>> -> memref<1x125xi32, #tpu.memory_space<vmem>>
          %dma_wait3A_63 = tpu.memref_squeeze %dma_wait3A_62 : memref<1x125xi32, #tpu.memory_space<vmem>> -> memref<125xi32, #tpu.memory_space<vmem>>
          %dma_wait3A_64 = arith.constant 0 : i32
          %dma_wait3A_65 = arith.constant 0 : i32
          %dma_wait3A_66 = tpu.memref_slice %arg11[%dma_wait3A_64, %dma_wait3A_65] : memref<10240x64xf32, #tpu.memory_space<vmem_shared>> -> memref<10240x64xf32, #tpu.memory_space<vmem_shared>>
          tpu.wait_indirect_dma semaphore(%run_scoped3A_54 : memref<!tpu.dma_semaphore, #tpu.memory_space<semaphore_mem>>) src(%arg10 : memref<125x64xf32, #tpu.memory_space<vmem>>) dst(%dma_wait3A_66 : memref<10240x64xf32, #tpu.memory_space<vmem_shared>>)
          tpu.yield
        }) : () -> ()
      }
      %scan3A_25 = arith.constant 80 : i32
    } else {
    }
    %eq3A_2 = arith.constant 1 : i32
    %eq3A_3 = arith.cmpi eq, %arg0, %eq3A_2 : i32
    %convert_element_type3A_4 = arith.extui %eq3A_3 : i1 to i32
    %cond3A_5 = arith.constant 0 : i32
    %cond3A_6 = arith.cmpi ne, %convert_element_type3A_4, %cond3A_5 : i32
    scf.if %cond3A_6 {
      %mul3A_10 = arith.constant 640 : i32
      %mul3A_11 = arith.muli %arg1, %mul3A_10 : i32
      %mul3A_12 = arith.constant 640 : i32
      %mul3A_13 = arith.muli %arg1, %mul3A_12 : i32
      "tpu.region"() ({
        %run_scoped3A = tpu.sem_alloc : memref<!tpu.dma_semaphore, #tpu.memory_space<semaphore_mem>>
        %dma_start3A_26 = arith.constant 0 : i32
        %dma_start3A_27 = tpu.memref_slice %arg11[%mul3A_13, %dma_start3A_26] : memref<10240x64xf32, #tpu.memory_space<vmem_shared>> -> memref<640x64xf32, #tpu.memory_space<vmem_shared>>
        %dma_start3A_28 = arith.constant 0 : i32
        %dma_start3A_29 = tpu.memref_slice %arg3[%mul3A_11, %dma_start3A_28] : memref<10240x64xf32, #tpu.memory_space<hbm>> -> memref<640x64xf32, #tpu.memory_space<hbm>>
        tpu.enqueue_dma source(%dma_start3A_29 : memref<640x64xf32, #tpu.memory_space<hbm>>) target(%dma_start3A_27 : memref<640x64xf32, #tpu.memory_space<vmem_shared>>) target_semaphore(%run_scoped3A : memref<!tpu.dma_semaphore, #tpu.memory_space<semaphore_mem>>)
        %dma_wait3A = arith.constant 0 : i32
        %dma_wait3A_30 = tpu.memref_slice %arg11[%mul3A_13, %dma_wait3A] : memref<10240x64xf32, #tpu.memory_space<vmem_shared>> -> memref<640x64xf32, #tpu.memory_space<vmem_shared>>
        %dma_wait3A_31 = arith.constant 0 : i32
        %dma_wait3A_32 = tpu.memref_slice %arg3[%mul3A_11, %dma_wait3A_31] : memref<10240x64xf32, #tpu.memory_space<hbm>> -> memref<640x64xf32, #tpu.memory_space<hbm>>
        tpu.wait_dma2 semaphore(%run_scoped3A : memref<!tpu.dma_semaphore, #tpu.memory_space<semaphore_mem>>) src(%dma_wait3A_32 : memref<640x64xf32, #tpu.memory_space<hbm>>) dst(%dma_wait3A_30 : memref<640x64xf32, #tpu.memory_space<vmem_shared>>)
        tpu.yield
      }) : () -> ()
      %barrier3A_14 = arith.constant 0 : index
      tpu.barrier barrier_id(%barrier3A_14)
      %dma_start3A = arith.constant 0 : i32
      %dma_start3A_15 = arith.constant 0 : i32
      %dma_start3A_16 = tpu.memref_slice %arg7[%dma_start3A, %dma_start3A_15] : memref<160x125xi32, #tpu.memory_space<vmem>> -> memref<1x125xi32, #tpu.memory_space<vmem>>
      %dma_start3A_17 = tpu.memref_squeeze %dma_start3A_16 : memref<1x125xi32, #tpu.memory_space<vmem>> -> memref<125xi32, #tpu.memory_space<vmem>>
      %dma_start3A_18 = arith.constant 0 : i32
      %dma_start3A_19 = arith.constant 0 : i32
      %dma_start3A_20 = tpu.memref_slice %arg3[%dma_start3A_18, %dma_start3A_19] : memref<10240x64xf32, #tpu.memory_space<hbm>> -> memref<10240x64xf32, #tpu.memory_space<hbm>>
      tpu.enqueue_indirect_dma source(%dma_start3A_20 : memref<10240x64xf32, #tpu.memory_space<hbm>>) target(%arg9 : memref<125x64xf32, #tpu.memory_space<vmem>>) offsets(%dma_start3A_17 : memref<125xi32, #tpu.memory_space<vmem>>) semaphore(%arg12 : memref<!tpu.dma_semaphore, #tpu.memory_space<semaphore_mem>>)
      %scan3A = arith.constant 0 : i32
      %scan3A_21 = arith.constant 0 : i32
      %scan3A_22 = arith.constant 80 : i32
      %scan3A_23 = arith.addi %scan3A_21, %scan3A_22 : i32
      %scan3A_24 = arith.constant 1 : i32
      scf.for %scan3A_26 = %scan3A_21 to %scan3A_23 step %scan3A_24  : i32 {
        %mul3A_27 = arith.constant 2 : i32
        %mul3A_28 = arith.muli %mul3A_27, %scan3A_26 : i32
        %add3A = arith.constant 1 : i32
        %add3A_29 = arith.addi %mul3A_28, %add3A : i32
        %dma_start3A_30 = arith.constant 0 : i32
        %dma_start3A_31 = tpu.memref_slice %arg7[%add3A_29, %dma_start3A_30] : memref<160x125xi32, #tpu.memory_space<vmem>> -> memref<1x125xi32, #tpu.memory_space<vmem>>
        %dma_start3A_32 = tpu.memref_squeeze %dma_start3A_31 : memref<1x125xi32, #tpu.memory_space<vmem>> -> memref<125xi32, #tpu.memory_space<vmem>>
        %dma_start3A_33 = arith.constant 0 : i32
        %dma_start3A_34 = arith.constant 0 : i32
        %dma_start3A_35 = tpu.memref_slice %arg3[%dma_start3A_33, %dma_start3A_34] : memref<10240x64xf32, #tpu.memory_space<hbm>> -> memref<10240x64xf32, #tpu.memory_space<hbm>>
        tpu.enqueue_indirect_dma source(%dma_start3A_35 : memref<10240x64xf32, #tpu.memory_space<hbm>>) target(%arg10 : memref<125x64xf32, #tpu.memory_space<vmem>>) offsets(%dma_start3A_32 : memref<125xi32, #tpu.memory_space<vmem>>) semaphore(%arg13 : memref<!tpu.dma_semaphore, #tpu.memory_space<semaphore_mem>>)
        %dma_wait3A = arith.constant 0 : i32
        %dma_wait3A_36 = tpu.memref_slice %arg7[%mul3A_28, %dma_wait3A] : memref<160x125xi32, #tpu.memory_space<vmem>> -> memref<1x125xi32, #tpu.memory_space<vmem>>
        %dma_wait3A_37 = tpu.memref_squeeze %dma_wait3A_36 : memref<1x125xi32, #tpu.memory_space<vmem>> -> memref<125xi32, #tpu.memory_space<vmem>>
        %dma_wait3A_38 = arith.constant 0 : i32
        %dma_wait3A_39 = arith.constant 0 : i32
        %dma_wait3A_40 = tpu.memref_slice %arg3[%dma_wait3A_38, %dma_wait3A_39] : memref<10240x64xf32, #tpu.memory_space<hbm>> -> memref<10240x64xf32, #tpu.memory_space<hbm>>
        tpu.wait_indirect_dma semaphore(%arg12 : memref<!tpu.dma_semaphore, #tpu.memory_space<semaphore_mem>>) src(%dma_wait3A_40 : memref<10240x64xf32, #tpu.memory_space<hbm>>) dst(%arg9 : memref<125x64xf32, #tpu.memory_space<vmem>>)
        %run_scoped3A = arith.constant 0 : i32
        "tpu.region"() ({
          %run_scoped3A_54 = tpu.sem_alloc : memref<!tpu.dma_semaphore, #tpu.memory_space<semaphore_mem>>
          %dma_start3A_55 = arith.constant 0 : i32
          %dma_start3A_56 = tpu.memref_slice %arg8[%run_scoped3A, %dma_start3A_55] : memref<160x125xi32, #tpu.memory_space<vmem>> -> memref<1x125xi32, #tpu.memory_space<vmem>>
          %dma_start3A_57 = tpu.memref_squeeze %dma_start3A_56 : memref<1x125xi32, #tpu.memory_space<vmem>> -> memref<125xi32, #tpu.memory_space<vmem>>
          %dma_start3A_58 = arith.constant 0 : i32
          %dma_start3A_59 = arith.constant 0 : i32
          %dma_start3A_60 = tpu.memref_slice %arg11[%dma_start3A_58, %dma_start3A_59] : memref<10240x64xf32, #tpu.memory_space<vmem_shared>> -> memref<10240x64xf32, #tpu.memory_space<vmem_shared>>
          tpu.enqueue_indirect_dma source(%arg9 : memref<125x64xf32, #tpu.memory_space<vmem>>) target(%dma_start3A_60 : memref<10240x64xf32, #tpu.memory_space<vmem_shared>>) offsets(%dma_start3A_57 : memref<125xi32, #tpu.memory_space<vmem>>) semaphore(%run_scoped3A_54 : memref<!tpu.dma_semaphore, #tpu.memory_space<semaphore_mem>>) {add = true}
          %dma_wait3A_61 = arith.constant 0 : i32
          %dma_wait3A_62 = tpu.memref_slice %arg8[%run_scoped3A, %dma_wait3A_61] : memref<160x125xi32, #tpu.memory_space<vmem>> -> memref<1x125xi32, #tpu.memory_space<vmem>>
          %dma_wait3A_63 = tpu.memref_squeeze %dma_wait3A_62 : memref<1x125xi32, #tpu.memory_space<vmem>> -> memref<125xi32, #tpu.memory_space<vmem>>
          %dma_wait3A_64 = arith.constant 0 : i32
          %dma_wait3A_65 = arith.constant 0 : i32
          %dma_wait3A_66 = tpu.memref_slice %arg11[%dma_wait3A_64, %dma_wait3A_65] : memref<10240x64xf32, #tpu.memory_space<vmem_shared>> -> memref<10240x64xf32, #tpu.memory_space<vmem_shared>>
          tpu.wait_indirect_dma semaphore(%run_scoped3A_54 : memref<!tpu.dma_semaphore, #tpu.memory_space<semaphore_mem>>) src(%arg9 : memref<125x64xf32, #tpu.memory_space<vmem>>) dst(%dma_wait3A_66 : memref<10240x64xf32, #tpu.memory_space<vmem_shared>>)
          tpu.yield
        }) : () -> ()
        %add3A_41 = arith.constant 2 : i32
        %add3A_42 = arith.addi %mul3A_28, %add3A_41 : i32
        %lt3A = arith.constant 160 : i32
        %lt3A_43 = arith.cmpi slt, %add3A_42, %lt3A : i32
        %convert_element_type3A_44 = arith.extui %lt3A_43 : i1 to i32
        %cond3A_45 = arith.constant 0 : i32
        %cond3A_46 = arith.cmpi ne, %convert_element_type3A_44, %cond3A_45 : i32
        scf.if %cond3A_46 {
          %add3A_54 = arith.constant 2 : i32
          %add3A_55 = arith.addi %mul3A_28, %add3A_54 : i32
          %dma_start3A_56 = arith.constant 0 : i32
          %dma_start3A_57 = tpu.memref_slice %arg7[%add3A_55, %dma_start3A_56] : memref<160x125xi32, #tpu.memory_space<vmem>> -> memref<1x125xi32, #tpu.memory_space<vmem>>
          %dma_start3A_58 = tpu.memref_squeeze %dma_start3A_57 : memref<1x125xi32, #tpu.memory_space<vmem>> -> memref<125xi32, #tpu.memory_space<vmem>>
          %dma_start3A_59 = arith.constant 0 : i32
          %dma_start3A_60 = arith.constant 0 : i32
          %dma_start3A_61 = tpu.memref_slice %arg3[%dma_start3A_59, %dma_start3A_60] : memref<10240x64xf32, #tpu.memory_space<hbm>> -> memref<10240x64xf32, #tpu.memory_space<hbm>>
          tpu.enqueue_indirect_dma source(%dma_start3A_61 : memref<10240x64xf32, #tpu.memory_space<hbm>>) target(%arg9 : memref<125x64xf32, #tpu.memory_space<vmem>>) offsets(%dma_start3A_58 : memref<125xi32, #tpu.memory_space<vmem>>) semaphore(%arg12 : memref<!tpu.dma_semaphore, #tpu.memory_space<semaphore_mem>>)
        } else {
        }
        %dma_wait3A_47 = arith.constant 0 : i32
        %dma_wait3A_48 = tpu.memref_slice %arg7[%add3A_29, %dma_wait3A_47] : memref<160x125xi32, #tpu.memory_space<vmem>> -> memref<1x125xi32, #tpu.memory_space<vmem>>
        %dma_wait3A_49 = tpu.memref_squeeze %dma_wait3A_48 : memref<1x125xi32, #tpu.memory_space<vmem>> -> memref<125xi32, #tpu.memory_space<vmem>>
        %dma_wait3A_50 = arith.constant 0 : i32
        %dma_wait3A_51 = arith.constant 0 : i32
        %dma_wait3A_52 = tpu.memref_slice %arg3[%dma_wait3A_50, %dma_wait3A_51] : memref<10240x64xf32, #tpu.memory_space<hbm>> -> memref<10240x64xf32, #tpu.memory_space<hbm>>
        tpu.wait_indirect_dma semaphore(%arg13 : memref<!tpu.dma_semaphore, #tpu.memory_space<semaphore_mem>>) src(%dma_wait3A_52 : memref<10240x64xf32, #tpu.memory_space<hbm>>) dst(%arg10 : memref<125x64xf32, #tpu.memory_space<vmem>>)
        %run_scoped3A_53 = arith.constant 0 : i32
        "tpu.region"() ({
          %run_scoped3A_54 = tpu.sem_alloc : memref<!tpu.dma_semaphore, #tpu.memory_space<semaphore_mem>>
          %dma_start3A_55 = arith.constant 0 : i32
          %dma_start3A_56 = tpu.memref_slice %arg8[%run_scoped3A_53, %dma_start3A_55] : memref<160x125xi32, #tpu.memory_space<vmem>> -> memref<1x125xi32, #tpu.memory_space<vmem>>
          %dma_start3A_57 = tpu.memref_squeeze %dma_start3A_56 : memref<1x125xi32, #tpu.memory_space<vmem>> -> memref<125xi32, #tpu.memory_space<vmem>>
          %dma_start3A_58 = arith.constant 0 : i32
          %dma_start3A_59 = arith.constant 0 : i32
          %dma_start3A_60 = tpu.memref_slice %arg11[%dma_start3A_58, %dma_start3A_59] : memref<10240x64xf32, #tpu.memory_space<vmem_shared>> -> memref<10240x64xf32, #tpu.memory_space<vmem_shared>>
          tpu.enqueue_indirect_dma source(%arg10 : memref<125x64xf32, #tpu.memory_space<vmem>>) target(%dma_start3A_60 : memref<10240x64xf32, #tpu.memory_space<vmem_shared>>) offsets(%dma_start3A_57 : memref<125xi32, #tpu.memory_space<vmem>>) semaphore(%run_scoped3A_54 : memref<!tpu.dma_semaphore, #tpu.memory_space<semaphore_mem>>) {add = true}
          %dma_wait3A_61 = arith.constant 0 : i32
          %dma_wait3A_62 = tpu.memref_slice %arg8[%run_scoped3A_53, %dma_wait3A_61] : memref<160x125xi32, #tpu.memory_space<vmem>> -> memref<1x125xi32, #tpu.memory_space<vmem>>
          %dma_wait3A_63 = tpu.memref_squeeze %dma_wait3A_62 : memref<1x125xi32, #tpu.memory_space<vmem>> -> memref<125xi32, #tpu.memory_space<vmem>>
          %dma_wait3A_64 = arith.constant 0 : i32
          %dma_wait3A_65 = arith.constant 0 : i32
          %dma_wait3A_66 = tpu.memref_slice %arg11[%dma_wait3A_64, %dma_wait3A_65] : memref<10240x64xf32, #tpu.memory_space<vmem_shared>> -> memref<10240x64xf32, #tpu.memory_space<vmem_shared>>
          tpu.wait_indirect_dma semaphore(%run_scoped3A_54 : memref<!tpu.dma_semaphore, #tpu.memory_space<semaphore_mem>>) src(%arg10 : memref<125x64xf32, #tpu.memory_space<vmem>>) dst(%dma_wait3A_66 : memref<10240x64xf32, #tpu.memory_space<vmem_shared>>)
          tpu.yield
        }) : () -> ()
      }
      %scan3A_25 = arith.constant 80 : i32
    } else {
    }
    %barrier3A = arith.constant 0 : index
    tpu.barrier barrier_id(%barrier3A)
    %mul3A = arith.constant 640 : i32
    %mul3A_7 = arith.muli %arg1, %mul3A : i32
    %mul3A_8 = arith.constant 640 : i32
    %mul3A_9 = arith.muli %arg1, %mul3A_8 : i32
    "tpu.region"() ({
      %run_scoped3A = tpu.sem_alloc : memref<!tpu.dma_semaphore, #tpu.memory_space<semaphore_mem>>
      %dma_start3A = arith.constant 0 : i32
      %dma_start3A_10 = tpu.memref_slice %arg6[%arg0, %mul3A_9, %dma_start3A] : memref<2x10240x64xf32, #tpu.memory_space<hbm>> -> memref<1x640x64xf32, #tpu.memory_space<hbm>>
      %dma_start3A_11 = tpu.memref_squeeze %dma_start3A_10 : memref<1x640x64xf32, #tpu.memory_space<hbm>> -> memref<640x64xf32, #tpu.memory_space<hbm>>
      %dma_start3A_12 = arith.constant 0 : i32
      %dma_start3A_13 = tpu.memref_slice %arg11[%mul3A_7, %dma_start3A_12] : memref<10240x64xf32, #tpu.memory_space<vmem_shared>> -> memref<640x64xf32, #tpu.memory_space<vmem_shared>>
      tpu.enqueue_dma source(%dma_start3A_13 : memref<640x64xf32, #tpu.memory_space<vmem_shared>>) target(%dma_start3A_11 : memref<640x64xf32, #tpu.memory_space<hbm>>) target_semaphore(%run_scoped3A : memref<!tpu.dma_semaphore, #tpu.memory_space<semaphore_mem>>)
      %dma_wait3A = arith.constant 0 : i32
      %dma_wait3A_14 = tpu.memref_slice %arg6[%arg0, %mul3A_9, %dma_wait3A] : memref<2x10240x64xf32, #tpu.memory_space<hbm>> -> memref<1x640x64xf32, #tpu.memory_space<hbm>>
      %dma_wait3A_15 = tpu.memref_squeeze %dma_wait3A_14 : memref<1x640x64xf32, #tpu.memory_space<hbm>> -> memref<640x64xf32, #tpu.memory_space<hbm>>
      %dma_wait3A_16 = arith.constant 0 : i32
      %dma_wait3A_17 = tpu.memref_slice %arg11[%mul3A_7, %dma_wait3A_16] : memref<10240x64xf32, #tpu.memory_space<vmem_shared>> -> memref<640x64xf32, #tpu.memory_space<vmem_shared>>
      tpu.wait_dma2 semaphore(%run_scoped3A : memref<!tpu.dma_semaphore, #tpu.memory_space<semaphore_mem>>) src(%dma_wait3A_17 : memref<640x64xf32, #tpu.memory_space<vmem_shared>>) dst(%dma_wait3A_15 : memref<640x64xf32, #tpu.memory_space<hbm>>)
      tpu.yield
    }) : () -> ()
    return
  }
}

module attributes {stable_mosaic.version = 14 : i64} {
  func.func @body(%arg0: i32, %arg1: memref<512x128xf32, #tpu.memory_space<vmem>>, %arg2: memref<128x256xf32, #tpu.memory_space<vmem>>, %arg3: memref<2x512x1xf32, #tpu.memory_space<vmem>>, %arg4: memref<512x64xf32, #tpu.memory_space<vmem>>, %arg5: memref<512x64xf32, #tpu.memory_space<vmem>>, %arg6: memref<512x64xf32, #tpu.memory_space<vmem>>, %arg7: memref<512x64xf32, #tpu.memory_space<vmem>>, %arg8: memref<512x1xf32, #tpu.memory_space<vmem>>) attributes {dimension_semantics = [#tpu.dimension_semantics<arbitrary>], iteration_bounds = array<i64: 20>, scalar_prefetch = 0 : i64, scratch_operands = 0 : i64, tpu.core_type = #tpu.core_type<tc>, window_params = [{transform_indices = @transform_0, window_bounds = array<i64: 512, 128>}, {pipeline_mode = #tpu.pipeline_mode<synchronous>, transform_indices = @transform_1, window_bounds = array<i64: 128, 256>}, {transform_indices = @transform_2, window_bounds = array<i64: 2, 512, 1>}, {transform_indices = @transform_3, window_bounds = array<i64: 512, 64>}, {transform_indices = @transform_4, window_bounds = array<i64: 512, 64>}, {transform_indices = @transform_5, window_bounds = array<i64: 512, 64>}, {transform_indices = @transform_6, window_bounds = array<i64: 512, 64>}, {transform_indices = @transform_7, window_bounds = array<i64: 512, 1>}]} {
    %get3A = arith.constant 0 : index
    %get3A_0 = arith.constant 0 : index
    %get3A_1 = arith.constant 0 : index
    %get3A_2 = vector.load %arg3[%get3A, %get3A_0, %get3A_1] : memref<2x512x1xf32, #tpu.memory_space<vmem>>, vector<1x512x1xf32>
    %get3A_3 = vector.shape_cast %get3A_2 : vector<1x512x1xf32> to vector<512x1xf32>
    %get3A_4 = arith.constant 1 : index
    %get3A_5 = arith.constant 0 : index
    %get3A_6 = arith.constant 0 : index
    %get3A_7 = vector.load %arg3[%get3A_4, %get3A_5, %get3A_6] : memref<2x512x1xf32, #tpu.memory_space<vmem>>, vector<1x512x1xf32>
    %get3A_8 = vector.shape_cast %get3A_7 : vector<1x512x1xf32> to vector<512x1xf32>
    %add3A = arith.addf %get3A_3, %get3A_8 : vector<512x1xf32>
    %add3A_9 = arith.constant 1.000000e+00 : f32
    %add3A_10 = vector.broadcast %add3A_9 : f32 to vector<512x1xf32>
    %add3A_11 = arith.addf %add3A, %add3A_10 : vector<512x1xf32>
    %rsqrt3A = math.rsqrt %add3A_11 : vector<512x1xf32>
    %get3A_12 = arith.constant 0 : index
    %get3A_13 = arith.constant 0 : index
    %get3A_14 = vector.load %arg1[%get3A_12, %get3A_13] : memref<512x128xf32, #tpu.memory_space<vmem>>, vector<512x128xf32>
    %get3A_15 = arith.constant 0 : index
    %get3A_16 = arith.constant 0 : index
    %get3A_17 = vector.load %arg2[%get3A_15, %get3A_16] : memref<128x256xf32, #tpu.memory_space<vmem>>, vector<128x256xf32>
    %dot_general3A = arith.constant dense<0.000000e+00> : vector<512x256xf32>
    %dot_general3A_18 = tpu.matmul %get3A_14, %get3A_17, %dot_general3A {dimension_numbers = #tpu.dot_dimension_numbers<[1], [0], [0], [1], [0, 0, 1, 1], [], []>, transpose_lhs_hint = false} : vector<512x128xf32>, vector<128x256xf32>, vector<512x256xf32> -> vector<512x256xf32>
    %mul3A = vector.broadcast %rsqrt3A : vector<512x1xf32> to vector<512x256xf32>
    %mul3A_19 = arith.mulf %dot_general3A_18, %mul3A : vector<512x256xf32>
    %slice3A = vector.extract_strided_slice %mul3A_19 {offsets = [0, 0], sizes = [512, 64], strides = [1, 1]} : vector<512x256xf32> to vector<512x64xf32>
    %swap3A = arith.constant 0 : index
    %swap3A_20 = arith.constant 0 : index
    %swap3A_21 = vector.load %arg4[%swap3A, %swap3A_20] : memref<512x64xf32, #tpu.memory_space<vmem>>, vector<512x64xf32>
    tpu.vector_store %arg4[%swap3A, %swap3A_20], %slice3A {strides = array<i32>} : memref<512x64xf32, #tpu.memory_space<vmem>>, vector<512x64xf32>,
    %slice3A_22 = vector.extract_strided_slice %mul3A_19 {offsets = [0, 64], sizes = [512, 64], strides = [1, 1]} : vector<512x256xf32> to vector<512x64xf32>
    %swap3A_23 = arith.constant 0 : index
    %swap3A_24 = arith.constant 0 : index
    %swap3A_25 = vector.load %arg5[%swap3A_23, %swap3A_24] : memref<512x64xf32, #tpu.memory_space<vmem>>, vector<512x64xf32>
    tpu.vector_store %arg5[%swap3A_23, %swap3A_24], %slice3A_22 {strides = array<i32>} : memref<512x64xf32, #tpu.memory_space<vmem>>, vector<512x64xf32>,
    %slice3A_26 = vector.extract_strided_slice %mul3A_19 {offsets = [0, 128], sizes = [512, 64], strides = [1, 1]} : vector<512x256xf32> to vector<512x64xf32>
    %swap3A_27 = arith.constant 0 : index
    %swap3A_28 = arith.constant 0 : index
    %swap3A_29 = vector.load %arg6[%swap3A_27, %swap3A_28] : memref<512x64xf32, #tpu.memory_space<vmem>>, vector<512x64xf32>
    tpu.vector_store %arg6[%swap3A_27, %swap3A_28], %slice3A_26 {strides = array<i32>} : memref<512x64xf32, #tpu.memory_space<vmem>>, vector<512x64xf32>,
    %slice3A_30 = vector.extract_strided_slice %mul3A_19 {offsets = [0, 192], sizes = [512, 64], strides = [1, 1]} : vector<512x256xf32> to vector<512x64xf32>
    %swap3A_31 = arith.constant 0 : index
    %swap3A_32 = arith.constant 0 : index
    %swap3A_33 = vector.load %arg7[%swap3A_31, %swap3A_32] : memref<512x64xf32, #tpu.memory_space<vmem>>, vector<512x64xf32>
    tpu.vector_store %arg7[%swap3A_31, %swap3A_32], %slice3A_30 {strides = array<i32>} : memref<512x64xf32, #tpu.memory_space<vmem>>, vector<512x64xf32>,
    %swap3A_34 = arith.constant 0 : index
    %swap3A_35 = arith.constant 0 : index
    %swap3A_36 = vector.load %arg8[%swap3A_34, %swap3A_35] : memref<512x1xf32, #tpu.memory_space<vmem>>, vector<512x1xf32>
    tpu.vector_store %arg8[%swap3A_34, %swap3A_35], %rsqrt3A {strides = array<i32>} : memref<512x1xf32, #tpu.memory_space<vmem>>, vector<512x1xf32>,
    return
  }
  func.func @transform_0(%arg0: i32) -> (i32, i32) {
    %c0_i32 = arith.constant 0 : i32
    %c0_i32_0 = arith.constant 0 : i32
    return %arg0, %c0_i32 : i32, i32
  }
  func.func @transform_1(%arg0: i32) -> (i32, i32) {
    %c0_i32 = arith.constant 0 : i32
    %c0_i32_0 = arith.constant 0 : i32
    %c0_i32_1 = arith.constant 0 : i32
    return %c0_i32, %c0_i32_0 : i32, i32
  }
  func.func @transform_2(%arg0: i32) -> (i32, i32, i32) {
    %c0_i32 = arith.constant 0 : i32
    %c0_i32_0 = arith.constant 0 : i32
    %c0_i32_1 = arith.constant 0 : i32
    return %c0_i32, %arg0, %c0_i32_0 : i32, i32, i32
  }
  func.func @transform_3(%arg0: i32) -> (i32, i32) {
    %c0_i32 = arith.constant 0 : i32
    %c0_i32_0 = arith.constant 0 : i32
    return %arg0, %c0_i32 : i32, i32
  }
  func.func @transform_4(%arg0: i32) -> (i32, i32) {
    %c0_i32 = arith.constant 0 : i32
    %c0_i32_0 = arith.constant 0 : i32
    return %arg0, %c0_i32 : i32, i32
  }
  func.func @transform_5(%arg0: i32) -> (i32, i32) {
    %c0_i32 = arith.constant 0 : i32
    %c0_i32_0 = arith.constant 0 : i32
    return %arg0, %c0_i32 : i32, i32
  }
  func.func @transform_6(%arg0: i32) -> (i32, i32) {
    %c0_i32 = arith.constant 0 : i32
    %c0_i32_0 = arith.constant 0 : i32
    return %arg0, %c0_i32 : i32, i32
  }
  func.func @transform_7(%arg0: i32) -> (i32, i32) {
    %c0_i32 = arith.constant 0 : i32
    %c0_i32_0 = arith.constant 0 : i32
    return %arg0, %c0_i32 : i32, i32
  }
}

module attributes {stable_mosaic.version = 14 : i64} {
  func.func @body(%arg0: i32, %arg1: memref<512x64xf32, #tpu.memory_space<vmem>>, %arg2: memref<512x64xf32, #tpu.memory_space<vmem>>, %arg3: memref<512x64xf32, #tpu.memory_space<vmem>>, %arg4: memref<512x64xf32, #tpu.memory_space<vmem>>, %arg5: memref<512x1xf32, #tpu.memory_space<vmem>>, %arg6: memref<1x256xf32, #tpu.memory_space<vmem>>, %arg7: memref<256x128xf32, #tpu.memory_space<vmem>>, %arg8: memref<512x64xf32, #tpu.memory_space<vmem>>, %arg9: memref<512x64xf32, #tpu.memory_space<vmem>>) attributes {dimension_semantics = [#tpu.dimension_semantics<arbitrary>], iteration_bounds = array<i64: 20>, scalar_prefetch = 0 : i64, scratch_operands = 0 : i64, tpu.core_type = #tpu.core_type<tc>, window_params = [{transform_indices = @transform_0, window_bounds = array<i64: 512, 64>}, {transform_indices = @transform_1, window_bounds = array<i64: 512, 64>}, {transform_indices = @transform_2, window_bounds = array<i64: 512, 64>}, {transform_indices = @transform_3, window_bounds = array<i64: 512, 64>}, {transform_indices = @transform_4, window_bounds = array<i64: 512, 1>}, {pipeline_mode = #tpu.pipeline_mode<synchronous>, transform_indices = @transform_5, window_bounds = array<i64: 1, 256>}, {pipeline_mode = #tpu.pipeline_mode<synchronous>, transform_indices = @transform_6, window_bounds = array<i64: 256, 128>}, {transform_indices = @transform_7, window_bounds = array<i64: 512, 64>}, {transform_indices = @transform_8, window_bounds = array<i64: 512, 64>}]} {
    %get3A = arith.constant 0 : index
    %get3A_0 = arith.constant 0 : index
    %get3A_1 = vector.load %arg5[%get3A, %get3A_0] : memref<512x1xf32, #tpu.memory_space<vmem>>, vector<512x1xf32>
    %get3A_2 = arith.constant 0 : index
    %get3A_3 = arith.constant 0 : index
    %get3A_4 = vector.load %arg1[%get3A_2, %get3A_3] : memref<512x64xf32, #tpu.memory_space<vmem>>, vector<512x64xf32>
    %get3A_5 = arith.constant 0 : index
    %get3A_6 = arith.constant 0 : index
    %get3A_7 = vector.load %arg2[%get3A_5, %get3A_6] : memref<512x64xf32, #tpu.memory_space<vmem>>, vector<512x64xf32>
    %get3A_8 = arith.constant 0 : index
    %get3A_9 = arith.constant 0 : index
    %get3A_10 = vector.load %arg3[%get3A_8, %get3A_9] : memref<512x64xf32, #tpu.memory_space<vmem>>, vector<512x64xf32>
    %get3A_11 = arith.constant 0 : index
    %get3A_12 = arith.constant 0 : index
    %get3A_13 = vector.load %arg4[%get3A_11, %get3A_12] : memref<512x64xf32, #tpu.memory_space<vmem>>, vector<512x64xf32>
    %concatenate3A = tpu.concatenate %get3A_4, %get3A_7, %get3A_10, %get3A_13 in 1 : vector<512x64xf32>, vector<512x64xf32>, vector<512x64xf32>, vector<512x64xf32> -> vector<512x256xf32>
    %mul3A = vector.broadcast %get3A_1 : vector<512x1xf32> to vector<512x256xf32>
    %mul3A_14 = arith.mulf %concatenate3A, %mul3A : vector<512x256xf32>
    %get3A_15 = arith.constant 0 : index
    %get3A_16 = arith.constant 0 : index
    %get3A_17 = vector.load %arg6[%get3A_15, %get3A_16] : memref<1x256xf32, #tpu.memory_space<vmem>>, vector<1x256xf32>
    %add3A = vector.broadcast %get3A_17 : vector<1x256xf32> to vector<512x256xf32>
    %add3A_18 = arith.addf %mul3A_14, %add3A : vector<512x256xf32>
    %max3A = arith.constant 0.000000e+00 : f32
    %max3A_19 = vector.broadcast %max3A : f32 to vector<512x256xf32>
    %max3A_20 = arith.maximumf %add3A_18, %max3A_19 : vector<512x256xf32>
    %get3A_21 = arith.constant 0 : index
    %get3A_22 = arith.constant 0 : index
    %get3A_23 = vector.load %arg7[%get3A_21, %get3A_22] : memref<256x128xf32, #tpu.memory_space<vmem>>, vector<256x128xf32>
    %dot_general3A = arith.constant dense<0.000000e+00> : vector<512x128xf32>
    %dot_general3A_24 = tpu.matmul %max3A_20, %get3A_23, %dot_general3A {dimension_numbers = #tpu.dot_dimension_numbers<[1], [0], [0], [1], [0, 0, 1, 1], [], []>, transpose_lhs_hint = false} : vector<512x256xf32>, vector<256x128xf32>, vector<512x128xf32> -> vector<512x128xf32>
    %mul3A_25 = vector.broadcast %get3A_1 : vector<512x1xf32> to vector<512x128xf32>
    %mul3A_26 = arith.mulf %dot_general3A_24, %mul3A_25 : vector<512x128xf32>
    %slice3A = vector.extract_strided_slice %mul3A_26 {offsets = [0, 0], sizes = [512, 64], strides = [1, 1]} : vector<512x128xf32> to vector<512x64xf32>
    %swap3A = arith.constant 0 : index
    %swap3A_27 = arith.constant 0 : index
    %swap3A_28 = vector.load %arg8[%swap3A, %swap3A_27] : memref<512x64xf32, #tpu.memory_space<vmem>>, vector<512x64xf32>
    tpu.vector_store %arg8[%swap3A, %swap3A_27], %slice3A {strides = array<i32>} : memref<512x64xf32, #tpu.memory_space<vmem>>, vector<512x64xf32>,
    %slice3A_29 = vector.extract_strided_slice %mul3A_26 {offsets = [0, 64], sizes = [512, 64], strides = [1, 1]} : vector<512x128xf32> to vector<512x64xf32>
    %swap3A_30 = arith.constant 0 : index
    %swap3A_31 = arith.constant 0 : index
    %swap3A_32 = vector.load %arg9[%swap3A_30, %swap3A_31] : memref<512x64xf32, #tpu.memory_space<vmem>>, vector<512x64xf32>
    tpu.vector_store %arg9[%swap3A_30, %swap3A_31], %slice3A_29 {strides = array<i32>} : memref<512x64xf32, #tpu.memory_space<vmem>>, vector<512x64xf32>,
    return
  }
  func.func @transform_0(%arg0: i32) -> (i32, i32) {
    %c0_i32 = arith.constant 0 : i32
    %c0_i32_0 = arith.constant 0 : i32
    return %arg0, %c0_i32 : i32, i32
  }
  func.func @transform_1(%arg0: i32) -> (i32, i32) {
    %c0_i32 = arith.constant 0 : i32
    %c0_i32_0 = arith.constant 0 : i32
    return %arg0, %c0_i32 : i32, i32
  }
  func.func @transform_2(%arg0: i32) -> (i32, i32) {
    %c0_i32 = arith.constant 0 : i32
    %c0_i32_0 = arith.constant 0 : i32
    return %arg0, %c0_i32 : i32, i32
  }
  func.func @transform_3(%arg0: i32) -> (i32, i32) {
    %c0_i32 = arith.constant 0 : i32
    %c0_i32_0 = arith.constant 0 : i32
    return %arg0, %c0_i32 : i32, i32
  }
  func.func @transform_4(%arg0: i32) -> (i32, i32) {
    %c0_i32 = arith.constant 0 : i32
    %c0_i32_0 = arith.constant 0 : i32
    return %arg0, %c0_i32 : i32, i32
  }
  func.func @transform_5(%arg0: i32) -> (i32, i32) {
    %c0_i32 = arith.constant 0 : i32
    %c0_i32_0 = arith.constant 0 : i32
    %c0_i32_1 = arith.constant 0 : i32
    return %c0_i32, %c0_i32_0 : i32, i32
  }
  func.func @transform_6(%arg0: i32) -> (i32, i32) {
    %c0_i32 = arith.constant 0 : i32
    %c0_i32_0 = arith.constant 0 : i32
    %c0_i32_1 = arith.constant 0 : i32
    return %c0_i32, %c0_i32_0 : i32, i32
  }
  func.func @transform_7(%arg0: i32) -> (i32, i32) {
    %c0_i32 = arith.constant 0 : i32
    %c0_i32_0 = arith.constant 0 : i32
    return %arg0, %c0_i32 : i32, i32
  }
  func.func @transform_8(%arg0: i32) -> (i32, i32) {
    %c0_i32 = arith.constant 0 : i32
    %c0_i32_0 = arith.constant 0 : i32
    return %arg0, %c0_i32 : i32, i32
  }
}

module attributes {stable_mosaic.version = 14 : i64} {
  func.func @body(%arg0: i32, %arg1: memref<512x64xf32, #tpu.memory_space<vmem>>, %arg2: memref<512x64xf32, #tpu.memory_space<vmem>>, %arg3: memref<512x1xf32, #tpu.memory_space<vmem>>, %arg4: memref<1x64xf32, #tpu.memory_space<vmem>>, %arg5: memref<1x64xf32, #tpu.memory_space<vmem>>, %arg6: memref<512x128xf32, #tpu.memory_space<vmem>>) attributes {dimension_semantics = [#tpu.dimension_semantics<arbitrary>], iteration_bounds = array<i64: 20>, scalar_prefetch = 0 : i64, scratch_operands = 0 : i64, tpu.core_type = #tpu.core_type<tc>, window_params = [{transform_indices = @transform_0, window_bounds = array<i64: 512, 64>}, {transform_indices = @transform_1, window_bounds = array<i64: 512, 64>}, {transform_indices = @transform_2, window_bounds = array<i64: 512, 1>}, {pipeline_mode = #tpu.pipeline_mode<synchronous>, transform_indices = @transform_3, window_bounds = array<i64: 1, 64>}, {pipeline_mode = #tpu.pipeline_mode<synchronous>, transform_indices = @transform_4, window_bounds = array<i64: 1, 64>}, {transform_indices = @transform_5, window_bounds = array<i64: 512, 128>}]} {
    %get3A = arith.constant 0 : index
    %get3A_0 = arith.constant 0 : index
    %get3A_1 = vector.load %arg3[%get3A, %get3A_0] : memref<512x1xf32, #tpu.memory_space<vmem>>, vector<512x1xf32>
    %get3A_2 = arith.constant 0 : index
    %get3A_3 = arith.constant 0 : index
    %get3A_4 = vector.load %arg1[%get3A_2, %get3A_3] : memref<512x64xf32, #tpu.memory_space<vmem>>, vector<512x64xf32>
    %mul3A = vector.broadcast %get3A_1 : vector<512x1xf32> to vector<512x64xf32>
    %mul3A_5 = arith.mulf %get3A_4, %mul3A : vector<512x64xf32>
    %get3A_6 = arith.constant 0 : index
    %get3A_7 = arith.constant 0 : index
    %get3A_8 = vector.load %arg4[%get3A_6, %get3A_7] : memref<1x64xf32, #tpu.memory_space<vmem>>, vector<1x64xf32>
    %add3A = vector.broadcast %get3A_8 : vector<1x64xf32> to vector<512x64xf32>
    %add3A_9 = arith.addf %mul3A_5, %add3A : vector<512x64xf32>
    %get3A_10 = arith.constant 0 : index
    %get3A_11 = arith.constant 0 : index
    %get3A_12 = vector.load %arg2[%get3A_10, %get3A_11] : memref<512x64xf32, #tpu.memory_space<vmem>>, vector<512x64xf32>
    %mul3A_13 = vector.broadcast %get3A_1 : vector<512x1xf32> to vector<512x64xf32>
    %mul3A_14 = arith.mulf %get3A_12, %mul3A_13 : vector<512x64xf32>
    %get3A_15 = arith.constant 0 : index
    %get3A_16 = arith.constant 0 : index
    %get3A_17 = vector.load %arg5[%get3A_15, %get3A_16] : memref<1x64xf32, #tpu.memory_space<vmem>>, vector<1x64xf32>
    %add3A_18 = vector.broadcast %get3A_17 : vector<1x64xf32> to vector<512x64xf32>
    %add3A_19 = arith.addf %mul3A_14, %add3A_18 : vector<512x64xf32>
    %concatenate3A = tpu.concatenate %add3A_9, %add3A_19 in 1 : vector<512x64xf32>, vector<512x64xf32> -> vector<512x128xf32>
    %swap3A = arith.constant 0 : index
    %swap3A_20 = arith.constant 0 : index
    %swap3A_21 = vector.load %arg6[%swap3A, %swap3A_20] : memref<512x128xf32, #tpu.memory_space<vmem>>, vector<512x128xf32>
    tpu.vector_store %arg6[%swap3A, %swap3A_20], %concatenate3A {strides = array<i32>} : memref<512x128xf32, #tpu.memory_space<vmem>>, vector<512x128xf32>,
    return
  }
  func.func @transform_0(%arg0: i32) -> (i32, i32) {
    %c0_i32 = arith.constant 0 : i32
    %c0_i32_0 = arith.constant 0 : i32
    return %arg0, %c0_i32 : i32, i32
  }
  func.func @transform_1(%arg0: i32) -> (i32, i32) {
    %c0_i32 = arith.constant 0 : i32
    %c0_i32_0 = arith.constant 0 : i32
    return %arg0, %c0_i32 : i32, i32
  }
  func.func @transform_2(%arg0: i32) -> (i32, i32) {
    %c0_i32 = arith.constant 0 : i32
    %c0_i32_0 = arith.constant 0 : i32
    return %arg0, %c0_i32 : i32, i32
  }
  func.func @transform_3(%arg0: i32) -> (i32, i32) {
    %c0_i32 = arith.constant 0 : i32
    %c0_i32_0 = arith.constant 0 : i32
    %c0_i32_1 = arith.constant 0 : i32
    return %c0_i32, %c0_i32_0 : i32, i32
  }
  func.func @transform_4(%arg0: i32) -> (i32, i32) {
    %c0_i32 = arith.constant 0 : i32
    %c0_i32_0 = arith.constant 0 : i32
    %c0_i32_1 = arith.constant 0 : i32
    return %c0_i32, %c0_i32_0 : i32, i32
  }
  func.func @transform_5(%arg0: i32) -> (i32, i32) {
    %c0_i32 = arith.constant 0 : i32
    %c0_i32_0 = arith.constant 0 : i32
    return %arg0, %c0_i32 : i32, i32
  }
}

</mosaic_0001>

<sc_bundles>
// kernel: kernel.12.cloned.1.call-start
scs
__scs_entry_jumppad:
0x0: {  	(pc) =	sbr.rel $0x88, $3  }
0x1: {  	(tag) =	ssettag $0x0;
	lr =	simm.s32 $0x1  }
0x2: {  	[smem:$0x3F9B] =	sst lr;
	_ =	strace $0xD0000000  }
0x3: {  	_ = 	snop  }
0x4: {  	_ = 	snop  }
0x5: {  	_ = 	snop  }
0x6: {  	_ = 	snop  }
0x7: {  	_ = 	snop  }
__scs_overlays_trampoline_lowered:
0x8: {  	[smem:$0x3FAA] =	sst s0  }
0x9: {  	[smem:$0x3FAB] =	sst s1  }
0xa: {  	[smem:$0x3FAC] =	sst s2  }
0xb: {  	[smem:$0x3FAD] =	sst s3  }
0xc: {  	[smem:$0x3FAE] =	sst s4  }
0xd: {  	[smem:$0x3FAF] =	sst s5  }
0xe: {  	[smem:$0x3FB0] =	sst s6  }
0xf: {  	[smem:$0x3FB1] =	sst s7  }
0x10: {  	[smem:$0x3FB2] =	sst s8  }
0x11: {  	[smem:$0x3FB3] =	sst s9;
	s0 =	simm.s32 @!p0 $0x0  }
0x12: {  	s1 =	sld [smem:$0x3F99];
	s0 =	simm.s32 @p0 $0x1  }
0x13: {  	[smem:$0x3FB4] =	sst s0;
	s0 =	simm.s32 @!p1 $0x0  }
0x14: {  	s2 =	sld [smem:$0x3F98];
	s0 =	simm.s32 @p1 $0x1  }
0x15: {  	[smem:$0x3FB5] =	sst s0;
	s0 =	simm.s32 @!p2 $0x0  }
0x16: {  	s3 =	sld [smem:$0x3FDB];
	s0 =	simm.s32 @p2 $0x1  }
0x17: {  	s4 =	simm.s32 $0x1BF5;
	[smem:$0x3FB7] =	sst s0  }
0x18: {  	s0 =	sld [smem:$0x3F9A];
	_ =	swait.ge [sflag:s4], $0x0  }
0x19: {  	s7 =	sld [smem:$0x3F9B]  }
0x1a: {  	s8 =	sadd.s32 $0xFFFFE003, lr  }
0x1b: {  	s9 =	sadd.s32 $0xFFFFFEF7, lr;
	s5 =	simm.s32 $0xFFFFFFFF;
	p2 =	slt.u32 s8, $0xFFFFF086  }
0x1c: {  	p1 =	slt.u32 s9, $0xF7A;
	s5 =	simm.s32 @!p2 $0x0  }
0x1d: {  	s5 =	simm.s32 @p1 $0x1;
	p0 =	seq.s32 s7, s2  }
0x1e: {  	s7 =	smul.u32 @!p0 $0xF7A, s2;
	p2 =	seq.s32 @!p0 s5, $0x0  }
0x1f: {  	s9 =	smul.u32 $0xF7A, s1;
	s8 =	simm.s32 @!p0 $0x1BF5;
	p2 =	por !p2, p0  }
0x20: {  	[sflag:s8] =	ssyncset.s32 @!p0 $0xFFFFF086;
	s6 =	sadd.s32 @!p0 s3, s7;
	s7 =	simm.s32 @!p0 $0x108  }
0x21: {  	s3 =	sadd.s32 s3, s9;
	s6 =	sadd.s32 @!p0 $0x88, s6;
	s7 =	simm.s32 @p2 $0x1082  }
0x22: {  	[simem:s7], [sflag:s8] =	dma.local @!p0 [hbm:s6], $0xF7A  }
0x23: {  	s9 =	sor.u32 $0xD0000000, s2;
	s6 =	simm.s32 $0x108;
	_ =	swait.ge @!p0 [sflag:s8], $0x0  }
0x24: {  	s3 =	sadd.s32 $0x88, s3;
	s6 =	simm.s32 @!p1 $0x1082;
	[sflag:s4] =	ssyncset.s32 $0xFFFFF086  }
0x25: {  	[simem:s6], [sflag:s4] =	dma.local [hbm:s3], $0xF7A  }
0x26: {  	[smem:$0x3F9B] =	sst s1;
	(tag) =	ssettag s2;
	_ =	strace s9  }
0x27: {  	s1 =	sld [smem:$0x3FAB]  }
0x28: {  	s2 =	sld [smem:$0x3FAC]  }
0x29: {  	s4 =	sld [smem:$0x3FAE]  }
0x2a: {  	p0 =	seq.s32 s5, $0x0;
	s5 =	sld [smem:$0x3FAF]  }
0x2b: {  	s6 =	sld [smem:$0x3FB0]  }
0x2c: {  	s7 =	sld [smem:$0x3FB1]  }
0x2d: {  	s3 =	simm.s32 $0x108;
	s8 =	sld [smem:$0x3FB2]  }
0x2e: {  	s3 =	simm.s32 @!p0 $0x1082;
	s9 =	sld [smem:$0x3FB3]  }
0x2f: {  	lr =	sadd.s32 s0, s3;
	s0 =	sld [smem:$0x3FAA]  }
0x30: {  	s3 =	sld [smem:$0x3FAD]  }
0x31: {  	[smem:$0x3FB6] =	sst s10  }
0x32: {  	s10 =	sld [smem:$0x3FB4];
	_ =	sdelay $0x3  }
0x33: {  	p0 =	seq.s32 s10, $0x1;
	s10 =	sld [smem:$0x3FB6];
	_ =	sdelay $0x3  }
0x34: {  	[smem:$0x3FB6] =	sst s10  }
0x35: {  	s10 =	sld [smem:$0x3FB5];
	_ =	sdelay $0x3  }
0x36: {  	p1 =	seq.s32 s10, $0x1;
	s10 =	sld [smem:$0x3FB6];
	_ =	sdelay $0x3  }
0x37: {  	[smem:$0x3FB6] =	sst s10  }
0x38: {  	s10 =	sld [smem:$0x3FB7]  }
0x39: {  	_ = 	snop;
	(pc) =	sbr.ind lr, $3  }
0x3a: {  	_ = 	snop  }
0x3b: {  	_ = 	snop  }
0x3c: {  	p2 =	seq.s32 s10, $0x1;
	s10 =	sld [smem:$0x3FB6]  }
0x3d: {  	_ =	shalt  }
0x3e: {  	_ =	shalt  }
0x3f: {  	_ =	shalt  }
0x40: {  	_ =	shalt  }
0x41: {  	_ =	shalt  }
0x42: {  	_ =	shalt  }
0x43: {  	_ =	shalt  }
0x44: {  	_ =	shalt  }
0x45: {  	_ =	shalt  }
0x46: {  	_ =	shalt  }
0x47: {  	_ =	shalt  }
0x48: {  	_ =	shalt  }
0x49: {  	_ =	shalt  }
0x4a: {  	_ =	shalt  }
0x4b: {  	_ =	shalt  }
0x4c: {  	_ =	shalt  }
0x4d: {  	_ =	shalt  }
0x4e: {  	_ =	shalt  }
0x4f: {  	_ =	shalt  }
0x50: {  	_ =	shalt  }
0x51: {  	_ =	shalt  }
0x52: {  	_ =	shalt  }
0x53: {  	_ =	shalt  }
0x54: {  	_ =	shalt  }
0x55: {  	_ =	shalt  }
0x56: {  	_ =	shalt  }
0x57: {  	_ =	shalt  }
0x58: {  	_ =	shalt  }
0x59: {  	_ =	shalt  }
0x5a: {  	_ =	shalt  }
0x5b: {  	_ =	shalt  }
0x5c: {  	_ =	shalt  }
0x5d: {  	_ =	shalt  }
0x5e: {  	_ =	shalt  }
0x5f: {  	_ =	shalt  }
0x60: {  	_ =	shalt  }
0x61: {  	_ =	shalt  }
0x62: {  	_ =	shalt  }
0x63: {  	_ =	shalt  }
0x64: {  	_ =	shalt  }
0x65: {  	_ =	shalt  }
0x66: {  	_ =	shalt  }
0x67: {  	_ =	shalt  }
0x68: {  	_ =	shalt  }
0x69: {  	_ =	shalt  }
0x6a: {  	_ =	shalt  }
0x6b: {  	_ =	shalt  }
0x6c: {  	_ =	shalt  }
0x6d: {  	_ =	shalt  }
0x6e: {  	_ =	shalt  }
0x6f: {  	_ =	shalt  }
0x70: {  	_ =	shalt  }
0x71: {  	_ =	shalt  }
0x72: {  	_ =	shalt  }
0x73: {  	_ =	shalt  }
0x74: {  	_ =	shalt  }
0x75: {  	_ =	shalt  }
0x76: {  	_ =	shalt  }
0x77: {  	_ =	shalt  }
0x78: {  	_ =	shalt  }
0x79: {  	_ =	shalt  }
0x7a: {  	_ =	shalt  }
0x7b: {  	_ =	shalt  }
0x7c: {  	_ =	shalt  }
0x7d: {  	_ =	shalt  }
0x7e: {  	_ =	shalt  }
0x7f: {  	_ =	shalt  }
0x80: {  	_ =	shalt  }
0x81: {  	_ =	shalt  }
0x82: {  	_ =	shalt  }
0x83: {  	_ =	shalt  }
0x84: {  	_ =	shalt  }
0x85: {  	_ =	shalt  }
0x86: {  	_ =	shalt  }
0x87: {  	_ =	shalt  }
.Lfunc_end0:
.L_simem_size_0:
called_computation.1_lowered:
.L_overlay_start_0:
0x88: {  	s2 =	sld [smem:$0x3FD9]  }
0x89: {  	s3 =	sld [smem:$0x3FFE];
	_ =	sdelay $0x1  }
0x8a: {  	s1 =	srdreg.scid  }
0x8b: {  	s0 =	sand.u32 $0x1, s1  }
0x8c: {  	s16 =	sshll.u32 s0, $0xA;
	s2 =	sadd.s32 s3, s2  }
0x8d: {  	s2 =	sadd.s32 s2, s16  }
0x8e: {  	[smem:$0x3FC2] =	sst s2  }
0x8f: {  	_ = 	snop  }
0x90: {  	(tm) =	ssettm $0x1  }
0x91: {  	s17 =	sld [smem:$0x3FFB];
	_ =	sdelay $0x3  }
0x92: {  	_ =	strace s17  }
0x93: {  	s2 =	sld [smem:$0x3FFC];
	_ =	sdelay $0x3  }
0x94: {  	_ =	strace s2  }
0x95: {  	s2 =	sld [smem:$0x3FFD];
	_ =	sdelay $0x3  }
0x96: {  	_ =	strace s2  }
0x97: {  	_ =	strace $0x8FFFFFFF  }
0x98: {  	s18 =	sld [smem:$0x3FDB];
	_ =	sdelay $0x1  }
0x99: {  	s19 =	simm.s32 $_scs_section_size  }
0x9a: {  	s4 =	simm.s32 $_size__tile_overlayer_lowered;
	s5 =	simm.s32 $_tile_overlayer_lowered  }
0x9b: {  	s22 =	simm.s32 $0x1BFF;
	s21 =	sshll.u32 s5, $0x1;
	s2 =	sadd.s32 s19, s18  }
0x9c: {  	s6 =	simm.s32 $0x0;
	s20 =	sshll.u32 s4, $0x1;
	s4 =	sadd.s32 s21, s2  }
0x9d: {  	[timem:s6], [sflag:s22] =	dma.local [hbm:s4], s20  }
0x9e: {  	_ =	swait.ge [sflag:s22], s20  }
0x9f: {  	s3 =	ssub.s32 $0x0, s20;
	[sflag:s22] =	ssyncset.done $0x0  }
0xa0: {  	[sflag:s22] =	ssyncadd.s32 s3;
	_ =	sdelay $0x1  }
0xa1: {  	s23 =	simm.s32 $0x1B8B  }
0xa2: {  	_ =	swait.ge [sflag:s23], $0x1  }
0xa3: {  	[sflag:s23] =	ssyncset.done $0x0  }
0xa4: {  	s25 =	simm.s32 $0x1B8E;
	s24 =	sld [smem:$0x3FFE];
	[sflag:s23] =	ssyncadd.s32 $0xFFFFFFFF  }
0xa5: {  	s26 =	simm.s32 $execute0_lowered;
	[smem:$0x3FD2] =	sst s25  }
0xa6: {  	s4 =	sshll.u32 s26, $0x1;
	_ =	strace $0x80000049;
	[dreg:$0x1] =	wrdreg $0xFFFFFFFF  }
0xa7: {  	s28 =	simm.s32 $_size_execute0_lowered;
	s2 =	sadd.s32 s2, s4;
	[dreg:$0x0] =	wrdreg $0x0  }
0xa8: {  	s4 =	sshll.u32 s28, $0x1;
	[dreg:$0x2] =	wrdreg s2  }
0xa9: {  	[dreg:$0x3] =	wrdreg s4  }
0xaa: {  	[dreg:$0x4] =	wrdreg $0xC0  }
0xab: {  	_ =	task [dreg:s6], $0x5FFFF  }
0xac: {  	[dreg:$0x1] =	wrdreg $0xFFFFFFFF  }
0xad: {  	[dreg:$0x0] =	wrdreg $0x60  }
0xae: {  	[dreg:$0x2] =	wrdreg s24  }
0xaf: {  	[dreg:$0x3] =	wrdreg $0xDE800  }
0xb0: {  	[dreg:$0x4] =	wrdreg $0x9  }
0xb1: {  	_ =	task.clear_ibuf [dreg:s6], $0x5FFFF;
	_ =	strace $0x90000049  }
0xb2: {  	s29 =	simm.s32 $0x9;
	_ =	strace $0x8000004B  }
0xb3: {  	_ =	swait.ge [sflag:s29], $0x1  }
0xb4: {  	[sflag:s29] =	ssyncadd.s32 $0xFFFFFFFF  }
0xb5: {  	_ =	strace $0x9000004B  }
0xb6: {  	_ =	sfence  }
0xb7: {  	s30 =	sld [smem:$0x0];
	_ =	sdelay $0x2  }
0xb8: {  	s31 =	sshll.u32 s1, $0xD;
	s1 =	sshrl.u32 s1, $0x2  }
0xb9: {  	s3 =	sand.u32 $0x4000, s31;
	s1 =	sadd.s32 s1, s30  }
0xba: {  	s0 =	sor.u32 s3, s0;
	s1 =	sshll.u32 s1, $0x11  }
0xbb: {  	s0 =	sor.u32 s1, s0  }
0xbc: {  	s0 =	sadd.s32 $0x8F2B, s0  }
0xbd: {  	[sflag:s0] =	ssyncadd.remote.s32 $0x1  }
0xbe: {  	_ =	sfence.sel $0xFFFF  }
0xbf: {  	[dreg:$0x0] =	wrdreg $0xFFFFFFFF;
	(pc) =	sbr.abs _section_cstart, $3  }
0xc0: {  	[dreg:$0x1] =	wrdreg $0xFFFFFFFF  }
0xc1: {  	_ =	task.clear_ibuf [dreg:s6], $0x2FFFF;
	_ =	strace $0x9FFFFFFF  }
0xc2: {  	(tm) =	ssettm $0x7FFFFFFF  }
0xc3: {  	_ =	shalt  }
tec
execute0_lowered:
.L_overlay_start_1:
0x0: {  	(tag) =	ssettag $0x1  }
0x1: {  	s6 =	rddreg [dreg:$0x0]  }
0x2: {  	s2 =	rddreg [dreg:$0x1]  }
0x3: {  	s0 =	rddreg [dreg:$0x2];
	s1 =	stileid.u32  }
0x4: {  	s4 =	srdreg.scid;
	s3 =	simm.s32 $0x0;
	s13 =	simm.s32 $0x5000  }
0x5: {  	s16 =	simm.s32 $0x7D;
	s17 =	simm.s32 $0xA000;
	s18 =	simm.s32 $0xBF40  }
0x6: {  	s19 =	simm.s32 $0x1;
	s20 =	simm.s32 $0x2;
	s21 =	simm.s32 $0x4F80  }
0x7: {  	s22 =	simm.s32 $0x0;
	s8 =	sand.u32 $0x1, s4;
	s9 =	smul.u32 $0xA000, s1  }
0x8: {  	[smem:$0x7FF] =	sst s3;
	s4 =	sadd.s32 $0x2B400, s6;
	s7 =	smul.u32 $0xA00, s1  }
0x9: {  	s14 =	sshll.u32 s1, $0x6;
	s5 =	smul.u32 $0xA0000, s8;
	_ =	strace $0x8000004A  }
0xa: {  	s11 =	ssub.s32 $0x2, s8;
	p0 =	seq.s32 s8, $0x1;
	s14 =	sor.u32 $0x1C03, s14  }
0xb: {  	s12 =	sshrl.u32 s11, $0x1;
	s7 =	sadd.s32 s7, s6;
	s31 =	sshrl.u32 s9, $0x3  }
.Ltmp0:
0xc: {  	s15 =	sadd.s32 s9, s2;
	s10 =	sadd.s32 s9, s5;
	(pc) =	sbr.rel .LBB2_1-.Ltmp0, $4  }
0xd: {  	s5 =	sadd.s32 $0x17400, s6;
	s11 =	ssub.s32 s11, s12;
	s8 =	sadd.s32 s4, s31  }
0xe: {  	s12 =	simm.s32 $0x3;
	s15 =	sshrl.u32 s15, $0x3;
	s10 =	sshrl.u32 s10, $0x3  }
0xf: {  	s9 =	sadd.s32 s5, s31;
	s11 =	smax.u32 s11, $0x1;
	s10 =	sadd.s32 s10, s6  }
0x10: {  	s6 =	sadd.s32 $0xD400, s7;
	s7 =	sadd.s32 $0x3400, s7;
	s10 =	sadd.s32 $0x3F400, s10  }
.LBB2_7:
0x11: {  	s24 =	sadd.s32 $0x4F80, s23;
	[sflag:s12] =	ssyncadd.s32 $0xFFFFE0C0  }
0x12: {  	[tilespmem:s18], [sflag:$0x2] =	stream.indirect.gather [hbm4b:s5+s16], $0x40, s24, s16, $0xb8;
	[tilespmem:$0x17E80] =	vst v63  }
0x13: {  	_ =	swait.ge [sflag:s19], $0x1F40  }
0x14: {  	[sflag:s19] =	ssyncset.done $0x0  }
0x15: {  	[sflag:s19] =	ssyncadd.s32 $0xFFFFE0C0  }
0x16: {  	[spmem:s2] =	stream.indirect.scatter.add.f32 [tilespmem:s17], [sflag:$0x3], $0x40, s13, s16, $0xb8;
	[tilespmem:$0x17E80] =	vst v63  }
0x17: {  	_ =	swait.ge [sflag:s12], $0x1F40  }
0x18: {  	[sflag:s12] =	ssyncset.done $0x0  }
0x19: {  	s31 =	sadd.s32 $0x5000, s23;
	[sflag:s12] =	ssyncadd.s32 $0xFFFFE0C0  }
0x1a: {  	[tilespmem:s17], [sflag:$0x1] =	stream.indirect.gather [hbm4b:s5+s16], $0x40, s31, s16, $0xb8;
	[tilespmem:$0x17E80] =	vst v63  }
0x1b: {  	_ =	swait.ge [sflag:s20], $0x1F40  }
0x1c: {  	[sflag:s20] =	ssyncset.done $0x0  }
0x1d: {  	[sflag:s20] =	ssyncadd.s32 $0xFFFFE0C0  }
0x1e: {  	[spmem:s2] =	stream.indirect.scatter.add.f32 [tilespmem:s18], [sflag:$0x3], $0x40, s13, s16, $0xb8;
	[tilespmem:$0x17E80] =	vst v63  }
0x1f: {  	_ =	swait.ge [sflag:s12], $0x1F40  }
0x20: {  	[sflag:s12] =	ssyncset.done $0x0  }
0x21: {  	[sflag:s12] =	ssyncadd.s32 $0xFFFFE0C0  }
0x22: {  	[tilespmem:s18], [sflag:$0x2] =	stream.indirect.gather [hbm4b:s5+s16], $0x40, s21, s16, $0xb8;
	[tilespmem:$0x17E80] =	vst v63  }
.LBB2_8:
0x23: {  	_ =	swait.ge [sflag:s19], $0x1F40  }
0x24: {  	[sflag:s19] =	ssyncset.done $0x0  }
0x25: {  	[sflag:s19] =	ssyncadd.s32 $0xFFFFE0C0  }
0x26: {  	[spmem:s2] =	stream.indirect.scatter.add.f32 [tilespmem:s17], [sflag:$0x3], $0x40, s13, s16, $0xb8;
	[tilespmem:$0x17E80] =	vst v63  }
0x27: {  	_ =	swait.ge [sflag:s12], $0x1F40  }
0x28: {  	[sflag:s12] =	ssyncset.done $0x0  }
0x29: {  	[sflag:s12] =	ssyncadd.s32 $0xFFFFE0C0  }
0x2a: {  	_ =	swait.ge [sflag:s20], $0x1F40  }
0x2b: {  	[sflag:s20] =	ssyncset.done $0x0  }
0x2c: {  	[sflag:s20] =	ssyncadd.s32 $0xFFFFE0C0  }
0x2d: {  	[spmem:s2] =	stream.indirect.scatter.add.f32 [tilespmem:s18], [sflag:$0x3], $0x40, s13, s16, $0xb8;
	[tilespmem:$0x17E80] =	vst v63  }
0x2e: {  	_ =	swait.ge [sflag:s12], $0x1F40  }
0x2f: {  	s22 =	sadd.s32 $0x1, s22;
	[sflag:s12] =	ssyncset.done $0x0  }
0x30: {  	p1 =	sne.s32 s22, s11;
	[sflag:s12] =	ssyncadd.s32 $0xFFFFE0C0  }
.Ltmp1:
0x31: {  	[bflag:$0x0] =	sbarrier.arrive $0xFFFF;
	(pc) =	sbr.rel @!p1 .LBB2_9-.Ltmp1, $4  }
0x32: {  	[hbm:s10], [sflag:s14] =	dma.local [spmem:s15], $0x1400  }
0x33: {  	_ =	swait.ge [sflag:s12], $0x1400  }
0x34: {  	[sflag:s12] =	ssyncset.done $0x0  }
0x35: {  	[sflag:s12] =	ssyncadd.s32 $0xFFFFEC00  }
.LBB2_1:
0x36: {  	[tilespmem:s3], [sflag:$0x3] =	stream.linear.gather [hbm4b:s6+s3], $0x5000, $0x38;
	[tilespmem:$0x17E80] =	vst v63  }
0x37: {  	_ =	swait.ge [sflag:s12], $0x5000  }
0x38: {  	[sflag:s12] =	ssyncset.done $0x0  }
.Ltmp2:
0x39: {  	[sflag:s12] =	ssyncadd.s32 $0xFFFFB000;
	(pc) =	sbr.rel @!p0 .LBB2_2-.Ltmp2, $4  }
0x3a: {  	[tilespmem:s13], [sflag:$0x3] =	stream.linear.gather [hbm4b:s7+s3], $0x5000, $0x38;
	[tilespmem:$0x17E80] =	vst v63  }
0x3b: {  	_ =	swait.ge [sflag:s12], $0x5000  }
0x3c: {  	[sflag:s12] =	ssyncset.done $0x0  }
0x3d: {  	[sflag:s12] =	ssyncadd.s32 $0xFFFFB000  }
0x3e: {  	[spmem:s15], [sflag:s14] =	dma.local [hbm:s9], $0x1400  }
0x3f: {  	_ =	swait.ge [sflag:s12], $0x1400  }
0x40: {  	[sflag:s12] =	ssyncset.done $0x0  }
0x41: {  	[sflag:s12] =	ssyncadd.s32 $0xFFFFEC00  }
0x42: {  	[bflag:$0x0] =	sbarrier.arrive $0xFFFF  }
0x43: {  	[tilespmem:s17], [sflag:$0x1] =	stream.indirect.gather [hbm4b:s5+s16], $0x40, s3, s16, $0xb8;
	[tilespmem:$0x17E80] =	vst v63  }
0x44: {  	s23 =	simm.s32 $0x80  }
0x45: {  	[tilespmem:s18], [sflag:$0x2] =	stream.indirect.gather [hbm4b:s5+s16], $0x40, s23, s16, $0xb8;
	[tilespmem:$0x17E80] =	vst v63  }
0x46: {  	_ =	swait.ge [sflag:s19], $0x1F40  }
0x47: {  	[sflag:s19] =	ssyncset.done $0x0  }
0x48: {  	[sflag:s19] =	ssyncadd.s32 $0xFFFFE0C0  }
0x49: {  	[spmem:s2] =	stream.indirect.scatter.add.f32 [tilespmem:s17], [sflag:$0x3], $0x40, s13, s16, $0xb8;
	[tilespmem:$0x17E80] =	vst v63  }
0x4a: {  	_ =	swait.ge [sflag:s12], $0x1F40  }
0x4b: {  	[sflag:s12] =	ssyncset.done $0x0  }
0x4c: {  	s31 =	simm.s32 $0x100;
	[sflag:s12] =	ssyncadd.s32 $0xFFFFE0C0  }
0x4d: {  	[tilespmem:s17], [sflag:$0x1] =	stream.indirect.gather [hbm4b:s5+s16], $0x40, s31, s16, $0xb8;
	[tilespmem:$0x17E80] =	vst v63  }
0x4e: {  	_ =	swait.ge [sflag:s20], $0x1F40  }
0x4f: {  	[sflag:s20] =	ssyncset.done $0x0  }
0x50: {  	[sflag:s20] =	ssyncadd.s32 $0xFFFFE0C0  }
0x51: {  	[spmem:s2] =	stream.indirect.scatter.add.f32 [tilespmem:s18], [sflag:$0x3], $0x40, s13, s16, $0xb8;
	[tilespmem:$0x17E80] =	vst v63  }
0x52: {  	_ =	swait.ge [sflag:s12], $0x1F40  }
0x53: {  	s24 =	simm.s32 $0xFFFECC00;
	s23 =	simm.s32 $0xFFFFB200;
	[sflag:s12] =	ssyncset.done $0x0  }
.LBB2_6:
0x54: {  	s25 =	sadd.s32 $0x4F80, s23  }
0x55: {  	[sflag:s12] =	ssyncadd.s32 $0xFFFFE0C0;
	s26 =	smov.u32 s24;
	s28 =	sadd.s32 $0x400, s24  }
0x56: {  	[tilespmem:s18], [sflag:$0x2] =	stream.indirect.gather [hbm4b:s5+s16], $0x40, s25, s16, $0xb8;
	[tilespmem:$0x17E80] =	vst v63  }
0x57: {  	p1 =	sne.s32 s24, $0xFFFFFC00;
	_ =	swait.ge [sflag:s19], $0x1F40  }
0x58: {  	[sflag:s19] =	ssyncset.done $0x0  }
0x59: {  	[sflag:s19] =	ssyncadd.s32 $0xFFFFE0C0  }
0x5a: {  	[spmem:s2] =	stream.indirect.scatter.add.f32 [tilespmem:s17], [sflag:$0x3], $0x40, s13, s16, $0xb8;
	[tilespmem:$0x17E80] =	vst v63  }
0x5b: {  	_ =	swait.ge [sflag:s12], $0x1F40  }
0x5c: {  	[sflag:s12] =	ssyncset.done $0x0  }
0x5d: {  	s23 =	sadd.s32 $0x5000, s23;
	[sflag:s12] =	ssyncadd.s32 $0xFFFFE0C0  }
0x5e: {  	[tilespmem:s17], [sflag:$0x1] =	stream.indirect.gather [hbm4b:s5+s16], $0x40, s23, s16, $0xb8;
	[tilespmem:$0x17E80] =	vst v63  }
0x5f: {  	_ =	swait.ge [sflag:s20], $0x1F40  }
.Ltmp3:
0x60: {  	[sflag:s20] =	ssyncset.done $0x0;
	(pc) =	sbr.rel @p1 .LBB2_6-.Ltmp3, $4  }
0x61: {  	[sflag:s20] =	ssyncadd.s32 $0xFFFFE0C0  }
0x62: {  	[spmem:s2] =	stream.indirect.scatter.add.f32 [tilespmem:s18], [sflag:$0x3], $0x40, s13, s16, $0xb8;
	[tilespmem:$0x17E80] =	vst v63  }
0x63: {  	_ =	swait.ge [sflag:s12], $0x1F40  }
0x64: {  	s24 =	smov.u32 s28;
	s23 =	sshra.s32 s26, $0x2;
	[sflag:s12] =	ssyncset.done $0x0  }
.Ltmp4:
0x65: {  	_ = 	snop;
	(pc) =	sbr.rel .LBB2_7-.Ltmp4, $1  }
0x66: {  	_ =	sdelay $0x3  }
.LBB2_2:
0x67: {  	[spmem:s15], [sflag:s14] =	dma.local [hbm:s8], $0x1400  }
0x68: {  	_ =	swait.ge [sflag:s12], $0x1400  }
0x69: {  	[sflag:s12] =	ssyncset.done $0x0  }
0x6a: {  	[sflag:s12] =	ssyncadd.s32 $0xFFFFEC00  }
0x6b: {  	[bflag:$0x0] =	sbarrier.arrive $0xFFFF  }
0x6c: {  	[tilespmem:s17], [sflag:$0x1] =	stream.indirect.gather [hbm4b:s4+s16], $0x40, s3, s16, $0xb8;
	[tilespmem:$0x17E80] =	vst v63  }
0x6d: {  	s23 =	simm.s32 $0x80  }
0x6e: {  	[tilespmem:s18], [sflag:$0x2] =	stream.indirect.gather [hbm4b:s4+s16], $0x40, s23, s16, $0xb8;
	[tilespmem:$0x17E80] =	vst v63  }
0x6f: {  	_ =	swait.ge [sflag:s19], $0x1F40  }
0x70: {  	[sflag:s19] =	ssyncset.done $0x0  }
0x71: {  	[sflag:s19] =	ssyncadd.s32 $0xFFFFE0C0  }
0x72: {  	[spmem:s2] =	stream.indirect.scatter.add.f32 [tilespmem:s17], [sflag:$0x3], $0x40, s13, s16, $0xb8;
	[tilespmem:$0x17E80] =	vst v63  }
0x73: {  	_ =	swait.ge [sflag:s12], $0x1F40  }
0x74: {  	[sflag:s12] =	ssyncset.done $0x0  }
0x75: {  	s31 =	simm.s32 $0x100;
	[sflag:s12] =	ssyncadd.s32 $0xFFFFE0C0  }
0x76: {  	[tilespmem:s17], [sflag:$0x1] =	stream.indirect.gather [hbm4b:s4+s16], $0x40, s31, s16, $0xb8;
	[tilespmem:$0x17E80] =	vst v63  }
0x77: {  	_ =	swait.ge [sflag:s20], $0x1F40  }
0x78: {  	[sflag:s20] =	ssyncset.done $0x0  }
0x79: {  	[sflag:s20] =	ssyncadd.s32 $0xFFFFE0C0  }
0x7a: {  	[spmem:s2] =	stream.indirect.scatter.add.f32 [tilespmem:s18], [sflag:$0x3], $0x40, s13, s16, $0xb8;
	[tilespmem:$0x17E80] =	vst v63  }
0x7b: {  	_ =	swait.ge [sflag:s12], $0x1F40  }
0x7c: {  	s24 =	simm.s32 $0xFFFECC00;
	s23 =	simm.s32 $0xFFFFB200;
	[sflag:s12] =	ssyncset.done $0x0  }
.LBB2_3:
0x7d: {  	s25 =	sadd.s32 $0x4F80, s23  }
0x7e: {  	[sflag:s12] =	ssyncadd.s32 $0xFFFFE0C0;
	s26 =	smov.u32 s24;
	s28 =	sadd.s32 $0x400, s24  }
0x7f: {  	[tilespmem:s18], [sflag:$0x2] =	stream.indirect.gather [hbm4b:s4+s16], $0x40, s25, s16, $0xb8;
	[tilespmem:$0x17E80] =	vst v63  }
0x80: {  	p1 =	seq.s32 s24, $0xFFFFFC00;
	_ =	swait.ge [sflag:s19], $0x1F40  }
0x81: {  	[sflag:s19] =	ssyncset.done $0x0  }
0x82: {  	[sflag:s19] =	ssyncadd.s32 $0xFFFFE0C0  }
0x83: {  	[spmem:s2] =	stream.indirect.scatter.add.f32 [tilespmem:s17], [sflag:$0x3], $0x40, s13, s16, $0xb8;
	[tilespmem:$0x17E80] =	vst v63  }
0x84: {  	_ =	swait.ge [sflag:s12], $0x1F40  }
0x85: {  	[sflag:s12] =	ssyncset.done $0x0  }
0x86: {  	s23 =	sadd.s32 $0x5000, s23;
	[sflag:s12] =	ssyncadd.s32 $0xFFFFE0C0  }
0x87: {  	[tilespmem:s17], [sflag:$0x1] =	stream.indirect.gather [hbm4b:s4+s16], $0x40, s23, s16, $0xb8;
	[tilespmem:$0x17E80] =	vst v63  }
0x88: {  	_ =	swait.ge [sflag:s20], $0x1F40  }
.Ltmp5:
0x89: {  	[sflag:s20] =	ssyncset.done $0x0;
	(pc) =	sbr.rel @!p1 .LBB2_3-.Ltmp5, $4  }
0x8a: {  	[sflag:s20] =	ssyncadd.s32 $0xFFFFE0C0  }
0x8b: {  	[spmem:s2] =	stream.indirect.scatter.add.f32 [tilespmem:s18], [sflag:$0x3], $0x40, s13, s16, $0xb8;
	[tilespmem:$0x17E80] =	vst v63  }
0x8c: {  	_ =	swait.ge [sflag:s12], $0x1F40  }
0x8d: {  	s24 =	smov.u32 s28;
	s23 =	sshra.s32 s26, $0x2;
	[sflag:s12] =	ssyncset.done $0x0  }
0x8e: {  	s24 =	sadd.s32 $0x4F80, s23;
	[sflag:s12] =	ssyncadd.s32 $0xFFFFE0C0  }
0x8f: {  	[tilespmem:s18], [sflag:$0x2] =	stream.indirect.gather [hbm4b:s4+s16], $0x40, s24, s16, $0xb8;
	[tilespmem:$0x17E80] =	vst v63  }
0x90: {  	_ =	swait.ge [sflag:s19], $0x1F40  }
0x91: {  	[sflag:s19] =	ssyncset.done $0x0  }
0x92: {  	[sflag:s19] =	ssyncadd.s32 $0xFFFFE0C0  }
0x93: {  	[spmem:s2] =	stream.indirect.scatter.add.f32 [tilespmem:s17], [sflag:$0x3], $0x40, s13, s16, $0xb8;
	[tilespmem:$0x17E80] =	vst v63  }
0x94: {  	_ =	swait.ge [sflag:s12], $0x1F40  }
0x95: {  	[sflag:s12] =	ssyncset.done $0x0  }
0x96: {  	s31 =	sadd.s32 $0x5000, s23;
	[sflag:s12] =	ssyncadd.s32 $0xFFFFE0C0  }
0x97: {  	[tilespmem:s17], [sflag:$0x1] =	stream.indirect.gather [hbm4b:s4+s16], $0x40, s31, s16, $0xb8;
	[tilespmem:$0x17E80] =	vst v63  }
0x98: {  	_ =	swait.ge [sflag:s20], $0x1F40  }
0x99: {  	[sflag:s20] =	ssyncset.done $0x0  }
0x9a: {  	[sflag:s20] =	ssyncadd.s32 $0xFFFFE0C0  }
0x9b: {  	[spmem:s2] =	stream.indirect.scatter.add.f32 [tilespmem:s18], [sflag:$0x3], $0x40, s13, s16, $0xb8;
	[tilespmem:$0x17E80] =	vst v63  }
.Ltmp6:
0x9c: {  	_ = 	snop;
	(pc) =	sbr.rel .LBB2_8-.Ltmp6, $4  }
0x9d: {  	_ =	swait.ge [sflag:s12], $0x1F40  }
0x9e: {  	[sflag:s12] =	ssyncset.done $0x0  }
0x9f: {  	[sflag:s12] =	ssyncadd.s32 $0xFFFFE0C0  }
0xa0: {  	[tilespmem:s18], [sflag:$0x2] =	stream.indirect.gather [hbm4b:s4+s16], $0x40, s21, s16, $0xb8;
	[tilespmem:$0x17E80] =	vst v63  }
.LBB2_9:
0xa1: {  	_ =	sfence.sel $0x180000  }
0xa2: {  	[bflag:$0x0] =	sbarrier.arrive $0xFFFF  }
0xa3: {  	p0 =	sne.s32 s1, $0x0;
	_ =	strace $0x9000004A  }
0xa4: {  	s0 =	sadd.s32 @!p0 $0x100000, s0;
	[bflag:$0x2] =	sbarrier.arrive $0xFFFF  }
0xa5: {  	[sflag:s0] =	ssyncadd.tile.s32 @!p0 $0x1;
	_ =	shalt  }
.Lfunc_end2:
_tile_overlayer_lowered:
.L_overlay_start_2:
0xa6: {  	(tag) =	ssettag $0x2  }
0xa7: {  	s0 =	rddreg [dreg:$0x0];
	s2 =	stileid.u32  }
0xa8: {  	s1 =	rddreg [dreg:$0x1];
	p0 =	sne.s32 s2, $0x0  }
0xa9: {  	s3 =	rddreg [dreg:$0x2];
	[bflag:$0x3] =	sbarrier.arrive $0xFFFF;
	s2 =	simm.s32 @!p0 $0x1C03  }
0xaa: {  	[timem:s3], [sflag:s2] =	dma.local @!p0 [hbm:s0], s1  }
0xab: {  	s0 =	simm.s32 @!p0 $0x3  }
0xac: {  	_ =	swait.ge @!p0 [sflag:s0], s1  }
0xad: {  	s1 =	ssub.s32 @!p0 $0x0, s1;
	[sflag:s0] =	ssyncset.done @!p0 $0x0  }
0xae: {  	[sflag:s0] =	ssyncadd.s32 @!p0 s1  }
0xaf: {  	[bflag:$0x3] =	sbarrier.arrive $0xFFFF  }
0xb0: {  	_ =	shalt  }

// kernel: kernel.15.cloned.1.call-start
scs
__scs_entry_jumppad:
0x0: {  	(pc) =	sbr.rel $0x88, $3  }
0x1: {  	(tag) =	ssettag $0x0;
	lr =	simm.s32 $0x1  }
0x2: {  	[smem:$0x3F9B] =	sst lr;
	_ =	strace $0xD0000000  }
0x3: {  	_ = 	snop  }
0x4: {  	_ = 	snop  }
0x5: {  	_ = 	snop  }
0x6: {  	_ = 	snop  }
0x7: {  	_ = 	snop  }
__scs_overlays_trampoline_lowered:
0x8: {  	[smem:$0x3FAA] =	sst s0  }
0x9: {  	[smem:$0x3FAB] =	sst s1  }
0xa: {  	[smem:$0x3FAC] =	sst s2  }
0xb: {  	[smem:$0x3FAD] =	sst s3  }
0xc: {  	[smem:$0x3FAE] =	sst s4  }
0xd: {  	[smem:$0x3FAF] =	sst s5  }
0xe: {  	[smem:$0x3FB0] =	sst s6  }
0xf: {  	[smem:$0x3FB1] =	sst s7  }
0x10: {  	[smem:$0x3FB2] =	sst s8  }
0x11: {  	[smem:$0x3FB3] =	sst s9;
	s0 =	simm.s32 @!p0 $0x0  }
0x12: {  	s1 =	sld [smem:$0x3F99];
	s0 =	simm.s32 @p0 $0x1  }
0x13: {  	[smem:$0x3FB4] =	sst s0;
	s0 =	simm.s32 @!p1 $0x0  }
0x14: {  	s2 =	sld [smem:$0x3F98];
	s0 =	simm.s32 @p1 $0x1  }
0x15: {  	[smem:$0x3FB5] =	sst s0;
	s0 =	simm.s32 @!p2 $0x0  }
0x16: {  	s3 =	sld [smem:$0x3FDB];
	s0 =	simm.s32 @p2 $0x1  }
0x17: {  	s4 =	simm.s32 $0x1BF5;
	[smem:$0x3FB7] =	sst s0  }
0x18: {  	s0 =	sld [smem:$0x3F9A];
	_ =	swait.ge [sflag:s4], $0x0  }
0x19: {  	s7 =	sld [smem:$0x3F9B]  }
0x1a: {  	s8 =	sadd.s32 $0xFFFFE003, lr  }
0x1b: {  	s9 =	sadd.s32 $0xFFFFFEF7, lr;
	s5 =	simm.s32 $0xFFFFFFFF;
	p2 =	slt.u32 s8, $0xFFFFF086  }
0x1c: {  	p1 =	slt.u32 s9, $0xF7A;
	s5 =	simm.s32 @!p2 $0x0  }
0x1d: {  	s5 =	simm.s32 @p1 $0x1;
	p0 =	seq.s32 s7, s2  }
0x1e: {  	s7 =	smul.u32 @!p0 $0xF7A, s2;
	p2 =	seq.s32 @!p0 s5, $0x0  }
0x1f: {  	s9 =	smul.u32 $0xF7A, s1;
	s8 =	simm.s32 @!p0 $0x1BF5;
	p2 =	por !p2, p0  }
0x20: {  	[sflag:s8] =	ssyncset.s32 @!p0 $0xFFFFF086;
	s6 =	sadd.s32 @!p0 s3, s7;
	s7 =	simm.s32 @!p0 $0x108  }
0x21: {  	s3 =	sadd.s32 s3, s9;
	s6 =	sadd.s32 @!p0 $0x88, s6;
	s7 =	simm.s32 @p2 $0x1082  }
0x22: {  	[simem:s7], [sflag:s8] =	dma.local @!p0 [hbm:s6], $0xF7A  }
0x23: {  	s9 =	sor.u32 $0xD0000000, s2;
	s6 =	simm.s32 $0x108;
	_ =	swait.ge @!p0 [sflag:s8], $0x0  }
0x24: {  	s3 =	sadd.s32 $0x88, s3;
	s6 =	simm.s32 @!p1 $0x1082;
	[sflag:s4] =	ssyncset.s32 $0xFFFFF086  }
0x25: {  	[simem:s6], [sflag:s4] =	dma.local [hbm:s3], $0xF7A  }
0x26: {  	[smem:$0x3F9B] =	sst s1;
	(tag) =	ssettag s2;
	_ =	strace s9  }
0x27: {  	s1 =	sld [smem:$0x3FAB]  }
0x28: {  	s2 =	sld [smem:$0x3FAC]  }
0x29: {  	s4 =	sld [smem:$0x3FAE]  }
0x2a: {  	p0 =	seq.s32 s5, $0x0;
	s5 =	sld [smem:$0x3FAF]  }
0x2b: {  	s6 =	sld [smem:$0x3FB0]  }
0x2c: {  	s7 =	sld [smem:$0x3FB1]  }
0x2d: {  	s3 =	simm.s32 $0x108;
	s8 =	sld [smem:$0x3FB2]  }
0x2e: {  	s3 =	simm.s32 @!p0 $0x1082;
	s9 =	sld [smem:$0x3FB3]  }
0x2f: {  	lr =	sadd.s32 s0, s3;
	s0 =	sld [smem:$0x3FAA]  }
0x30: {  	s3 =	sld [smem:$0x3FAD]  }
0x31: {  	[smem:$0x3FB6] =	sst s10  }
0x32: {  	s10 =	sld [smem:$0x3FB4];
	_ =	sdelay $0x3  }
0x33: {  	p0 =	seq.s32 s10, $0x1;
	s10 =	sld [smem:$0x3FB6];
	_ =	sdelay $0x3  }
0x34: {  	[smem:$0x3FB6] =	sst s10  }
0x35: {  	s10 =	sld [smem:$0x3FB5];
	_ =	sdelay $0x3  }
0x36: {  	p1 =	seq.s32 s10, $0x1;
	s10 =	sld [smem:$0x3FB6];
	_ =	sdelay $0x3  }
0x37: {  	[smem:$0x3FB6] =	sst s10  }
0x38: {  	s10 =	sld [smem:$0x3FB7]  }
0x39: {  	_ = 	snop;
	(pc) =	sbr.ind lr, $3  }
0x3a: {  	_ = 	snop  }
0x3b: {  	_ = 	snop  }
0x3c: {  	p2 =	seq.s32 s10, $0x1;
	s10 =	sld [smem:$0x3FB6]  }
0x3d: {  	_ =	shalt  }
0x3e: {  	_ =	shalt  }
0x3f: {  	_ =	shalt  }
0x40: {  	_ =	shalt  }
0x41: {  	_ =	shalt  }
0x42: {  	_ =	shalt  }
0x43: {  	_ =	shalt  }
0x44: {  	_ =	shalt  }
0x45: {  	_ =	shalt  }
0x46: {  	_ =	shalt  }
0x47: {  	_ =	shalt  }
0x48: {  	_ =	shalt  }
0x49: {  	_ =	shalt  }
0x4a: {  	_ =	shalt  }
0x4b: {  	_ =	shalt  }
0x4c: {  	_ =	shalt  }
0x4d: {  	_ =	shalt  }
0x4e: {  	_ =	shalt  }
0x4f: {  	_ =	shalt  }
0x50: {  	_ =	shalt  }
0x51: {  	_ =	shalt  }
0x52: {  	_ =	shalt  }
0x53: {  	_ =	shalt  }
0x54: {  	_ =	shalt  }
0x55: {  	_ =	shalt  }
0x56: {  	_ =	shalt  }
0x57: {  	_ =	shalt  }
0x58: {  	_ =	shalt  }
0x59: {  	_ =	shalt  }
0x5a: {  	_ =	shalt  }
0x5b: {  	_ =	shalt  }
0x5c: {  	_ =	shalt  }
0x5d: {  	_ =	shalt  }
0x5e: {  	_ =	shalt  }
0x5f: {  	_ =	shalt  }
0x60: {  	_ =	shalt  }
0x61: {  	_ =	shalt  }
0x62: {  	_ =	shalt  }
0x63: {  	_ =	shalt  }
0x64: {  	_ =	shalt  }
0x65: {  	_ =	shalt  }
0x66: {  	_ =	shalt  }
0x67: {  	_ =	shalt  }
0x68: {  	_ =	shalt  }
0x69: {  	_ =	shalt  }
0x6a: {  	_ =	shalt  }
0x6b: {  	_ =	shalt  }
0x6c: {  	_ =	shalt  }
0x6d: {  	_ =	shalt  }
0x6e: {  	_ =	shalt  }
0x6f: {  	_ =	shalt  }
0x70: {  	_ =	shalt  }
0x71: {  	_ =	shalt  }
0x72: {  	_ =	shalt  }
0x73: {  	_ =	shalt  }
0x74: {  	_ =	shalt  }
0x75: {  	_ =	shalt  }
0x76: {  	_ =	shalt  }
0x77: {  	_ =	shalt  }
0x78: {  	_ =	shalt  }
0x79: {  	_ =	shalt  }
0x7a: {  	_ =	shalt  }
0x7b: {  	_ =	shalt  }
0x7c: {  	_ =	shalt  }
0x7d: {  	_ =	shalt  }
0x7e: {  	_ =	shalt  }
0x7f: {  	_ =	shalt  }
0x80: {  	_ =	shalt  }
0x81: {  	_ =	shalt  }
0x82: {  	_ =	shalt  }
0x83: {  	_ =	shalt  }
0x84: {  	_ =	shalt  }
0x85: {  	_ =	shalt  }
0x86: {  	_ =	shalt  }
0x87: {  	_ =	shalt  }
.Lfunc_end0:
.L_simem_size_0:
called_computation.2_lowered:
.L_overlay_start_0:
0x88: {  	s2 =	sld [smem:$0x3FD9]  }
0x89: {  	s3 =	sld [smem:$0x3FFE];
	_ =	sdelay $0x1  }
0x8a: {  	s1 =	srdreg.scid  }
0x8b: {  	s0 =	sand.u32 $0x1, s1  }
0x8c: {  	s17 =	sshll.u32 s0, $0xA;
	s2 =	sadd.s32 s3, s2  }
0x8d: {  	s2 =	sadd.s32 s2, s17  }
0x8e: {  	[smem:$0x3FC2] =	sst s2  }
0x8f: {  	_ = 	snop  }
0x90: {  	s18 =	sld [smem:$0x3FD0];
	(tm) =	ssettm $0x1  }
0x91: {  	s19 =	sld [smem:$0x3FFB];
	_ =	sdelay $0x3  }
0x92: {  	_ =	strace s19  }
0x93: {  	s2 =	sld [smem:$0x3FFC];
	_ =	sdelay $0x3  }
0x94: {  	_ =	strace s2  }
0x95: {  	s2 =	sld [smem:$0x3FFD];
	_ =	sdelay $0x3  }
0x96: {  	_ =	strace s2  }
0x97: {  	_ =	strace $0x8FFFFFFF  }
0x98: {  	s20 =	sld [smem:$0x3FDB];
	_ =	sdelay $0x1  }
0x99: {  	s4 =	simm.s32 $_scs_section_size  }
0x9a: {  	s5 =	simm.s32 $_size__tile_overlayer_lowered;
	s6 =	simm.s32 $_tile_overlayer_lowered  }
0x9b: {  	s7 =	simm.s32 $0x1BFF;
	s21 =	sshll.u32 s6, $0x1;
	s4 =	sadd.s32 s4, s20  }
0x9c: {  	s22 =	simm.s32 $0x0;
	s5 =	sshll.u32 s5, $0x1;
	s6 =	sadd.s32 s21, s4  }
0x9d: {  	[timem:s22], [sflag:s7] =	dma.local [hbm:s6], s5  }
0x9e: {  	_ =	swait.ge [sflag:s7], s5  }
0x9f: {  	s5 =	ssub.s32 $0x0, s5;
	[sflag:s7] =	ssyncset.done $0x0  }
0xa0: {  	[sflag:s7] =	ssyncadd.s32 s5;
	_ =	sdelay $0x1  }
0xa1: {  	s23 =	simm.s32 $0x1B8B  }
0xa2: {  	_ =	swait.ge [sflag:s23], $0x1  }
0xa3: {  	[sflag:s23] =	ssyncset.done $0x0  }
0xa4: {  	[sflag:s23] =	ssyncadd.s32 $0xFFFFFFFF  }
0xa5: {  	s5 =	sld [smem:$0x0]  }
0xa6: {  	s6 =	sand.u32 $0xFFFFFFFE, s1  }
0xa7: {  	p0 =	sne.s32 s1, s6  }
0xa8: {  	s6 =	sshll.u32 @p0 s6, $0xE  }
0xa9: {  	s6 =	sadd.s32 @p0 $0x11B8D, s6;
	s7 =	sshll.u32 @p0 s5, $0x11  }
0xaa: {  	s6 =	sor.u32 @p0 s7, s6  }
0xab: {  	[sflag:s6] =	ssyncadd.remote.s32 @p0 $0x1;
	_ =	sdelay $0x1  }
0xac: {  	s6 =	simm.s32 @p0 $0x1B8D  }
0xad: {  	_ =	swait.eq @p0 [sflag:s6], $0x1  }
0xae: {  	[sflag:s6] =	ssyncadd.s32 @p0 $0xFFFFFFFF  }
0xaf: {  	s7 =	sshll.u32 @!p0 s1, $0xE  }
0xb0: {  	s7 =	sor.u32 @!p0 $0x4000, s7;
	s6 =	simm.s32 @!p0 $0x1B8D  }
0xb1: {  	s5 =	sshll.u32 @!p0 s5, $0x11;
	s7 =	sadd.s32 @!p0 $0x11B8D, s7;
	_ =	swait.eq @!p0 [sflag:s6], $0x1  }
0xb2: {  	s5 =	sor.u32 @!p0 s5, s7;
	[sflag:s6] =	ssyncadd.s32 @!p0 $0xFFFFFFFF  }
0xb3: {  	s25 =	simm.s32 $0x1B8E;
	s24 =	sld [smem:$0x3FFE];
	[sflag:s5] =	ssyncadd.remote.s32 @!p0 $0x1  }
0xb4: {  	s26 =	simm.s32 $execute0_lowered;
	[smem:$0x3FD2] =	sst s25  }
0xb5: {  	s6 =	sshll.u32 s26, $0x1;
	_ =	strace $0x8000004C;
	[dreg:$0x1] =	wrdreg $0xFFFFFFFF  }
0xb6: {  	s28 =	simm.s32 $_size_execute0_lowered;
	s4 =	sadd.s32 s4, s6;
	[dreg:$0x0] =	wrdreg $0x0  }
0xb7: {  	s6 =	sshll.u32 s28, $0x1;
	[dreg:$0x2] =	wrdreg s4  }
0xb8: {  	[dreg:$0x3] =	wrdreg s6  }
0xb9: {  	[dreg:$0x4] =	wrdreg $0xC0  }
0xba: {  	_ =	task [dreg:s22], $0x5FFFF  }
0xbb: {  	[dreg:$0x1] =	wrdreg $0xFFFFFFFF  }
0xbc: {  	[dreg:$0x0] =	wrdreg $0x60  }
0xbd: {  	[dreg:$0x2] =	wrdreg s18  }
0xbe: {  	[dreg:$0x3] =	wrdreg s24  }
0xbf: {  	[dreg:$0x4] =	wrdreg $0xDE800  }
0xc0: {  	[dreg:$0x5] =	wrdreg $0xA  }
0xc1: {  	_ =	task.clear_ibuf [dreg:s22], $0x6FFFF;
	_ =	strace $0x9000004C  }
0xc2: {  	s29 =	simm.s32 $0xA;
	_ =	strace $0x8000004E  }
0xc3: {  	_ =	swait.ge [sflag:s29], $0x1  }
0xc4: {  	[sflag:s29] =	ssyncadd.s32 $0xFFFFFFFF  }
0xc5: {  	_ =	strace $0x9000004E  }
0xc6: {  	_ =	sfence  }
0xc7: {  	s30 =	sld [smem:$0x0];
	_ =	sdelay $0x2  }
0xc8: {  	s31 =	sshll.u32 s1, $0xD;
	s1 =	sshrl.u32 s1, $0x2  }
0xc9: {  	s4 =	sand.u32 $0x4000, s31;
	s1 =	sadd.s32 s1, s30  }
0xca: {  	s0 =	sor.u32 s4, s0;
	s1 =	sshll.u32 s1, $0x11  }
0xcb: {  	s0 =	sor.u32 s1, s0  }
0xcc: {  	s0 =	sadd.s32 $0x8F2B, s0  }
0xcd: {  	[sflag:s0] =	ssyncadd.remote.s32 $0x1  }
0xce: {  	_ =	sfence.sel $0xFFFF  }
0xcf: {  	[dreg:$0x0] =	wrdreg $0xFFFFFFFF;
	(pc) =	sbr.abs _section_cstart, $3  }
0xd0: {  	[dreg:$0x1] =	wrdreg $0xFFFFFFFF  }
0xd1: {  	_ =	task.clear_ibuf [dreg:s22], $0x2FFFF;
	_ =	strace $0x9FFFFFFF  }
0xd2: {  	(tm) =	ssettm $0x7FFFFFFF  }
0xd3: {  	_ =	shalt  }
tec
execute0_lowered:
.L_overlay_start_1:
0x0: {  	(tag) =	ssettag $0x1  }
0x1: {  	s2 =	rddreg [dreg:$0x0]  }
0x2: {  	s6 =	rddreg [dreg:$0x1]  }
0x3: {  	s3 =	rddreg [dreg:$0x2]  }
0x4: {  	s0 =	rddreg [dreg:$0x3]  }
0x5: {  	s1 =	stileid.u32;
	s5 =	srdreg.scid;
	s4 =	simm.s32 $0x0  }
0x6: {  	s13 =	simm.s32 $0x5000;
	s16 =	simm.s32 $0x7D;
	s17 =	simm.s32 $0xA000  }
0x7: {  	s18 =	simm.s32 $0xBF40;
	s19 =	simm.s32 $0x1;
	s20 =	simm.s32 $0x2  }
0x8: {  	s21 =	simm.s32 $0x4F80;
	s22 =	simm.s32 $0x0;
	s9 =	smul.u32 $0xA000, s1  }
0x9: {  	s8 =	sand.u32 $0x1, s5;
	[smem:$0x7FF] =	sst s4;
	s7 =	smul.u32 $0xA00, s1  }
0xa: {  	s14 =	sshll.u32 s1, $0x6;
	s5 =	smul.u32 $0xA0000, s8;
	_ =	strace $0x8000004D  }
0xb: {  	s11 =	ssub.s32 $0x2, s8;
	p0 =	seq.s32 s8, $0x1;
	s14 =	sor.u32 $0x1C03, s14  }
0xc: {  	s12 =	sshrl.u32 s11, $0x1;
	s7 =	sadd.s32 s7, s6;
	s31 =	sshrl.u32 s9, $0x3  }
.Ltmp0:
0xd: {  	s15 =	sadd.s32 s9, s3;
	s10 =	sadd.s32 s9, s5;
	(pc) =	sbr.rel .LBB2_1-.Ltmp0, $4  }
0xe: {  	s5 =	sadd.s32 $0x67400, s6;
	s11 =	ssub.s32 s11, s12;
	s8 =	sadd.s32 s2, s31  }
0xf: {  	s12 =	simm.s32 $0x3;
	s15 =	sshrl.u32 s15, $0x3;
	s10 =	sshrl.u32 s10, $0x3  }
0x10: {  	s9 =	sadd.s32 s5, s31;
	s11 =	smax.u32 s11, $0x1;
	s10 =	sadd.s32 s10, s6  }
0x11: {  	s6 =	sadd.s32 $0xD400, s7;
	s7 =	sadd.s32 $0x3400, s7;
	s10 =	sadd.s32 $0xB7400, s10  }
.LBB2_7:
0x12: {  	s24 =	sadd.s32 $0x4F80, s23;
	[sflag:s12] =	ssyncadd.s32 $0xFFFFE0C0  }
0x13: {  	[tilespmem:s18], [sflag:$0x2] =	stream.indirect.gather [hbm4b:s5+s16], $0x40, s24, s16, $0xb8;
	[tilespmem:$0x17E80] =	vst v63  }
0x14: {  	_ =	swait.ge [sflag:s19], $0x1F40  }
0x15: {  	[sflag:s19] =	ssyncset.done $0x0  }
0x16: {  	[sflag:s19] =	ssyncadd.s32 $0xFFFFE0C0  }
0x17: {  	[spmem:s3] =	stream.indirect.scatter.add.f32 [tilespmem:s17], [sflag:$0x3], $0x40, s13, s16, $0xb8;
	[tilespmem:$0x17E80] =	vst v63  }
0x18: {  	_ =	swait.ge [sflag:s12], $0x1F40  }
0x19: {  	[sflag:s12] =	ssyncset.done $0x0  }
0x1a: {  	s31 =	sadd.s32 $0x5000, s23;
	[sflag:s12] =	ssyncadd.s32 $0xFFFFE0C0  }
0x1b: {  	[tilespmem:s17], [sflag:$0x1] =	stream.indirect.gather [hbm4b:s5+s16], $0x40, s31, s16, $0xb8;
	[tilespmem:$0x17E80] =	vst v63  }
0x1c: {  	_ =	swait.ge [sflag:s20], $0x1F40  }
0x1d: {  	[sflag:s20] =	ssyncset.done $0x0  }
0x1e: {  	[sflag:s20] =	ssyncadd.s32 $0xFFFFE0C0  }
0x1f: {  	[spmem:s3] =	stream.indirect.scatter.add.f32 [tilespmem:s18], [sflag:$0x3], $0x40, s13, s16, $0xb8;
	[tilespmem:$0x17E80] =	vst v63  }
0x20: {  	_ =	swait.ge [sflag:s12], $0x1F40  }
0x21: {  	[sflag:s12] =	ssyncset.done $0x0  }
0x22: {  	[sflag:s12] =	ssyncadd.s32 $0xFFFFE0C0  }
0x23: {  	[tilespmem:s18], [sflag:$0x2] =	stream.indirect.gather [hbm4b:s5+s16], $0x40, s21, s16, $0xb8;
	[tilespmem:$0x17E80] =	vst v63  }
.LBB2_8:
0x24: {  	_ =	swait.ge [sflag:s19], $0x1F40  }
0x25: {  	[sflag:s19] =	ssyncset.done $0x0  }
0x26: {  	[sflag:s19] =	ssyncadd.s32 $0xFFFFE0C0  }
0x27: {  	[spmem:s3] =	stream.indirect.scatter.add.f32 [tilespmem:s17], [sflag:$0x3], $0x40, s13, s16, $0xb8;
	[tilespmem:$0x17E80] =	vst v63  }
0x28: {  	_ =	swait.ge [sflag:s12], $0x1F40  }
0x29: {  	[sflag:s12] =	ssyncset.done $0x0  }
0x2a: {  	[sflag:s12] =	ssyncadd.s32 $0xFFFFE0C0  }
0x2b: {  	_ =	swait.ge [sflag:s20], $0x1F40  }
0x2c: {  	[sflag:s20] =	ssyncset.done $0x0  }
0x2d: {  	[sflag:s20] =	ssyncadd.s32 $0xFFFFE0C0  }
0x2e: {  	[spmem:s3] =	stream.indirect.scatter.add.f32 [tilespmem:s18], [sflag:$0x3], $0x40, s13, s16, $0xb8;
	[tilespmem:$0x17E80] =	vst v63  }
0x2f: {  	_ =	swait.ge [sflag:s12], $0x1F40  }
0x30: {  	s22 =	sadd.s32 $0x1, s22;
	[sflag:s12] =	ssyncset.done $0x0  }
0x31: {  	p1 =	sne.s32 s22, s11;
	[sflag:s12] =	ssyncadd.s32 $0xFFFFE0C0  }
.Ltmp1:
0x32: {  	[bflag:$0x0] =	sbarrier.arrive $0xFFFF;
	(pc) =	sbr.rel @!p1 .LBB2_9-.Ltmp1, $4  }
0x33: {  	[hbm:s10], [sflag:s14] =	dma.local [spmem:s15], $0x1400  }
0x34: {  	_ =	swait.ge [sflag:s12], $0x1400  }
0x35: {  	[sflag:s12] =	ssyncset.done $0x0  }
0x36: {  	[sflag:s12] =	ssyncadd.s32 $0xFFFFEC00  }
.LBB2_1:
0x37: {  	[tilespmem:s4], [sflag:$0x3] =	stream.linear.gather [hbm4b:s6+s4], $0x5000, $0x38;
	[tilespmem:$0x17E80] =	vst v63  }
0x38: {  	_ =	swait.ge [sflag:s12], $0x5000  }
0x39: {  	[sflag:s12] =	ssyncset.done $0x0  }
.Ltmp2:
0x3a: {  	[sflag:s12] =	ssyncadd.s32 $0xFFFFB000;
	(pc) =	sbr.rel @!p0 .LBB2_2-.Ltmp2, $4  }
0x3b: {  	[tilespmem:s13], [sflag:$0x3] =	stream.linear.gather [hbm4b:s7+s4], $0x5000, $0x38;
	[tilespmem:$0x17E80] =	vst v63  }
0x3c: {  	_ =	swait.ge [sflag:s12], $0x5000  }
0x3d: {  	[sflag:s12] =	ssyncset.done $0x0  }
0x3e: {  	[sflag:s12] =	ssyncadd.s32 $0xFFFFB000  }
0x3f: {  	[spmem:s15], [sflag:s14] =	dma.local [hbm:s9], $0x1400  }
0x40: {  	_ =	swait.ge [sflag:s12], $0x1400  }
0x41: {  	[sflag:s12] =	ssyncset.done $0x0  }
0x42: {  	[sflag:s12] =	ssyncadd.s32 $0xFFFFEC00  }
0x43: {  	[bflag:$0x0] =	sbarrier.arrive $0xFFFF  }
0x44: {  	[tilespmem:s17], [sflag:$0x1] =	stream.indirect.gather [hbm4b:s5+s16], $0x40, s4, s16, $0xb8;
	[tilespmem:$0x17E80] =	vst v63  }
0x45: {  	s23 =	simm.s32 $0x80  }
0x46: {  	[tilespmem:s18], [sflag:$0x2] =	stream.indirect.gather [hbm4b:s5+s16], $0x40, s23, s16, $0xb8;
	[tilespmem:$0x17E80] =	vst v63  }
0x47: {  	_ =	swait.ge [sflag:s19], $0x1F40  }
0x48: {  	[sflag:s19] =	ssyncset.done $0x0  }
0x49: {  	[sflag:s19] =	ssyncadd.s32 $0xFFFFE0C0  }
0x4a: {  	[spmem:s3] =	stream.indirect.scatter.add.f32 [tilespmem:s17], [sflag:$0x3], $0x40, s13, s16, $0xb8;
	[tilespmem:$0x17E80] =	vst v63  }
0x4b: {  	_ =	swait.ge [sflag:s12], $0x1F40  }
0x4c: {  	[sflag:s12] =	ssyncset.done $0x0  }
0x4d: {  	s31 =	simm.s32 $0x100;
	[sflag:s12] =	ssyncadd.s32 $0xFFFFE0C0  }
0x4e: {  	[tilespmem:s17], [sflag:$0x1] =	stream.indirect.gather [hbm4b:s5+s16], $0x40, s31, s16, $0xb8;
	[tilespmem:$0x17E80] =	vst v63  }
0x4f: {  	_ =	swait.ge [sflag:s20], $0x1F40  }
0x50: {  	[sflag:s20] =	ssyncset.done $0x0  }
0x51: {  	[sflag:s20] =	ssyncadd.s32 $0xFFFFE0C0  }
0x52: {  	[spmem:s3] =	stream.indirect.scatter.add.f32 [tilespmem:s18], [sflag:$0x3], $0x40, s13, s16, $0xb8;
	[tilespmem:$0x17E80] =	vst v63  }
0x53: {  	_ =	swait.ge [sflag:s12], $0x1F40  }
0x54: {  	s24 =	simm.s32 $0xFFFECC00;
	s23 =	simm.s32 $0xFFFFB200;
	[sflag:s12] =	ssyncset.done $0x0  }
.LBB2_6:
0x55: {  	s25 =	sadd.s32 $0x4F80, s23  }
0x56: {  	[sflag:s12] =	ssyncadd.s32 $0xFFFFE0C0;
	s26 =	smov.u32 s24;
	s28 =	sadd.s32 $0x400, s24  }
0x57: {  	[tilespmem:s18], [sflag:$0x2] =	stream.indirect.gather [hbm4b:s5+s16], $0x40, s25, s16, $0xb8;
	[tilespmem:$0x17E80] =	vst v63  }
0x58: {  	p1 =	sne.s32 s24, $0xFFFFFC00;
	_ =	swait.ge [sflag:s19], $0x1F40  }
0x59: {  	[sflag:s19] =	ssyncset.done $0x0  }
0x5a: {  	[sflag:s19] =	ssyncadd.s32 $0xFFFFE0C0  }
0x5b: {  	[spmem:s3] =	stream.indirect.scatter.add.f32 [tilespmem:s17], [sflag:$0x3], $0x40, s13, s16, $0xb8;
	[tilespmem:$0x17E80] =	vst v63  }
0x5c: {  	_ =	swait.ge [sflag:s12], $0x1F40  }
0x5d: {  	[sflag:s12] =	ssyncset.done $0x0  }
0x5e: {  	s23 =	sadd.s32 $0x5000, s23;
	[sflag:s12] =	ssyncadd.s32 $0xFFFFE0C0  }
0x5f: {  	[tilespmem:s17], [sflag:$0x1] =	stream.indirect.gather [hbm4b:s5+s16], $0x40, s23, s16, $0xb8;
	[tilespmem:$0x17E80] =	vst v63  }
0x60: {  	_ =	swait.ge [sflag:s20], $0x1F40  }
.Ltmp3:
0x61: {  	[sflag:s20] =	ssyncset.done $0x0;
	(pc) =	sbr.rel @p1 .LBB2_6-.Ltmp3, $4  }
0x62: {  	[sflag:s20] =	ssyncadd.s32 $0xFFFFE0C0  }
0x63: {  	[spmem:s3] =	stream.indirect.scatter.add.f32 [tilespmem:s18], [sflag:$0x3], $0x40, s13, s16, $0xb8;
	[tilespmem:$0x17E80] =	vst v63  }
0x64: {  	_ =	swait.ge [sflag:s12], $0x1F40  }
0x65: {  	s24 =	smov.u32 s28;
	s23 =	sshra.s32 s26, $0x2;
	[sflag:s12] =	ssyncset.done $0x0  }
.Ltmp4:
0x66: {  	_ = 	snop;
	(pc) =	sbr.rel .LBB2_7-.Ltmp4, $1  }
0x67: {  	_ =	sdelay $0x3  }
.LBB2_2:
0x68: {  	[spmem:s15], [sflag:s14] =	dma.local [hbm:s8], $0x1400  }
0x69: {  	_ =	swait.ge [sflag:s12], $0x1400  }
0x6a: {  	[sflag:s12] =	ssyncset.done $0x0  }
0x6b: {  	[sflag:s12] =	ssyncadd.s32 $0xFFFFEC00  }
0x6c: {  	[bflag:$0x0] =	sbarrier.arrive $0xFFFF  }
0x6d: {  	[tilespmem:s17], [sflag:$0x1] =	stream.indirect.gather [hbm4b:s2+s16], $0x40, s4, s16, $0xb8;
	[tilespmem:$0x17E80] =	vst v63  }
0x6e: {  	s23 =	simm.s32 $0x80  }
0x6f: {  	[tilespmem:s18], [sflag:$0x2] =	stream.indirect.gather [hbm4b:s2+s16], $0x40, s23, s16, $0xb8;
	[tilespmem:$0x17E80] =	vst v63  }
0x70: {  	_ =	swait.ge [sflag:s19], $0x1F40  }
0x71: {  	[sflag:s19] =	ssyncset.done $0x0  }
0x72: {  	[sflag:s19] =	ssyncadd.s32 $0xFFFFE0C0  }
0x73: {  	[spmem:s3] =	stream.indirect.scatter.add.f32 [tilespmem:s17], [sflag:$0x3], $0x40, s13, s16, $0xb8;
	[tilespmem:$0x17E80] =	vst v63  }
0x74: {  	_ =	swait.ge [sflag:s12], $0x1F40  }
0x75: {  	[sflag:s12] =	ssyncset.done $0x0  }
0x76: {  	s31 =	simm.s32 $0x100;
	[sflag:s12] =	ssyncadd.s32 $0xFFFFE0C0  }
0x77: {  	[tilespmem:s17], [sflag:$0x1] =	stream.indirect.gather [hbm4b:s2+s16], $0x40, s31, s16, $0xb8;
	[tilespmem:$0x17E80] =	vst v63  }
0x78: {  	_ =	swait.ge [sflag:s20], $0x1F40  }
0x79: {  	[sflag:s20] =	ssyncset.done $0x0  }
0x7a: {  	[sflag:s20] =	ssyncadd.s32 $0xFFFFE0C0  }
0x7b: {  	[spmem:s3] =	stream.indirect.scatter.add.f32 [tilespmem:s18], [sflag:$0x3], $0x40, s13, s16, $0xb8;
	[tilespmem:$0x17E80] =	vst v63  }
0x7c: {  	_ =	swait.ge [sflag:s12], $0x1F40  }
0x7d: {  	s24 =	simm.s32 $0xFFFECC00;
	s23 =	simm.s32 $0xFFFFB200;
	[sflag:s12] =	ssyncset.done $0x0  }
.LBB2_3:
0x7e: {  	s25 =	sadd.s32 $0x4F80, s23  }
0x7f: {  	[sflag:s12] =	ssyncadd.s32 $0xFFFFE0C0;
	s26 =	smov.u32 s24;
	s28 =	sadd.s32 $0x400, s24  }
0x80: {  	[tilespmem:s18], [sflag:$0x2] =	stream.indirect.gather [hbm4b:s2+s16], $0x40, s25, s16, $0xb8;
	[tilespmem:$0x17E80] =	vst v63  }
0x81: {  	p1 =	seq.s32 s24, $0xFFFFFC00;
	_ =	swait.ge [sflag:s19], $0x1F40  }
0x82: {  	[sflag:s19] =	ssyncset.done $0x0  }
0x83: {  	[sflag:s19] =	ssyncadd.s32 $0xFFFFE0C0  }
0x84: {  	[spmem:s3] =	stream.indirect.scatter.add.f32 [tilespmem:s17], [sflag:$0x3], $0x40, s13, s16, $0xb8;
	[tilespmem:$0x17E80] =	vst v63  }
0x85: {  	_ =	swait.ge [sflag:s12], $0x1F40  }
0x86: {  	[sflag:s12] =	ssyncset.done $0x0  }
0x87: {  	s23 =	sadd.s32 $0x5000, s23;
	[sflag:s12] =	ssyncadd.s32 $0xFFFFE0C0  }
0x88: {  	[tilespmem:s17], [sflag:$0x1] =	stream.indirect.gather [hbm4b:s2+s16], $0x40, s23, s16, $0xb8;
	[tilespmem:$0x17E80] =	vst v63  }
0x89: {  	_ =	swait.ge [sflag:s20], $0x1F40  }
.Ltmp5:
0x8a: {  	[sflag:s20] =	ssyncset.done $0x0;
	(pc) =	sbr.rel @!p1 .LBB2_3-.Ltmp5, $4  }
0x8b: {  	[sflag:s20] =	ssyncadd.s32 $0xFFFFE0C0  }
0x8c: {  	[spmem:s3] =	stream.indirect.scatter.add.f32 [tilespmem:s18], [sflag:$0x3], $0x40, s13, s16, $0xb8;
	[tilespmem:$0x17E80] =	vst v63  }
0x8d: {  	_ =	swait.ge [sflag:s12], $0x1F40  }
0x8e: {  	s24 =	smov.u32 s28;
	s23 =	sshra.s32 s26, $0x2;
	[sflag:s12] =	ssyncset.done $0x0  }
0x8f: {  	s24 =	sadd.s32 $0x4F80, s23;
	[sflag:s12] =	ssyncadd.s32 $0xFFFFE0C0  }
0x90: {  	[tilespmem:s18], [sflag:$0x2] =	stream.indirect.gather [hbm4b:s2+s16], $0x40, s24, s16, $0xb8;
	[tilespmem:$0x17E80] =	vst v63  }
0x91: {  	_ =	swait.ge [sflag:s19], $0x1F40  }
0x92: {  	[sflag:s19] =	ssyncset.done $0x0  }
0x93: {  	[sflag:s19] =	ssyncadd.s32 $0xFFFFE0C0  }
0x94: {  	[spmem:s3] =	stream.indirect.scatter.add.f32 [tilespmem:s17], [sflag:$0x3], $0x40, s13, s16, $0xb8;
	[tilespmem:$0x17E80] =	vst v63  }
0x95: {  	_ =	swait.ge [sflag:s12], $0x1F40  }
0x96: {  	[sflag:s12] =	ssyncset.done $0x0  }
0x97: {  	s31 =	sadd.s32 $0x5000, s23;
	[sflag:s12] =	ssyncadd.s32 $0xFFFFE0C0  }
0x98: {  	[tilespmem:s17], [sflag:$0x1] =	stream.indirect.gather [hbm4b:s2+s16], $0x40, s31, s16, $0xb8;
	[tilespmem:$0x17E80] =	vst v63  }
0x99: {  	_ =	swait.ge [sflag:s20], $0x1F40  }
0x9a: {  	[sflag:s20] =	ssyncset.done $0x0  }
0x9b: {  	[sflag:s20] =	ssyncadd.s32 $0xFFFFE0C0  }
0x9c: {  	[spmem:s3] =	stream.indirect.scatter.add.f32 [tilespmem:s18], [sflag:$0x3], $0x40, s13, s16, $0xb8;
	[tilespmem:$0x17E80] =	vst v63  }
.Ltmp6:
0x9d: {  	_ = 	snop;
	(pc) =	sbr.rel .LBB2_8-.Ltmp6, $4  }
0x9e: {  	_ =	swait.ge [sflag:s12], $0x1F40  }
0x9f: {  	[sflag:s12] =	ssyncset.done $0x0  }
0xa0: {  	[sflag:s12] =	ssyncadd.s32 $0xFFFFE0C0  }
0xa1: {  	[tilespmem:s18], [sflag:$0x2] =	stream.indirect.gather [hbm4b:s2+s16], $0x40, s21, s16, $0xb8;
	[tilespmem:$0x17E80] =	vst v63  }
.LBB2_9:
0xa2: {  	_ =	sfence.sel $0x180000  }
0xa3: {  	[bflag:$0x0] =	sbarrier.arrive $0xFFFF  }
0xa4: {  	p0 =	sne.s32 s1, $0x0;
	_ =	strace $0x9000004D  }
0xa5: {  	s0 =	sadd.s32 @!p0 $0x100000, s0;
	[bflag:$0x2] =	sbarrier.arrive $0xFFFF  }
0xa6: {  	[sflag:s0] =	ssyncadd.tile.s32 @!p0 $0x1;
	_ =	shalt  }
.Lfunc_end2:
_tile_overlayer_lowered:
.L_overlay_start_2:
0xa7: {  	(tag) =	ssettag $0x2  }
0xa8: {  	s0 =	rddreg [dreg:$0x0];
	s2 =	stileid.u32  }
0xa9: {  	s1 =	rddreg [dreg:$0x1];
	p0 =	sne.s32 s2, $0x0  }
0xaa: {  	s3 =	rddreg [dreg:$0x2];
	[bflag:$0x3] =	sbarrier.arrive $0xFFFF;
	s2 =	simm.s32 @!p0 $0x1C03  }
0xab: {  	[timem:s3], [sflag:s2] =	dma.local @!p0 [hbm:s0], s1  }
0xac: {  	s0 =	simm.s32 @!p0 $0x3  }
0xad: {  	_ =	swait.ge @!p0 [sflag:s0], s1  }
0xae: {  	s1 =	ssub.s32 @!p0 $0x0, s1;
	[sflag:s0] =	ssyncset.done @!p0 $0x0  }
0xaf: {  	[sflag:s0] =	ssyncadd.s32 @!p0 s1  }
0xb0: {  	[bflag:$0x3] =	sbarrier.arrive $0xFFFF  }
0xb1: {  	_ =	shalt  }

// kernel: kernel.18.cloned.1.call-start
scs
__scs_entry_jumppad:
0x0: {  	(pc) =	sbr.rel $0x88, $3  }
0x1: {  	(tag) =	ssettag $0x0;
	lr =	simm.s32 $0x1  }
0x2: {  	[smem:$0x3F9B] =	sst lr;
	_ =	strace $0xD0000000  }
0x3: {  	_ = 	snop  }
0x4: {  	_ = 	snop  }
0x5: {  	_ = 	snop  }
0x6: {  	_ = 	snop  }
0x7: {  	_ = 	snop  }
__scs_overlays_trampoline_lowered:
0x8: {  	[smem:$0x3FAA] =	sst s0  }
0x9: {  	[smem:$0x3FAB] =	sst s1  }
0xa: {  	[smem:$0x3FAC] =	sst s2  }
0xb: {  	[smem:$0x3FAD] =	sst s3  }
0xc: {  	[smem:$0x3FAE] =	sst s4  }
0xd: {  	[smem:$0x3FAF] =	sst s5  }
0xe: {  	[smem:$0x3FB0] =	sst s6  }
0xf: {  	[smem:$0x3FB1] =	sst s7  }
0x10: {  	[smem:$0x3FB2] =	sst s8  }
0x11: {  	[smem:$0x3FB3] =	sst s9;
	s0 =	simm.s32 @!p0 $0x0  }
0x12: {  	s1 =	sld [smem:$0x3F99];
	s0 =	simm.s32 @p0 $0x1  }
0x13: {  	[smem:$0x3FB4] =	sst s0;
	s0 =	simm.s32 @!p1 $0x0  }
0x14: {  	s2 =	sld [smem:$0x3F98];
	s0 =	simm.s32 @p1 $0x1  }
0x15: {  	[smem:$0x3FB5] =	sst s0;
	s0 =	simm.s32 @!p2 $0x0  }
0x16: {  	s3 =	sld [smem:$0x3FDB];
	s0 =	simm.s32 @p2 $0x1  }
0x17: {  	s4 =	simm.s32 $0x1BF5;
	[smem:$0x3FB7] =	sst s0  }
0x18: {  	s0 =	sld [smem:$0x3F9A];
	_ =	swait.ge [sflag:s4], $0x0  }
0x19: {  	s7 =	sld [smem:$0x3F9B]  }
0x1a: {  	s8 =	sadd.s32 $0xFFFFE003, lr  }
0x1b: {  	s9 =	sadd.s32 $0xFFFFFEF7, lr;
	s5 =	simm.s32 $0xFFFFFFFF;
	p2 =	slt.u32 s8, $0xFFFFF086  }
0x1c: {  	p1 =	slt.u32 s9, $0xF7A;
	s5 =	simm.s32 @!p2 $0x0  }
0x1d: {  	s5 =	simm.s32 @p1 $0x1;
	p0 =	seq.s32 s7, s2  }
0x1e: {  	s7 =	smul.u32 @!p0 $0xF7A, s2;
	p2 =	seq.s32 @!p0 s5, $0x0  }
0x1f: {  	s9 =	smul.u32 $0xF7A, s1;
	s8 =	simm.s32 @!p0 $0x1BF5;
	p2 =	por !p2, p0  }
0x20: {  	[sflag:s8] =	ssyncset.s32 @!p0 $0xFFFFF086;
	s6 =	sadd.s32 @!p0 s3, s7;
	s7 =	simm.s32 @!p0 $0x108  }
0x21: {  	s3 =	sadd.s32 s3, s9;
	s6 =	sadd.s32 @!p0 $0x88, s6;
	s7 =	simm.s32 @p2 $0x1082  }
0x22: {  	[simem:s7], [sflag:s8] =	dma.local @!p0 [hbm:s6], $0xF7A  }
0x23: {  	s9 =	sor.u32 $0xD0000000, s2;
	s6 =	simm.s32 $0x108;
	_ =	swait.ge @!p0 [sflag:s8], $0x0  }
0x24: {  	s3 =	sadd.s32 $0x88, s3;
	s6 =	simm.s32 @!p1 $0x1082;
	[sflag:s4] =	ssyncset.s32 $0xFFFFF086  }
0x25: {  	[simem:s6], [sflag:s4] =	dma.local [hbm:s3], $0xF7A  }
0x26: {  	[smem:$0x3F9B] =	sst s1;
	(tag) =	ssettag s2;
	_ =	strace s9  }
0x27: {  	s1 =	sld [smem:$0x3FAB]  }
0x28: {  	s2 =	sld [smem:$0x3FAC]  }
0x29: {  	s4 =	sld [smem:$0x3FAE]  }
0x2a: {  	p0 =	seq.s32 s5, $0x0;
	s5 =	sld [smem:$0x3FAF]  }
0x2b: {  	s6 =	sld [smem:$0x3FB0]  }
0x2c: {  	s7 =	sld [smem:$0x3FB1]  }
0x2d: {  	s3 =	simm.s32 $0x108;
	s8 =	sld [smem:$0x3FB2]  }
0x2e: {  	s3 =	simm.s32 @!p0 $0x1082;
	s9 =	sld [smem:$0x3FB3]  }
0x2f: {  	lr =	sadd.s32 s0, s3;
	s0 =	sld [smem:$0x3FAA]  }
0x30: {  	s3 =	sld [smem:$0x3FAD]  }
0x31: {  	[smem:$0x3FB6] =	sst s10  }
0x32: {  	s10 =	sld [smem:$0x3FB4];
	_ =	sdelay $0x3  }
0x33: {  	p0 =	seq.s32 s10, $0x1;
	s10 =	sld [smem:$0x3FB6];
	_ =	sdelay $0x3  }
0x34: {  	[smem:$0x3FB6] =	sst s10  }
0x35: {  	s10 =	sld [smem:$0x3FB5];
	_ =	sdelay $0x3  }
0x36: {  	p1 =	seq.s32 s10, $0x1;
	s10 =	sld [smem:$0x3FB6];
	_ =	sdelay $0x3  }
0x37: {  	[smem:$0x3FB6] =	sst s10  }
0x38: {  	s10 =	sld [smem:$0x3FB7]  }
0x39: {  	_ = 	snop;
	(pc) =	sbr.ind lr, $3  }
0x3a: {  	_ = 	snop  }
0x3b: {  	_ = 	snop  }
0x3c: {  	p2 =	seq.s32 s10, $0x1;
	s10 =	sld [smem:$0x3FB6]  }
0x3d: {  	_ =	shalt  }
0x3e: {  	_ =	shalt  }
0x3f: {  	_ =	shalt  }
0x40: {  	_ =	shalt  }
0x41: {  	_ =	shalt  }
0x42: {  	_ =	shalt  }
0x43: {  	_ =	shalt  }
0x44: {  	_ =	shalt  }
0x45: {  	_ =	shalt  }
0x46: {  	_ =	shalt  }
0x47: {  	_ =	shalt  }
0x48: {  	_ =	shalt  }
0x49: {  	_ =	shalt  }
0x4a: {  	_ =	shalt  }
0x4b: {  	_ =	shalt  }
0x4c: {  	_ =	shalt  }
0x4d: {  	_ =	shalt  }
0x4e: {  	_ =	shalt  }
0x4f: {  	_ =	shalt  }
0x50: {  	_ =	shalt  }
0x51: {  	_ =	shalt  }
0x52: {  	_ =	shalt  }
0x53: {  	_ =	shalt  }
0x54: {  	_ =	shalt  }
0x55: {  	_ =	shalt  }
0x56: {  	_ =	shalt  }
0x57: {  	_ =	shalt  }
0x58: {  	_ =	shalt  }
0x59: {  	_ =	shalt  }
0x5a: {  	_ =	shalt  }
0x5b: {  	_ =	shalt  }
0x5c: {  	_ =	shalt  }
0x5d: {  	_ =	shalt  }
0x5e: {  	_ =	shalt  }
0x5f: {  	_ =	shalt  }
0x60: {  	_ =	shalt  }
0x61: {  	_ =	shalt  }
0x62: {  	_ =	shalt  }
0x63: {  	_ =	shalt  }
0x64: {  	_ =	shalt  }
0x65: {  	_ =	shalt  }
0x66: {  	_ =	shalt  }
0x67: {  	_ =	shalt  }
0x68: {  	_ =	shalt  }
0x69: {  	_ =	shalt  }
0x6a: {  	_ =	shalt  }
0x6b: {  	_ =	shalt  }
0x6c: {  	_ =	shalt  }
0x6d: {  	_ =	shalt  }
0x6e: {  	_ =	shalt  }
0x6f: {  	_ =	shalt  }
0x70: {  	_ =	shalt  }
0x71: {  	_ =	shalt  }
0x72: {  	_ =	shalt  }
0x73: {  	_ =	shalt  }
0x74: {  	_ =	shalt  }
0x75: {  	_ =	shalt  }
0x76: {  	_ =	shalt  }
0x77: {  	_ =	shalt  }
0x78: {  	_ =	shalt  }
0x79: {  	_ =	shalt  }
0x7a: {  	_ =	shalt  }
0x7b: {  	_ =	shalt  }
0x7c: {  	_ =	shalt  }
0x7d: {  	_ =	shalt  }
0x7e: {  	_ =	shalt  }
0x7f: {  	_ =	shalt  }
0x80: {  	_ =	shalt  }
0x81: {  	_ =	shalt  }
0x82: {  	_ =	shalt  }
0x83: {  	_ =	shalt  }
0x84: {  	_ =	shalt  }
0x85: {  	_ =	shalt  }
0x86: {  	_ =	shalt  }
0x87: {  	_ =	shalt  }
.Lfunc_end0:
.L_simem_size_0:
called_computation.3_lowered:
.L_overlay_start_0:
0x88: {  	s2 =	sld [smem:$0x3FD9]  }
0x89: {  	s3 =	sld [smem:$0x3FFE];
	_ =	sdelay $0x1  }
0x8a: {  	s1 =	srdreg.scid  }
0x8b: {  	s0 =	sand.u32 $0x1, s1  }
0x8c: {  	s17 =	sshll.u32 s0, $0xA;
	s2 =	sadd.s32 s3, s2  }
0x8d: {  	s2 =	sadd.s32 s2, s17  }
0x8e: {  	[smem:$0x3FC2] =	sst s2  }
0x8f: {  	_ = 	snop  }
0x90: {  	s2 =	sld [smem:$0x3FD0];
	(tm) =	ssettm $0x1  }
0x91: {  	s18 =	sld [smem:$0x3FFB];
	_ =	sdelay $0x3  }
0x92: {  	_ =	strace s18  }
0x93: {  	s3 =	sld [smem:$0x3FFC];
	_ =	sdelay $0x3  }
0x94: {  	_ =	strace s3  }
0x95: {  	s3 =	sld [smem:$0x3FFD];
	_ =	sdelay $0x3  }
0x96: {  	_ =	strace s3  }
0x97: {  	_ =	strace $0x8FFFFFFF  }
0x98: {  	s19 =	sld [smem:$0x3FDB];
	_ =	sdelay $0x1  }
0x99: {  	s4 =	simm.s32 $_scs_section_size  }
0x9a: {  	s5 =	simm.s32 $_size__tile_overlayer_lowered;
	s6 =	simm.s32 $_tile_overlayer_lowered  }
0x9b: {  	s22 =	simm.s32 $0x1BFF;
	s21 =	sshll.u32 s6, $0x1;
	s3 =	sadd.s32 s4, s19  }
0x9c: {  	s7 =	simm.s32 $0x0;
	s20 =	sshll.u32 s5, $0x1;
	s5 =	sadd.s32 s21, s3  }
0x9d: {  	[timem:s7], [sflag:s22] =	dma.local [hbm:s5], s20  }
0x9e: {  	_ =	swait.ge [sflag:s22], s20  }
0x9f: {  	s4 =	ssub.s32 $0x0, s20;
	[sflag:s22] =	ssyncset.done $0x0  }
0xa0: {  	[sflag:s22] =	ssyncadd.s32 s4;
	_ =	sdelay $0x1  }
0xa1: {  	s23 =	simm.s32 $0x1B8B  }
0xa2: {  	_ =	swait.ge [sflag:s23], $0x1  }
0xa3: {  	[sflag:s23] =	ssyncset.done $0x0  }
0xa4: {  	s25 =	simm.s32 $0x1B8E;
	s24 =	sld [smem:$0x3FFE];
	[sflag:s23] =	ssyncadd.s32 $0xFFFFFFFF  }
0xa5: {  	s26 =	simm.s32 $execute0_lowered;
	[smem:$0x3FD2] =	sst s25  }
0xa6: {  	s5 =	sshll.u32 s26, $0x1;
	_ =	strace $0x8000004F;
	[dreg:$0x1] =	wrdreg $0xFFFFFFFF  }
0xa7: {  	s28 =	simm.s32 $_size_execute0_lowered;
	s3 =	sadd.s32 s3, s5;
	[dreg:$0x0] =	wrdreg $0x0  }
0xa8: {  	s5 =	sshll.u32 s28, $0x1;
	[dreg:$0x2] =	wrdreg s3  }
0xa9: {  	[dreg:$0x3] =	wrdreg s5  }
0xaa: {  	[dreg:$0x4] =	wrdreg $0xC0  }
0xab: {  	_ =	task [dreg:s7], $0x5FFFF  }
0xac: {  	[dreg:$0x1] =	wrdreg $0xFFFFFFFF  }
0xad: {  	[dreg:$0x0] =	wrdreg $0x60  }
0xae: {  	[dreg:$0x2] =	wrdreg s2  }
0xaf: {  	[dreg:$0x3] =	wrdreg s24  }
0xb0: {  	[dreg:$0x4] =	wrdreg $0xDE800  }
0xb1: {  	[dreg:$0x5] =	wrdreg $0x9  }
0xb2: {  	_ =	task.clear_ibuf [dreg:s7], $0x6FFFF;
	_ =	strace $0x9000004F  }
0xb3: {  	s29 =	simm.s32 $0x9;
	_ =	strace $0x80000051  }
0xb4: {  	_ =	swait.ge [sflag:s29], $0x1  }
0xb5: {  	[sflag:s29] =	ssyncadd.s32 $0xFFFFFFFF  }
0xb6: {  	_ =	strace $0x90000051  }
0xb7: {  	_ =	sfence  }
0xb8: {  	s30 =	sld [smem:$0x0];
	_ =	sdelay $0x2  }
0xb9: {  	s31 =	sshll.u32 s1, $0xD;
	s1 =	sshrl.u32 s1, $0x2  }
0xba: {  	s3 =	sand.u32 $0x4000, s31;
	s1 =	sadd.s32 s1, s30  }
0xbb: {  	s0 =	sor.u32 s3, s0;
	s1 =	sshll.u32 s1, $0x11  }
0xbc: {  	s0 =	sor.u32 s1, s0  }
0xbd: {  	s0 =	sadd.s32 $0x8F2B, s0  }
0xbe: {  	[sflag:s0] =	ssyncadd.remote.s32 $0x1  }
0xbf: {  	_ =	sfence.sel $0xFFFF  }
0xc0: {  	[dreg:$0x0] =	wrdreg $0xFFFFFFFF;
	(pc) =	sbr.abs _section_cstart, $3  }
0xc1: {  	[dreg:$0x1] =	wrdreg $0xFFFFFFFF  }
0xc2: {  	_ =	task.clear_ibuf [dreg:s7], $0x2FFFF;
	_ =	strace $0x9FFFFFFF  }
0xc3: {  	(tm) =	ssettm $0x7FFFFFFF  }
tec
execute0_lowered:
.L_overlay_start_1:
0x0: {  	(tag) =	ssettag $0x1  }
0x1: {  	s2 =	rddreg [dreg:$0x0]  }
0x2: {  	s6 =	rddreg [dreg:$0x1]  }
0x3: {  	s3 =	rddreg [dreg:$0x2]  }
0x4: {  	s0 =	rddreg [dreg:$0x3]  }
0x5: {  	s1 =	stileid.u32;
	s5 =	srdreg.scid;
	s4 =	simm.s32 $0x0  }
0x6: {  	s13 =	simm.s32 $0x5000;
	s16 =	simm.s32 $0x7D;
	s17 =	simm.s32 $0xA000  }
0x7: {  	s18 =	simm.s32 $0xBF40;
	s19 =	simm.s32 $0x1;
	s20 =	simm.s32 $0x2  }
0x8: {  	s21 =	simm.s32 $0x4F80;
	s22 =	simm.s32 $0x0;
	s9 =	smul.u32 $0xA000, s1  }
0x9: {  	s8 =	sand.u32 $0x1, s5;
	[smem:$0x7FF] =	sst s4;
	s7 =	smul.u32 $0xA00, s1  }
0xa: {  	s14 =	sshll.u32 s1, $0x6;
	s5 =	smul.u32 $0xA0000, s8;
	_ =	strace $0x80000050  }
0xb: {  	s11 =	ssub.s32 $0x2, s8;
	p0 =	seq.s32 s8, $0x1;
	s14 =	sor.u32 $0x1C03, s14  }
0xc: {  	s12 =	sshrl.u32 s11, $0x1;
	s7 =	sadd.s32 s7, s6;
	s31 =	sshrl.u32 s9, $0x3  }
.Ltmp0:
0xd: {  	s15 =	sadd.s32 s9, s3;
	s10 =	sadd.s32 s9, s5;
	(pc) =	sbr.rel .LBB2_1-.Ltmp0, $4  }
0xe: {  	s5 =	sadd.s32 $0x17400, s6;
	s11 =	ssub.s32 s11, s12;
	s8 =	sadd.s32 s2, s31  }
0xf: {  	s12 =	simm.s32 $0x3;
	s15 =	sshrl.u32 s15, $0x3;
	s10 =	sshrl.u32 s10, $0x3  }
0x10: {  	s9 =	sadd.s32 s5, s31;
	s11 =	smax.u32 s11, $0x1;
	s10 =	sadd.s32 s10, s6  }
0x11: {  	s6 =	sadd.s32 $0xD400, s7;
	s7 =	sadd.s32 $0x3400, s7;
	s10 =	sadd.s32 $0x2B400, s10  }
.LBB2_7:
0x12: {  	s24 =	sadd.s32 $0x4F80, s23;
	[sflag:s12] =	ssyncadd.s32 $0xFFFFE0C0  }
0x13: {  	[tilespmem:s18], [sflag:$0x2] =	stream.indirect.gather [hbm4b:s5+s16], $0x40, s24, s16, $0xb8;
	[tilespmem:$0x17E80] =	vst v63  }
0x14: {  	_ =	swait.ge [sflag:s19], $0x1F40  }
0x15: {  	[sflag:s19] =	ssyncset.done $0x0  }
0x16: {  	[sflag:s19] =	ssyncadd.s32 $0xFFFFE0C0  }
0x17: {  	[spmem:s3] =	stream.indirect.scatter.add.f32 [tilespmem:s17], [sflag:$0x3], $0x40, s13, s16, $0xb8;
	[tilespmem:$0x17E80] =	vst v63  }
0x18: {  	_ =	swait.ge [sflag:s12], $0x1F40  }
0x19: {  	[sflag:s12] =	ssyncset.done $0x0  }
0x1a: {  	s31 =	sadd.s32 $0x5000, s23;
	[sflag:s12] =	ssyncadd.s32 $0xFFFFE0C0  }
0x1b: {  	[tilespmem:s17], [sflag:$0x1] =	stream.indirect.gather [hbm4b:s5+s16], $0x40, s31, s16, $0xb8;
	[tilespmem:$0x17E80] =	vst v63  }
0x1c: {  	_ =	swait.ge [sflag:s20], $0x1F40  }
0x1d: {  	[sflag:s20] =	ssyncset.done $0x0  }
0x1e: {  	[sflag:s20] =	ssyncadd.s32 $0xFFFFE0C0  }
0x1f: {  	[spmem:s3] =	stream.indirect.scatter.add.f32 [tilespmem:s18], [sflag:$0x3], $0x40, s13, s16, $0xb8;
	[tilespmem:$0x17E80] =	vst v63  }
0x20: {  	_ =	swait.ge [sflag:s12], $0x1F40  }
0x21: {  	[sflag:s12] =	ssyncset.done $0x0  }
0x22: {  	[sflag:s12] =	ssyncadd.s32 $0xFFFFE0C0  }
0x23: {  	[tilespmem:s18], [sflag:$0x2] =	stream.indirect.gather [hbm4b:s5+s16], $0x40, s21, s16, $0xb8;
	[tilespmem:$0x17E80] =	vst v63  }
.LBB2_8:
0x24: {  	_ =	swait.ge [sflag:s19], $0x1F40  }
0x25: {  	[sflag:s19] =	ssyncset.done $0x0  }
0x26: {  	[sflag:s19] =	ssyncadd.s32 $0xFFFFE0C0  }
0x27: {  	[spmem:s3] =	stream.indirect.scatter.add.f32 [tilespmem:s17], [sflag:$0x3], $0x40, s13, s16, $0xb8;
	[tilespmem:$0x17E80] =	vst v63  }
0x28: {  	_ =	swait.ge [sflag:s12], $0x1F40  }
0x29: {  	[sflag:s12] =	ssyncset.done $0x0  }
0x2a: {  	[sflag:s12] =	ssyncadd.s32 $0xFFFFE0C0  }
0x2b: {  	_ =	swait.ge [sflag:s20], $0x1F40  }
0x2c: {  	[sflag:s20] =	ssyncset.done $0x0  }
0x2d: {  	[sflag:s20] =	ssyncadd.s32 $0xFFFFE0C0  }
0x2e: {  	[spmem:s3] =	stream.indirect.scatter.add.f32 [tilespmem:s18], [sflag:$0x3], $0x40, s13, s16, $0xb8;
	[tilespmem:$0x17E80] =	vst v63  }
0x2f: {  	_ =	swait.ge [sflag:s12], $0x1F40  }
0x30: {  	s22 =	sadd.s32 $0x1, s22;
	[sflag:s12] =	ssyncset.done $0x0  }
0x31: {  	p1 =	sne.s32 s22, s11;
	[sflag:s12] =	ssyncadd.s32 $0xFFFFE0C0  }
.Ltmp1:
0x32: {  	[bflag:$0x0] =	sbarrier.arrive $0xFFFF;
	(pc) =	sbr.rel @!p1 .LBB2_9-.Ltmp1, $4  }
0x33: {  	[hbm:s10], [sflag:s14] =	dma.local [spmem:s15], $0x1400  }
0x34: {  	_ =	swait.ge [sflag:s12], $0x1400  }
0x35: {  	[sflag:s12] =	ssyncset.done $0x0  }
0x36: {  	[sflag:s12] =	ssyncadd.s32 $0xFFFFEC00  }
.LBB2_1:
0x37: {  	[tilespmem:s4], [sflag:$0x3] =	stream.linear.gather [hbm4b:s6+s4], $0x5000, $0x38;
	[tilespmem:$0x17E80] =	vst v63  }
0x38: {  	_ =	swait.ge [sflag:s12], $0x5000  }
0x39: {  	[sflag:s12] =	ssyncset.done $0x0  }
.Ltmp2:
0x3a: {  	[sflag:s12] =	ssyncadd.s32 $0xFFFFB000;
	(pc) =	sbr.rel @!p0 .LBB2_2-.Ltmp2, $4  }
0x3b: {  	[tilespmem:s13], [sflag:$0x3] =	stream.linear.gather [hbm4b:s7+s4], $0x5000, $0x38;
	[tilespmem:$0x17E80] =	vst v63  }
0x3c: {  	_ =	swait.ge [sflag:s12], $0x5000  }
0x3d: {  	[sflag:s12] =	ssyncset.done $0x0  }
0x3e: {  	[sflag:s12] =	ssyncadd.s32 $0xFFFFB000  }
0x3f: {  	[spmem:s15], [sflag:s14] =	dma.local [hbm:s9], $0x1400  }
0x40: {  	_ =	swait.ge [sflag:s12], $0x1400  }
0x41: {  	[sflag:s12] =	ssyncset.done $0x0  }
0x42: {  	[sflag:s12] =	ssyncadd.s32 $0xFFFFEC00  }
0x43: {  	[bflag:$0x0] =	sbarrier.arrive $0xFFFF  }
0x44: {  	[tilespmem:s17], [sflag:$0x1] =	stream.indirect.gather [hbm4b:s5+s16], $0x40, s4, s16, $0xb8;
	[tilespmem:$0x17E80] =	vst v63  }
0x45: {  	s23 =	simm.s32 $0x80  }
0x46: {  	[tilespmem:s18], [sflag:$0x2] =	stream.indirect.gather [hbm4b:s5+s16], $0x40, s23, s16, $0xb8;
	[tilespmem:$0x17E80] =	vst v63  }
0x47: {  	_ =	swait.ge [sflag:s19], $0x1F40  }
0x48: {  	[sflag:s19] =	ssyncset.done $0x0  }
0x49: {  	[sflag:s19] =	ssyncadd.s32 $0xFFFFE0C0  }
0x4a: {  	[spmem:s3] =	stream.indirect.scatter.add.f32 [tilespmem:s17], [sflag:$0x3], $0x40, s13, s16, $0xb8;
	[tilespmem:$0x17E80] =	vst v63  }
0x4b: {  	_ =	swait.ge [sflag:s12], $0x1F40  }
0x4c: {  	[sflag:s12] =	ssyncset.done $0x0  }
0x4d: {  	s31 =	simm.s32 $0x100;
	[sflag:s12] =	ssyncadd.s32 $0xFFFFE0C0  }
0x4e: {  	[tilespmem:s17], [sflag:$0x1] =	stream.indirect.gather [hbm4b:s5+s16], $0x40, s31, s16, $0xb8;
	[tilespmem:$0x17E80] =	vst v63  }
0x4f: {  	_ =	swait.ge [sflag:s20], $0x1F40  }
0x50: {  	[sflag:s20] =	ssyncset.done $0x0  }
0x51: {  	[sflag:s20] =	ssyncadd.s32 $0xFFFFE0C0  }
0x52: {  	[spmem:s3] =	stream.indirect.scatter.add.f32 [tilespmem:s18], [sflag:$0x3], $0x40, s13, s16, $0xb8;
	[tilespmem:$0x17E80] =	vst v63  }
0x53: {  	_ =	swait.ge [sflag:s12], $0x1F40  }
0x54: {  	s24 =	simm.s32 $0xFFFECC00;
	s23 =	simm.s32 $0xFFFFB200;
	[sflag:s12] =	ssyncset.done $0x0  }
.LBB2_6:
0x55: {  	s25 =	sadd.s32 $0x4F80, s23  }
0x56: {  	[sflag:s12] =	ssyncadd.s32 $0xFFFFE0C0;
	s26 =	smov.u32 s24;
	s28 =	sadd.s32 $0x400, s24  }
0x57: {  	[tilespmem:s18], [sflag:$0x2] =	stream.indirect.gather [hbm4b:s5+s16], $0x40, s25, s16, $0xb8;
	[tilespmem:$0x17E80] =	vst v63  }
0x58: {  	p1 =	sne.s32 s24, $0xFFFFFC00;
	_ =	swait.ge [sflag:s19], $0x1F40  }
0x59: {  	[sflag:s19] =	ssyncset.done $0x0  }
0x5a: {  	[sflag:s19] =	ssyncadd.s32 $0xFFFFE0C0  }
0x5b: {  	[spmem:s3] =	stream.indirect.scatter.add.f32 [tilespmem:s17], [sflag:$0x3], $0x40, s13, s16, $0xb8;
	[tilespmem:$0x17E80] =	vst v63  }
0x5c: {  	_ =	swait.ge [sflag:s12], $0x1F40  }
0x5d: {  	[sflag:s12] =	ssyncset.done $0x0  }
0x5e: {  	s23 =	sadd.s32 $0x5000, s23;
	[sflag:s12] =	ssyncadd.s32 $0xFFFFE0C0  }
0x5f: {  	[tilespmem:s17], [sflag:$0x1] =	stream.indirect.gather [hbm4b:s5+s16], $0x40, s23, s16, $0xb8;
	[tilespmem:$0x17E80] =	vst v63  }
0x60: {  	_ =	swait.ge [sflag:s20], $0x1F40  }
.Ltmp3:
0x61: {  	[sflag:s20] =	ssyncset.done $0x0;
	(pc) =	sbr.rel @p1 .LBB2_6-.Ltmp3, $4  }
0x62: {  	[sflag:s20] =	ssyncadd.s32 $0xFFFFE0C0  }
0x63: {  	[spmem:s3] =	stream.indirect.scatter.add.f32 [tilespmem:s18], [sflag:$0x3], $0x40, s13, s16, $0xb8;
	[tilespmem:$0x17E80] =	vst v63  }
0x64: {  	_ =	swait.ge [sflag:s12], $0x1F40  }
0x65: {  	s24 =	smov.u32 s28;
	s23 =	sshra.s32 s26, $0x2;
	[sflag:s12] =	ssyncset.done $0x0  }
.Ltmp4:
0x66: {  	_ = 	snop;
	(pc) =	sbr.rel .LBB2_7-.Ltmp4, $1  }
0x67: {  	_ =	sdelay $0x3  }
.LBB2_2:
0x68: {  	[spmem:s15], [sflag:s14] =	dma.local [hbm:s8], $0x1400  }
0x69: {  	_ =	swait.ge [sflag:s12], $0x1400  }
0x6a: {  	[sflag:s12] =	ssyncset.done $0x0  }
0x6b: {  	[sflag:s12] =	ssyncadd.s32 $0xFFFFEC00  }
0x6c: {  	[bflag:$0x0] =	sbarrier.arrive $0xFFFF  }
0x6d: {  	[tilespmem:s17], [sflag:$0x1] =	stream.indirect.gather [hbm4b:s2+s16], $0x40, s4, s16, $0xb8;
	[tilespmem:$0x17E80] =	vst v63  }
0x6e: {  	s23 =	simm.s32 $0x80  }
0x6f: {  	[tilespmem:s18], [sflag:$0x2] =	stream.indirect.gather [hbm4b:s2+s16], $0x40, s23, s16, $0xb8;
	[tilespmem:$0x17E80] =	vst v63  }
0x70: {  	_ =	swait.ge [sflag:s19], $0x1F40  }
0x71: {  	[sflag:s19] =	ssyncset.done $0x0  }
0x72: {  	[sflag:s19] =	ssyncadd.s32 $0xFFFFE0C0  }
0x73: {  	[spmem:s3] =	stream.indirect.scatter.add.f32 [tilespmem:s17], [sflag:$0x3], $0x40, s13, s16, $0xb8;
	[tilespmem:$0x17E80] =	vst v63  }
0x74: {  	_ =	swait.ge [sflag:s12], $0x1F40  }
0x75: {  	[sflag:s12] =	ssyncset.done $0x0  }
0x76: {  	s31 =	simm.s32 $0x100;
	[sflag:s12] =	ssyncadd.s32 $0xFFFFE0C0  }
0x77: {  	[tilespmem:s17], [sflag:$0x1] =	stream.indirect.gather [hbm4b:s2+s16], $0x40, s31, s16, $0xb8;
	[tilespmem:$0x17E80] =	vst v63  }
0x78: {  	_ =	swait.ge [sflag:s20], $0x1F40  }
0x79: {  	[sflag:s20] =	ssyncset.done $0x0  }
0x7a: {  	[sflag:s20] =	ssyncadd.s32 $0xFFFFE0C0  }
0x7b: {  	[spmem:s3] =	stream.indirect.scatter.add.f32 [tilespmem:s18], [sflag:$0x3], $0x40, s13, s16, $0xb8;
	[tilespmem:$0x17E80] =	vst v63  }
0x7c: {  	_ =	swait.ge [sflag:s12], $0x1F40  }
0x7d: {  	s24 =	simm.s32 $0xFFFECC00;
	s23 =	simm.s32 $0xFFFFB200;
	[sflag:s12] =	ssyncset.done $0x0  }
.LBB2_3:
0x7e: {  	s25 =	sadd.s32 $0x4F80, s23  }
0x7f: {  	[sflag:s12] =	ssyncadd.s32 $0xFFFFE0C0;
	s26 =	smov.u32 s24;
	s28 =	sadd.s32 $0x400, s24  }
0x80: {  	[tilespmem:s18], [sflag:$0x2] =	stream.indirect.gather [hbm4b:s2+s16], $0x40, s25, s16, $0xb8;
	[tilespmem:$0x17E80] =	vst v63  }
0x81: {  	p1 =	seq.s32 s24, $0xFFFFFC00;
	_ =	swait.ge [sflag:s19], $0x1F40  }
0x82: {  	[sflag:s19] =	ssyncset.done $0x0  }
0x83: {  	[sflag:s19] =	ssyncadd.s32 $0xFFFFE0C0  }
0x84: {  	[spmem:s3] =	stream.indirect.scatter.add.f32 [tilespmem:s17], [sflag:$0x3], $0x40, s13, s16, $0xb8;
	[tilespmem:$0x17E80] =	vst v63  }
0x85: {  	_ =	swait.ge [sflag:s12], $0x1F40  }
0x86: {  	[sflag:s12] =	ssyncset.done $0x0  }
0x87: {  	s23 =	sadd.s32 $0x5000, s23;
	[sflag:s12] =	ssyncadd.s32 $0xFFFFE0C0  }
0x88: {  	[tilespmem:s17], [sflag:$0x1] =	stream.indirect.gather [hbm4b:s2+s16], $0x40, s23, s16, $0xb8;
	[tilespmem:$0x17E80] =	vst v63  }
0x89: {  	_ =	swait.ge [sflag:s20], $0x1F40  }
.Ltmp5:
0x8a: {  	[sflag:s20] =	ssyncset.done $0x0;
	(pc) =	sbr.rel @!p1 .LBB2_3-.Ltmp5, $4  }
0x8b: {  	[sflag:s20] =	ssyncadd.s32 $0xFFFFE0C0  }
0x8c: {  	[spmem:s3] =	stream.indirect.scatter.add.f32 [tilespmem:s18], [sflag:$0x3], $0x40, s13, s16, $0xb8;
	[tilespmem:$0x17E80] =	vst v63  }
0x8d: {  	_ =	swait.ge [sflag:s12], $0x1F40  }
0x8e: {  	s24 =	smov.u32 s28;
	s23 =	sshra.s32 s26, $0x2;
	[sflag:s12] =	ssyncset.done $0x0  }
0x8f: {  	s24 =	sadd.s32 $0x4F80, s23;
	[sflag:s12] =	ssyncadd.s32 $0xFFFFE0C0  }
0x90: {  	[tilespmem:s18], [sflag:$0x2] =	stream.indirect.gather [hbm4b:s2+s16], $0x40, s24, s16, $0xb8;
	[tilespmem:$0x17E80] =	vst v63  }
0x91: {  	_ =	swait.ge [sflag:s19], $0x1F40  }
0x92: {  	[sflag:s19] =	ssyncset.done $0x0  }
0x93: {  	[sflag:s19] =	ssyncadd.s32 $0xFFFFE0C0  }
0x94: {  	[spmem:s3] =	stream.indirect.scatter.add.f32 [tilespmem:s17], [sflag:$0x3], $0x40, s13, s16, $0xb8;
	[tilespmem:$0x17E80] =	vst v63  }
0x95: {  	_ =	swait.ge [sflag:s12], $0x1F40  }
0x96: {  	[sflag:s12] =	ssyncset.done $0x0  }
0x97: {  	s31 =	sadd.s32 $0x5000, s23;
	[sflag:s12] =	ssyncadd.s32 $0xFFFFE0C0  }
0x98: {  	[tilespmem:s17], [sflag:$0x1] =	stream.indirect.gather [hbm4b:s2+s16], $0x40, s31, s16, $0xb8;
	[tilespmem:$0x17E80] =	vst v63  }
0x99: {  	_ =	swait.ge [sflag:s20], $0x1F40  }
0x9a: {  	[sflag:s20] =	ssyncset.done $0x0  }
0x9b: {  	[sflag:s20] =	ssyncadd.s32 $0xFFFFE0C0  }
0x9c: {  	[spmem:s3] =	stream.indirect.scatter.add.f32 [tilespmem:s18], [sflag:$0x3], $0x40, s13, s16, $0xb8;
	[tilespmem:$0x17E80] =	vst v63  }
.Ltmp6:
0x9d: {  	_ = 	snop;
	(pc) =	sbr.rel .LBB2_8-.Ltmp6, $4  }
0x9e: {  	_ =	swait.ge [sflag:s12], $0x1F40  }
0x9f: {  	[sflag:s12] =	ssyncset.done $0x0  }
0xa0: {  	[sflag:s12] =	ssyncadd.s32 $0xFFFFE0C0  }
0xa1: {  	[tilespmem:s18], [sflag:$0x2] =	stream.indirect.gather [hbm4b:s2+s16], $0x40, s21, s16, $0xb8;
	[tilespmem:$0x17E80] =	vst v63  }
.LBB2_9:
0xa2: {  	_ =	sfence.sel $0x180000  }
0xa3: {  	[bflag:$0x0] =	sbarrier.arrive $0xFFFF  }
0xa4: {  	p0 =	sne.s32 s1, $0x0;
	_ =	strace $0x90000050  }
0xa5: {  	s0 =	sadd.s32 @!p0 $0x100000, s0;
	[bflag:$0x2] =	sbarrier.arrive $0xFFFF  }
0xa6: {  	[sflag:s0] =	ssyncadd.tile.s32 @!p0 $0x1;
	_ =	shalt  }
.Lfunc_end2:
_tile_overlayer_lowered:
.L_overlay_start_2:
0xa7: {  	(tag) =	ssettag $0x2  }
0xa8: {  	s0 =	rddreg [dreg:$0x0];
	s2 =	stileid.u32  }
0xa9: {  	s1 =	rddreg [dreg:$0x1];
	p0 =	sne.s32 s2, $0x0  }
0xaa: {  	s3 =	rddreg [dreg:$0x2];
	[bflag:$0x3] =	sbarrier.arrive $0xFFFF;
	s2 =	simm.s32 @!p0 $0x1C03  }
0xab: {  	[timem:s3], [sflag:s2] =	dma.local @!p0 [hbm:s0], s1  }
0xac: {  	s0 =	simm.s32 @!p0 $0x3  }
0xad: {  	_ =	swait.ge @!p0 [sflag:s0], s1  }
0xae: {  	s1 =	ssub.s32 @!p0 $0x0, s1;
	[sflag:s0] =	ssyncset.done @!p0 $0x0  }
0xaf: {  	[sflag:s0] =	ssyncadd.s32 @!p0 s1  }
0xb0: {  	[bflag:$0x3] =	sbarrier.arrive $0xFFFF  }
0xb1: {  	_ =	shalt  }

// kernel: kernel.9.cloned.1.call-start
scs
__scs_entry_jumppad:
0x0: {  	(pc) =	sbr.rel $0x88, $3  }
0x1: {  	(tag) =	ssettag $0x0;
	lr =	simm.s32 $0x1  }
0x2: {  	[smem:$0x3F9B] =	sst lr;
	_ =	strace $0xD0000000  }
0x3: {  	_ = 	snop  }
0x4: {  	_ = 	snop  }
0x5: {  	_ = 	snop  }
0x6: {  	_ = 	snop  }
0x7: {  	_ = 	snop  }
__scs_overlays_trampoline_lowered:
0x8: {  	[smem:$0x3FAA] =	sst s0  }
0x9: {  	[smem:$0x3FAB] =	sst s1  }
0xa: {  	[smem:$0x3FAC] =	sst s2  }
0xb: {  	[smem:$0x3FAD] =	sst s3  }
0xc: {  	[smem:$0x3FAE] =	sst s4  }
0xd: {  	[smem:$0x3FAF] =	sst s5  }
0xe: {  	[smem:$0x3FB0] =	sst s6  }
0xf: {  	[smem:$0x3FB1] =	sst s7  }
0x10: {  	[smem:$0x3FB2] =	sst s8  }
0x11: {  	[smem:$0x3FB3] =	sst s9;
	s0 =	simm.s32 @!p0 $0x0  }
0x12: {  	s1 =	sld [smem:$0x3F99];
	s0 =	simm.s32 @p0 $0x1  }
0x13: {  	[smem:$0x3FB4] =	sst s0;
	s0 =	simm.s32 @!p1 $0x0  }
0x14: {  	s2 =	sld [smem:$0x3F98];
	s0 =	simm.s32 @p1 $0x1  }
0x15: {  	[smem:$0x3FB5] =	sst s0;
	s0 =	simm.s32 @!p2 $0x0  }
0x16: {  	s3 =	sld [smem:$0x3FDB];
	s0 =	simm.s32 @p2 $0x1  }
0x17: {  	s4 =	simm.s32 $0x1BF5;
	[smem:$0x3FB7] =	sst s0  }
0x18: {  	s0 =	sld [smem:$0x3F9A];
	_ =	swait.ge [sflag:s4], $0x0  }
0x19: {  	s7 =	sld [smem:$0x3F9B]  }
0x1a: {  	s8 =	sadd.s32 $0xFFFFE003, lr  }
0x1b: {  	s9 =	sadd.s32 $0xFFFFFEF7, lr;
	s5 =	simm.s32 $0xFFFFFFFF;
	p2 =	slt.u32 s8, $0xFFFFF086  }
0x1c: {  	p1 =	slt.u32 s9, $0xF7A;
	s5 =	simm.s32 @!p2 $0x0  }
0x1d: {  	s5 =	simm.s32 @p1 $0x1;
	p0 =	seq.s32 s7, s2  }
0x1e: {  	s7 =	smul.u32 @!p0 $0xF7A, s2;
	p2 =	seq.s32 @!p0 s5, $0x0  }
0x1f: {  	s9 =	smul.u32 $0xF7A, s1;
	s8 =	simm.s32 @!p0 $0x1BF5;
	p2 =	por !p2, p0  }
0x20: {  	[sflag:s8] =	ssyncset.s32 @!p0 $0xFFFFF086;
	s6 =	sadd.s32 @!p0 s3, s7;
	s7 =	simm.s32 @!p0 $0x108  }
0x21: {  	s3 =	sadd.s32 s3, s9;
	s6 =	sadd.s32 @!p0 $0x88, s6;
	s7 =	simm.s32 @p2 $0x1082  }
0x22: {  	[simem:s7], [sflag:s8] =	dma.local @!p0 [hbm:s6], $0xF7A  }
0x23: {  	s9 =	sor.u32 $0xD0000000, s2;
	s6 =	simm.s32 $0x108;
	_ =	swait.ge @!p0 [sflag:s8], $0x0  }
0x24: {  	s3 =	sadd.s32 $0x88, s3;
	s6 =	simm.s32 @!p1 $0x1082;
	[sflag:s4] =	ssyncset.s32 $0xFFFFF086  }
0x25: {  	[simem:s6], [sflag:s4] =	dma.local [hbm:s3], $0xF7A  }
0x26: {  	[smem:$0x3F9B] =	sst s1;
	(tag) =	ssettag s2;
	_ =	strace s9  }
0x27: {  	s1 =	sld [smem:$0x3FAB]  }
0x28: {  	s2 =	sld [smem:$0x3FAC]  }
0x29: {  	s4 =	sld [smem:$0x3FAE]  }
0x2a: {  	p0 =	seq.s32 s5, $0x0;
	s5 =	sld [smem:$0x3FAF]  }
0x2b: {  	s6 =	sld [smem:$0x3FB0]  }
0x2c: {  	s7 =	sld [smem:$0x3FB1]  }
0x2d: {  	s3 =	simm.s32 $0x108;
	s8 =	sld [smem:$0x3FB2]  }
0x2e: {  	s3 =	simm.s32 @!p0 $0x1082;
	s9 =	sld [smem:$0x3FB3]  }
0x2f: {  	lr =	sadd.s32 s0, s3;
	s0 =	sld [smem:$0x3FAA]  }
0x30: {  	s3 =	sld [smem:$0x3FAD]  }
0x31: {  	[smem:$0x3FB6] =	sst s10  }
0x32: {  	s10 =	sld [smem:$0x3FB4];
	_ =	sdelay $0x3  }
0x33: {  	p0 =	seq.s32 s10, $0x1;
	s10 =	sld [smem:$0x3FB6];
	_ =	sdelay $0x3  }
0x34: {  	[smem:$0x3FB6] =	sst s10  }
0x35: {  	s10 =	sld [smem:$0x3FB5];
	_ =	sdelay $0x3  }
0x36: {  	p1 =	seq.s32 s10, $0x1;
	s10 =	sld [smem:$0x3FB6];
	_ =	sdelay $0x3  }
0x37: {  	[smem:$0x3FB6] =	sst s10  }
0x38: {  	s10 =	sld [smem:$0x3FB7]  }
0x39: {  	_ = 	snop;
	(pc) =	sbr.ind lr, $3  }
0x3a: {  	_ = 	snop  }
0x3b: {  	_ = 	snop  }
0x3c: {  	p2 =	seq.s32 s10, $0x1;
	s10 =	sld [smem:$0x3FB6]  }
0x3d: {  	_ =	shalt  }
0x3e: {  	_ =	shalt  }
0x3f: {  	_ =	shalt  }
0x40: {  	_ =	shalt  }
0x41: {  	_ =	shalt  }
0x42: {  	_ =	shalt  }
0x43: {  	_ =	shalt  }
0x44: {  	_ =	shalt  }
0x45: {  	_ =	shalt  }
0x46: {  	_ =	shalt  }
0x47: {  	_ =	shalt  }
0x48: {  	_ =	shalt  }
0x49: {  	_ =	shalt  }
0x4a: {  	_ =	shalt  }
0x4b: {  	_ =	shalt  }
0x4c: {  	_ =	shalt  }
0x4d: {  	_ =	shalt  }
0x4e: {  	_ =	shalt  }
0x4f: {  	_ =	shalt  }
0x50: {  	_ =	shalt  }
0x51: {  	_ =	shalt  }
0x52: {  	_ =	shalt  }
0x53: {  	_ =	shalt  }
0x54: {  	_ =	shalt  }
0x55: {  	_ =	shalt  }
0x56: {  	_ =	shalt  }
0x57: {  	_ =	shalt  }
0x58: {  	_ =	shalt  }
0x59: {  	_ =	shalt  }
0x5a: {  	_ =	shalt  }
0x5b: {  	_ =	shalt  }
0x5c: {  	_ =	shalt  }
0x5d: {  	_ =	shalt  }
0x5e: {  	_ =	shalt  }
0x5f: {  	_ =	shalt  }
0x60: {  	_ =	shalt  }
0x61: {  	_ =	shalt  }
0x62: {  	_ =	shalt  }
0x63: {  	_ =	shalt  }
0x64: {  	_ =	shalt  }
0x65: {  	_ =	shalt  }
0x66: {  	_ =	shalt  }
0x67: {  	_ =	shalt  }
0x68: {  	_ =	shalt  }
0x69: {  	_ =	shalt  }
0x6a: {  	_ =	shalt  }
0x6b: {  	_ =	shalt  }
0x6c: {  	_ =	shalt  }
0x6d: {  	_ =	shalt  }
0x6e: {  	_ =	shalt  }
0x6f: {  	_ =	shalt  }
0x70: {  	_ =	shalt  }
0x71: {  	_ =	shalt  }
0x72: {  	_ =	shalt  }
0x73: {  	_ =	shalt  }
0x74: {  	_ =	shalt  }
0x75: {  	_ =	shalt  }
0x76: {  	_ =	shalt  }
0x77: {  	_ =	shalt  }
0x78: {  	_ =	shalt  }
0x79: {  	_ =	shalt  }
0x7a: {  	_ =	shalt  }
0x7b: {  	_ =	shalt  }
0x7c: {  	_ =	shalt  }
0x7d: {  	_ =	shalt  }
0x7e: {  	_ =	shalt  }
0x7f: {  	_ =	shalt  }
0x80: {  	_ =	shalt  }
0x81: {  	_ =	shalt  }
0x82: {  	_ =	shalt  }
0x83: {  	_ =	shalt  }
0x84: {  	_ =	shalt  }
0x85: {  	_ =	shalt  }
0x86: {  	_ =	shalt  }
0x87: {  	_ =	shalt  }
.Lfunc_end0:
.L_simem_size_0:
called_computation_lowered:
.L_overlay_start_0:
0x88: {  	s2 =	sld [smem:$0x3FD9]  }
0x89: {  	s3 =	sld [smem:$0x3FFE];
	_ =	sdelay $0x1  }
0x8a: {  	s1 =	srdreg.scid  }
0x8b: {  	s0 =	sand.u32 $0x1, s1  }
0x8c: {  	s17 =	sshll.u32 s0, $0xA;
	s2 =	sadd.s32 s3, s2  }
0x8d: {  	s2 =	sadd.s32 s2, s17  }
0x8e: {  	[smem:$0x3FC2] =	sst s2  }
0x8f: {  	_ = 	snop  }
0x90: {  	s2 =	sld [smem:$0x3FD0];
	(tm) =	ssettm $0x1  }
0x91: {  	s18 =	sld [smem:$0x3FFB];
	_ =	sdelay $0x3  }
0x92: {  	_ =	strace s18  }
0x93: {  	s3 =	sld [smem:$0x3FFC];
	_ =	sdelay $0x3  }
0x94: {  	_ =	strace s3  }
0x95: {  	s3 =	sld [smem:$0x3FFD];
	_ =	sdelay $0x3  }
0x96: {  	_ =	strace s3  }
0x97: {  	_ =	strace $0x8FFFFFFF  }
0x98: {  	s19 =	sld [smem:$0x3FDB];
	_ =	sdelay $0x1  }
0x99: {  	s4 =	simm.s32 $_scs_section_size  }
0x9a: {  	s5 =	simm.s32 $_size__tile_overlayer_lowered;
	s6 =	simm.s32 $_tile_overlayer_lowered  }
0x9b: {  	s22 =	simm.s32 $0x1BFF;
	s21 =	sshll.u32 s6, $0x1;
	s3 =	sadd.s32 s4, s19  }
0x9c: {  	s7 =	simm.s32 $0x0;
	s20 =	sshll.u32 s5, $0x1;
	s5 =	sadd.s32 s21, s3  }
0x9d: {  	[timem:s7], [sflag:s22] =	dma.local [hbm:s5], s20  }
0x9e: {  	_ =	swait.ge [sflag:s22], s20  }
0x9f: {  	s4 =	ssub.s32 $0x0, s20;
	[sflag:s22] =	ssyncset.done $0x0  }
0xa0: {  	[sflag:s22] =	ssyncadd.s32 s4;
	_ =	sdelay $0x1  }
0xa1: {  	s23 =	simm.s32 $0x1B8B  }
0xa2: {  	_ =	swait.ge [sflag:s23], $0x1  }
0xa3: {  	[sflag:s23] =	ssyncset.done $0x0  }
0xa4: {  	s25 =	simm.s32 $0x1B8E;
	s24 =	sld [smem:$0x3FFE];
	[sflag:s23] =	ssyncadd.s32 $0xFFFFFFFF  }
0xa5: {  	s26 =	simm.s32 $execute0_lowered;
	[smem:$0x3FD2] =	sst s25  }
0xa6: {  	s5 =	sshll.u32 s26, $0x1;
	_ =	strace $0x80000046;
	[dreg:$0x1] =	wrdreg $0xFFFFFFFF  }
0xa7: {  	s28 =	simm.s32 $_size_execute0_lowered;
	s3 =	sadd.s32 s3, s5;
	[dreg:$0x0] =	wrdreg $0x0  }
0xa8: {  	s5 =	sshll.u32 s28, $0x1;
	[dreg:$0x2] =	wrdreg s3  }
0xa9: {  	[dreg:$0x3] =	wrdreg s5  }
0xaa: {  	[dreg:$0x4] =	wrdreg $0xC0  }
0xab: {  	_ =	task [dreg:s7], $0x5FFFF  }
0xac: {  	[dreg:$0x1] =	wrdreg $0xFFFFFFFF  }
0xad: {  	[dreg:$0x0] =	wrdreg $0x60  }
0xae: {  	[dreg:$0x2] =	wrdreg s2  }
0xaf: {  	[dreg:$0x3] =	wrdreg s24  }
0xb0: {  	[dreg:$0x4] =	wrdreg $0x29E00  }
0xb1: {  	[dreg:$0x5] =	wrdreg $0x9  }
0xb2: {  	_ =	task.clear_ibuf [dreg:s7], $0x6FFFF;
	_ =	strace $0x90000046  }
0xb3: {  	s29 =	simm.s32 $0x9;
	_ =	strace $0x80000048  }
0xb4: {  	_ =	swait.ge [sflag:s29], $0x1  }
0xb5: {  	[sflag:s29] =	ssyncadd.s32 $0xFFFFFFFF  }
0xb6: {  	_ =	strace $0x90000048  }
0xb7: {  	_ =	sfence  }
0xb8: {  	s30 =	sld [smem:$0x0];
	_ =	sdelay $0x2  }
0xb9: {  	s31 =	sshll.u32 s1, $0xD;
	s1 =	sshrl.u32 s1, $0x2  }
0xba: {  	s3 =	sand.u32 $0x4000, s31;
	s1 =	sadd.s32 s1, s30  }
0xbb: {  	s0 =	sor.u32 s3, s0;
	s1 =	sshll.u32 s1, $0x11  }
0xbc: {  	s0 =	sor.u32 s1, s0  }
0xbd: {  	s0 =	sadd.s32 $0x8F2B, s0  }
0xbe: {  	[sflag:s0] =	ssyncadd.remote.s32 $0x1  }
0xbf: {  	_ =	sfence.sel $0xFFFF  }
0xc0: {  	[dreg:$0x0] =	wrdreg $0xFFFFFFFF;
	(pc) =	sbr.abs _section_cstart, $3  }
0xc1: {  	[dreg:$0x1] =	wrdreg $0xFFFFFFFF  }
0xc2: {  	_ =	task.clear_ibuf [dreg:s7], $0x2FFFF;
	_ =	strace $0x9FFFFFFF  }
0xc3: {  	(tm) =	ssettm $0x7FFFFFFF  }
tec
execute0_lowered:
.L_overlay_start_1:
0x0: {  	(tag) =	ssettag $0x1  }
0x1: {  	s5 =	rddreg [dreg:$0x0]  }
0x2: {  	s4 =	rddreg [dreg:$0x1];
	s1 =	srdreg.scid  }
0x3: {  	s0 =	stileid.u32;
	s2 =	rddreg [dreg:$0x2];
	s3 =	simm.s32 $0x0  }
0x4: {  	s11 =	simm.s32 $0x2710;
	s6 =	sand.u32 $0x1, s1;
	s1 =	rddreg [dreg:$0x3]  }
0x5: {  	s14 =	simm.s32 $0x0;
	s7 =	smul.u32 $0x280, s0;
	[smem:$0x7FF] =	sst s3  }
0x6: {  	s12 =	sshll.u32 s0, $0x6;
	s8 =	smul.u32 $0x2800, s6;
	s9 =	sshll.u32 s6, $0x4  }
0x7: {  	s6 =	ssub.s32 $0x2, s6;
	_ =	strace $0x80000047;
	s9 =	sor.u32 s0, s9  }
0x8: {  	s10 =	sshrl.u32 s6, $0x1;
	s8 =	sadd.s32 s7, s8;
	s9 =	smul.u32 $0x4E2, s9  }
0x9: {  	s12 =	sor.u32 $0x1C01, s12;
	s10 =	ssub.s32 s6, s10;
	s8 =	sshrl.u32 s8, $0x3  }
0xa: {  	s8 =	sadd.s32 s8, s4;
	s4 =	sadd.s32 s7, s2;
	s5 =	sadd.s32 s5, s9  }
0xb: {  	s7 =	smax.u32 s10, $0x1;
	s9 =	simm.s32 $0x1;
	s10 =	simm.s32 $0x50  }
0xc: {  	v0 =	vimm.f32 $1.000000000e+00;
	v1 =	vimm.f32 $0.0e+00;
	s6 =	sadd.s32 $0x2A00, s8;
	s8 =	simm.s32 $0x2760;
	s13 =	sshrl.u32 s4, $0x3  }
.LBB2_1:
0xd: {  	[tilespmem:$0x2710] =	vst v0  }
0xe: {  	[tilespmem:$0x2720] =	vst v0  }
0xf: {  	[tilespmem:$0x2730] =	vst v0  }
0x10: {  	[tilespmem:$0x2740] =	vst v0  }
0x11: {  	[tilespmem:$0x2750] =	vst v0  }
0x12: {  	[tilespmem:$0x2760] =	vst v1  }
0x13: {  	[tilespmem:$0x2770] =	vst v1  }
0x14: {  	[tilespmem:$0x2780] =	vst v1  }
0x15: {  	[tilespmem:$0x2790] =	vst v1  }
0x16: {  	[tilespmem:$0x27A0] =	vst v1  }
0x17: {  	[tilespmem:$0x27B0] =	vst v1  }
0x18: {  	[tilespmem:$0x27C0] =	vst v1  }
0x19: {  	[tilespmem:$0x27D0] =	vst v1  }
0x1a: {  	[tilespmem:$0x27E0] =	vst v1  }
0x1b: {  	[tilespmem:$0x27F0] =	vst v1  }
0x1c: {  	[tilespmem:$0x2800] =	vst v1  }
0x1d: {  	[tilespmem:$0x2810] =	vst v1  }
0x1e: {  	[tilespmem:$0x2820] =	vst v1  }
0x1f: {  	[tilespmem:$0x2830] =	vst v1  }
0x20: {  	[tilespmem:$0x2840] =	vst v1  }
0x21: {  	[tilespmem:$0x2850] =	vst v1  }
0x22: {  	[tilespmem:$0x2860] =	vst v1  }
0x23: {  	[tilespmem:$0x2870] =	vst v1  }
0x24: {  	[tilespmem:$0x2880] =	vst v1  }
0x25: {  	[tilespmem:$0x2890] =	vst v1  }
0x26: {  	[tilespmem:$0x28A0] =	vst v1  }
0x27: {  	[tilespmem:$0x28B0] =	vst v1  }
0x28: {  	[tilespmem:$0x28C0] =	vst v1  }
0x29: {  	[tilespmem:$0x28D0] =	vst v1  }
0x2a: {  	[tilespmem:$0x28E0] =	vst v1  }
0x2b: {  	[tilespmem:$0x28F0] =	vst v1  }
0x2c: {  	[tilespmem:$0x2900] =	vst v1  }
0x2d: {  	[tilespmem:$0x2910] =	vst v1  }
0x2e: {  	[tilespmem:$0x2920] =	vst v1  }
0x2f: {  	[tilespmem:$0x2930] =	vst v1  }
0x30: {  	[tilespmem:$0x2940] =	vst v1  }
0x31: {  	[tilespmem:$0x2950] =	vst v1  }
0x32: {  	[tilespmem:$0x2960] =	vst v1  }
0x33: {  	[tilespmem:$0x2970] =	vst v1  }
0x34: {  	[tilespmem:$0x2980] =	vst v1  }
0x35: {  	[tilespmem:$0x2990] =	vst v1  }
0x36: {  	[tilespmem:$0x29A0] =	vst v1  }
0x37: {  	[tilespmem:$0x29B0] =	vst v1  }
0x38: {  	[tilespmem:$0x29C0] =	vst v1  }
0x39: {  	[tilespmem:$0x29D0] =	vst v1  }
0x3a: {  	[spmem:s4] =	stream.linear.scatter [tilespmem:s8], [sflag:$0x1], $0x280, $0x38;
	[tilespmem:$0x2C60] =	vst v63  }
0x3b: {  	_ =	swait.ge [sflag:s9], $0x280  }
0x3c: {  	[sflag:s9] =	ssyncset.done $0x0  }
0x3d: {  	[sflag:s9] =	ssyncadd.s32 $0xFFFFFD80  }
0x3e: {  	[tilespmem:s3], [sflag:$0x1] =	stream.linear.gather [hbm4b:s5+s3], $0x2710, $0x38;
	[tilespmem:$0x2C60] =	vst v63  }
0x3f: {  	_ =	swait.ge [sflag:s9], $0x2710  }
0x40: {  	[sflag:s9] =	ssyncset.done $0x0  }
0x41: {  	[sflag:s9] =	ssyncadd.s32 $0xFFFFD8F0  }
0x42: {  	s15 =	simm.s32 $0x0;
	[bflag:$0x0] =	sbarrier.arrive $0xFFFF  }
0x43: {  	[spmem:s2] =	stream.indirect.scatter.add.f32 [tilespmem:s11], [sflag:$0x1], $0x1, s15, s10, $0xb8;
	[tilespmem:$0x2C60] =	vst v63  }
0x44: {  	_ =	swait.ge [sflag:s9], $0x50  }
0x45: {  	s15 =	simm.s32 $0x140;
	[sflag:s9] =	ssyncset.done $0x0  }
.LBB2_2:
0x46: {  	s16 =	sshra.s32 s15, $0x2;
	[sflag:s9] =	ssyncadd.s32 $0xFFFFFFB0;
	p0 =	sne.s32 s15, $0x9B00  }
0x47: {  	[spmem:s2] =	stream.indirect.scatter.add.f32 [tilespmem:s11], [sflag:$0x1], $0x1, s16, s10, $0xb8;
	[tilespmem:$0x2C60] =	vst v63  }
.Ltmp0:
0x48: {  	_ = 	snop;
	(pc) =	sbr.rel @p0 .LBB2_2-.Ltmp0, $4  }
0x49: {  	_ = 	snop  }
0x4a: {  	s15 =	sadd.s32 $0x140, s15  }
0x4b: {  	_ =	swait.ge [sflag:s9], $0x50  }
0x4c: {  	[sflag:s9] =	ssyncset.done $0x0  }
0x4d: {  	s14 =	sadd.s32 $0x1, s14  }
0x4e: {  	[sflag:s9] =	ssyncadd.s32 $0xFFFFFFB0;
	p0 =	sne.s32 s14, s7  }
.Ltmp1:
0x4f: {  	[bflag:$0x0] =	sbarrier.arrive $0xFFFF;
	(pc) =	sbr.rel @p0 .LBB2_1-.Ltmp1, $4  }
0x50: {  	[hbm:s6], [sflag:s12] =	dma.local [spmem:s13], $0x50  }
0x51: {  	_ =	swait.ge [sflag:s9], $0x50  }
0x52: {  	[sflag:s9] =	ssyncset.done $0x0  }
0x53: {  	[sflag:s9] =	ssyncadd.s32 $0xFFFFFFB0  }
0x54: {  	_ =	sfence.sel $0x180000  }
0x55: {  	[bflag:$0x0] =	sbarrier.arrive $0xFFFF  }
0x56: {  	p0 =	sne.s32 s0, $0x0;
	_ =	strace $0x90000047  }
0x57: {  	s0 =	sadd.s32 @!p0 $0x100000, s1;
	[bflag:$0x2] =	sbarrier.arrive $0xFFFF  }
0x58: {  	[sflag:s0] =	ssyncadd.tile.s32 @!p0 $0x1;
	_ =	shalt  }
.Lfunc_end2:
_tile_overlayer_lowered:
.L_overlay_start_2:
0x59: {  	(tag) =	ssettag $0x2  }
0x5a: {  	s0 =	rddreg [dreg:$0x0];
	s2 =	stileid.u32  }
0x5b: {  	s1 =	rddreg [dreg:$0x1];
	p0 =	sne.s32 s2, $0x0  }
0x5c: {  	s3 =	rddreg [dreg:$0x2];
	[bflag:$0x3] =	sbarrier.arrive $0xFFFF;
	s2 =	simm.s32 @!p0 $0x1C01  }
0x5d: {  	[timem:s3], [sflag:s2] =	dma.local @!p0 [hbm:s0], s1  }
0x5e: {  	s0 =	simm.s32 @!p0 $0x1  }
0x5f: {  	_ =	swait.ge @!p0 [sflag:s0], s1  }
0x60: {  	s1 =	ssub.s32 @!p0 $0x0, s1;
	[sflag:s0] =	ssyncset.done @!p0 $0x0  }
0x61: {  	[sflag:s0] =	ssyncadd.s32 @!p0 s1  }
0x62: {  	[bflag:$0x3] =	sbarrier.arrive $0xFFFF  }
0x63: {  	_ =	shalt  }

</sc_bundles>
